<compile_context>
chip_gen: v7x
topology: tpu7x:2x2x1
jax: 0.10.2.dev20260603
libtpu: 0.0.44.dev20260713+nightly
codegen_flags: <defaults>
</compile_context>

<pallas_src>
import jax
import jax.numpy as jnp
from jax import lax
from jax.experimental import pallas as pl
from jax.experimental.pallas import tpu as pltpu
from jax.experimental.pallas import tpu_sc as plsc

N = 10000
E = 320000
D = 128
B = 64

NC = 2
NS = 16
NW = NC * NS
EPW = E // NW
K = 125
NCHUNK = EPW // K
DEGW = 16
FT = 10
FR = N // FT
ZRA = 40

_sc_mesh = plsc.VectorSubcoreMesh(core_axis_name="c", subcore_axis_name="s")


def _deg_body(dst_hbm, ones_hbm, zeros_hbm, deg_hbm, dstv, onesv, degsh):
    cid = lax.axis_index("c")
    sid = lax.axis_index("s")
    wid = cid * NS + sid

    @pl.when(sid < FT)
    def _():
        pltpu.sync_copy(zeros_hbm, degsh.at[pl.ds(sid * FR, FR)])

    pltpu.sync_copy(dst_hbm.at[wid], dstv)
    pltpu.sync_copy(ones_hbm, onesv)
    plsc.subcore_barrier()

    def body(j, c):
        pltpu.sync_copy(onesv, degsh.at[dstv.at[j]], add=True)
        return c

    lax.fori_loop(0, NCHUNK, body, 0)
    plsc.subcore_barrier()

    @pl.when(sid < FT)
    def _():
        sl = pl.ds(sid * FR, FR)
        pltpu.sync_copy(degsh.at[sl], deg_hbm.at[cid, sl])


_deg_call = pl.kernel(
    _deg_body,
    out_type=jax.ShapeDtypeStruct((NC, N, DEGW), jnp.float32),
    mesh=_sc_mesh,
    scratch_types=[
        pltpu.VMEM((NCHUNK, K), jnp.int32),
        pltpu.VMEM((K, DEGW), jnp.float32),
        pltpu.VMEM_SHARED((N, DEGW), jnp.float32),
    ],
)


def _agg_body(y_hbm, src_hbm, dst_hbm, zeros_hbm, agg_hbm,
              srcv, dstv, buf, zbuf, aggsh):
    cid = lax.axis_index("c")
    sid = lax.axis_index("s")
    wid = cid * NS + sid

    @pl.when(sid < FT)
    def _():
        pltpu.sync_copy(zeros_hbm, zbuf)
        for t in range(FR // ZRA):
            pltpu.sync_copy(zbuf, aggsh.at[pl.ds(sid * FR + t * ZRA, ZRA)])

    pltpu.sync_copy(src_hbm.at[wid], srcv)
    pltpu.sync_copy(dst_hbm.at[wid], dstv)
    plsc.subcore_barrier()

    def body(j, c):
        pltpu.sync_copy(y_hbm.at[srcv.at[j]], buf)
        pltpu.sync_copy(buf, aggsh.at[dstv.at[j]], add=True)
        return c

    lax.fori_loop(0, NCHUNK, body, 0)
    plsc.subcore_barrier()

    @pl.when(sid < FT)
    def _():
        sl = pl.ds(sid * FR, FR)
        pltpu.sync_copy(aggsh.at[sl], agg_hbm.at[cid, sl])


_agg_call = pl.kernel(
    _agg_body,
    out_type=jax.ShapeDtypeStruct((NC, N, D), jnp.float32),
    mesh=_sc_mesh,
    scratch_types=[
        pltpu.VMEM((NCHUNK, K), jnp.int32),
        pltpu.VMEM((NCHUNK, K), jnp.int32),
        pltpu.VMEM((K, D), jnp.float32),
        pltpu.VMEM((ZRA, D), jnp.float32),
        pltpu.VMEM_SHARED((N, D), jnp.float32),
    ],
)


_R = 1000
_G = N // _R


def _dinv_of(deg_ref):
    return lax.rsqrt(jnp.sum(deg_ref[...], axis=(0, 2)) + 1.0)[:, None]


def _y1_body(deg_ref, x_ref, w_ref, y_ref):
    xw = jnp.dot(x_ref[...], w_ref[...], preferred_element_type=jnp.float32)
    y_ref[...] = xw * _dinv_of(deg_ref)


def _y1_call(deg, x, w1):
    return pl.pallas_call(
        _y1_body,
        grid=(_G,),
        in_specs=[
            pl.BlockSpec((NC, _R, DEGW), lambda i: (0, i, 0)),
            pl.BlockSpec((_R, D), lambda i: (i, 0)),
            pl.BlockSpec((D, D), lambda i: (0, 0)),
        ],
        out_specs=pl.BlockSpec((_R, D), lambda i: (i, 0)),
        out_shape=jax.ShapeDtypeStruct((N, D), jnp.float32),
    )(deg, x, w1)


def _y2_body(agg_ref, y1_ref, deg_ref, b1_ref, w2_ref, y2_ref):
    dinv = _dinv_of(deg_ref)
    a = agg_ref[0] + agg_ref[1] + y1_ref[...]
    h = jnp.maximum(a * dinv + b1_ref[...], 0.0)
    y2_ref[...] = jnp.dot(h, w2_ref[...],
                          preferred_element_type=jnp.float32) * dinv


def _y2_call(agg, y1, deg, b1, w2):
    return pl.pallas_call(
        _y2_body,
        grid=(_G,),
        in_specs=[
            pl.BlockSpec((NC, _R, D), lambda i: (0, i, 0)),
            pl.BlockSpec((_R, D), lambda i: (i, 0)),
            pl.BlockSpec((NC, _R, DEGW), lambda i: (0, i, 0)),
            pl.BlockSpec((D,), lambda i: (0,)),
            pl.BlockSpec((D, D), lambda i: (0, 0)),
        ],
        out_specs=pl.BlockSpec((_R, D), lambda i: (i, 0)),
        out_shape=jax.ShapeDtypeStruct((N, D), jnp.float32),
    )(agg, y1, deg, b1, w2)


def _final_body(agg_ref, y2_ref, deg_ref, b2_ref, batch_ref,
                wl1_ref, bl1_ref, wl2_ref, bl2_ref, out_ref, gsum, cnt):
    i = pl.program_id(0)

    @pl.when(i == 0)
    def _():
        gsum[...] = jnp.zeros_like(gsum)
        cnt[...] = jnp.zeros_like(cnt)

    dinv = _dinv_of(deg_ref)
    a = agg_ref[0] + agg_ref[1] + y2_ref[...]
    h = jnp.maximum(a * dinv + b2_ref[...], 0.0)
    onehot = (batch_ref[0, 0][:, None]
              == lax.broadcasted_iota(jnp.int32, (1, B), 1)
              ).astype(jnp.float32)
    gsum[...] += lax.dot_general(onehot, h, (((0,), (0,)), ((), ())),
                                 preferred_element_type=jnp.float32)
    cnt[...] += jnp.sum(onehot, axis=0)[None, :]

    @pl.when(i == pl.num_programs(0) - 1)
    def _():
        g = gsum[...] / jnp.maximum(cnt[...], 1.0)[0][:, None]
        g1 = jnp.maximum(
            jnp.dot(g, wl1_ref[...], preferred_element_type=jnp.float32)
            + bl1_ref[...], 0.0)
        out_ref[...] = (jnp.dot(g1, wl2_ref[...],
                                preferred_element_type=jnp.float32)
                        + bl2_ref[...])


def _final_call(agg, y2, deg, b2, batch, wl1, bl1, wl2, bl2):
    batch3 = batch.reshape(_G, 1, _R)
    return pl.pallas_call(
        _final_body,
        grid=(_G,),
        in_specs=[
            pl.BlockSpec((NC, _R, D), lambda i: (0, i, 0)),
            pl.BlockSpec((_R, D), lambda i: (i, 0)),
            pl.BlockSpec((NC, _R, DEGW), lambda i: (0, i, 0)),
            pl.BlockSpec((D,), lambda i: (0,)),
            pl.BlockSpec((1, 1, _R), lambda i: (i, 0, 0)),
            pl.BlockSpec((D, D), lambda i: (0, 0)),
            pl.BlockSpec((D,), lambda i: (0,)),
            pl.BlockSpec((D, D), lambda i: (0, 0)),
            pl.BlockSpec((D,), lambda i: (0,)),
        ],
        out_specs=pl.BlockSpec((B, D), lambda i: (0, 0)),
        out_shape=jax.ShapeDtypeStruct((B, D), jnp.float32),
        scratch_shapes=[
            pltpu.VMEM((B, D), jnp.float32),
            pltpu.VMEM((1, B), jnp.float32),
        ],
    )(agg, y2, deg, b2, batch3, wl1, bl1, wl2, bl2)


def kernel(x, edge_index, batch, W1, b1, W2, b2, Wl1, bl1, Wl2, bl2):
    src = edge_index[0].reshape(NW, NCHUNK, K)
    dst = edge_index[1].reshape(NW, NCHUNK, K)
    ones = jnp.ones((K, DEGW), jnp.float32)
    zeros_deg = jnp.zeros((FR, DEGW), jnp.float32)
    zeros_agg = jnp.zeros((ZRA, D), jnp.float32)

    deg = _deg_call(dst, ones, zeros_deg)
    y1 = _y1_call(deg, x, W1)
    agg1 = _agg_call(y1, src, dst, zeros_agg)
    y2 = _y2_call(agg1, y1, deg, b1, W2)
    agg2 = _agg_call(y2, src, dst, zeros_agg)
    return _final_call(agg2, y2, deg, b2, batch, Wl1, bl1, Wl2, bl2)

# --- scband reference (transcript-rebuilt; emitter-appended) ---
"""Pipeline reference for scband-improved-gcn-12034498363886 (READ-ONLY COPY).

The authoritative reference and input builder live on the scoring server;
editing this copy changes nothing except your own understanding.
"""

import jax, jax.numpy as jnp
import numpy as np

N = 10000
E = 320000
D_IN = 128
D_H = 128
D_OUT = 128
B = 64


def setup_inputs(seed: int = 0):
    key = jax.random.key(seed)
    ks = jax.random.split(key, 12)
    x = jax.random.normal(ks[0], (N, D_IN), dtype=jnp.float32)
    edge_index = jax.random.randint(ks[1], (2, E), 0, N, dtype=jnp.int32)
    batch = jnp.sort(jax.random.randint(ks[2], (N,), 0, B, dtype=jnp.int32))

    def lin(k, fan_in, fan_out):
        return jax.random.normal(k, (fan_in, fan_out), dtype=jnp.float32) / np.sqrt(fan_in)

    W1 = lin(ks[3], D_IN, D_H)
    b1 = jnp.zeros((D_H,), jnp.float32)
    W2 = lin(ks[4], D_H, D_H)
    b2 = jnp.zeros((D_H,), jnp.float32)
    Wl1 = lin(ks[5], D_H, D_H)
    bl1 = jnp.zeros((D_H,), jnp.float32)
    Wl2 = lin(ks[6], D_H, D_OUT)
    bl2 = jnp.zeros((D_OUT,), jnp.float32)
    return {"x": x, "edge_index": edge_index, "batch": batch,
            "W1": W1, "b1": b1, "W2": W2, "b2": b2,
            "Wl1": Wl1, "bl1": bl1, "Wl2": Wl2, "bl2": bl2}


def _gcn_conv(x, edge_index, W, b):
    # GCNConv: x' = D^{-1/2} (A + I) D^{-1/2} (x W) + b
    xw = x @ W
    loop = jnp.arange(N, dtype=edge_index.dtype)
    src = jnp.concatenate([edge_index[0], loop])
    dst = jnp.concatenate([edge_index[1], loop])
    ones = jnp.ones(src.shape[0], dtype=x.dtype)
    deg = jax.ops.segment_sum(ones, dst, num_segments=N)
    dinv = jnp.where(deg > 0, 1.0 / jnp.sqrt(deg), 0.0)
    norm = dinv[src] * dinv[dst]
    msg = xw[src] * norm[:, None]
    out = jax.ops.segment_sum(msg, dst, num_segments=N)
    return out + b


def _global_mean_pool(x, batch):
    sums = jax.ops.segment_sum(x, batch, num_segments=B)
    counts = jax.ops.segment_sum(jnp.ones((x.shape[0],), dtype=x.dtype), batch, num_segments=B)
    counts = jnp.clip(counts, 1.0, None)
    return sums / counts[:, None]


def reference(x, edge_index, batch, W1, b1, W2, b2, Wl1, bl1, Wl2, bl2):
    # dropout is identity in eval mode (deterministic reference)
    h = jax.nn.relu(_gcn_conv(x, edge_index, W1, b1))
    h = jax.nn.relu(_gcn_conv(h, edge_index, W2, b2))
    g = _global_mean_pool(h, batch)
    g = jax.nn.relu(g @ Wl1 + bl1)
    out = g @ Wl2 + bl2
    return out

if __name__ == "__main__":
    import jax
    _d = setup_inputs()
    print(jax.jit(kernel)(*tuple(_d.values())))

</pallas_src>

<mosaic_0001>
#map = affine_map<(d0, d1) -> (0, 0, 0)>
#map1 = affine_map<(d0, d1) -> (0, 0)>
module attributes {stable_mosaic.version = 14 : i64} {
  func.func @_deg_body(%arg0: i32, %arg1: i32, %arg2: memref<32x80x125xi32, #tpu.memory_space<hbm>>, %arg3: memref<125x16xf32, #tpu.memory_space<hbm>>, %arg4: memref<1000x16xf32, #tpu.memory_space<hbm>>, %arg5: memref<2x10000x16xf32, #tpu.memory_space<hbm>>, %arg6: memref<80x125xi32, #tpu.memory_space<vmem>>, %arg7: memref<125x16xf32, #tpu.memory_space<vmem>>, %arg8: memref<10000x16xf32, #tpu.memory_space<vmem_shared>>) attributes {dimension_semantics = [#tpu.dimension_semantics<core_parallel>, #tpu.dimension_semantics<subcore_parallel>], iteration_bounds = array<i64: 2, 16>, scalar_prefetch = 0 : i64, scratch_operands = 3 : i64, tpu.core_type = #tpu.core_type<sc_vector_subcore>, window_params = [{transform_indices = #map}, {transform_indices = #map1}, {transform_indices = #map1}, {transform_indices = #map}]} {
    %mul3A = arith.constant 16 : i32
    %mul3A_0 = arith.muli %arg0, %mul3A : i32
    %add3A = arith.addi %mul3A_0, %arg1 : i32
    %lt3A = arith.constant 10 : i32
    %lt3A_1 = arith.cmpi slt, %arg1, %lt3A : i32
    %convert_element_type3A = arith.extui %lt3A_1 : i1 to i32
    %cond3A = arith.constant 0 : i32
    %cond3A_2 = arith.cmpi ne, %convert_element_type3A, %cond3A : i32
    scf.if %cond3A_2 {
      %mul3A_14 = arith.constant 1000 : i32
      %mul3A_15 = arith.muli %arg1, %mul3A_14 : i32
      "tpu.region"() ({
        %run_scoped3A = tpu.sem_alloc : memref<!tpu.dma_semaphore, #tpu.memory_space<semaphore_mem>>
        %dma_start3A = arith.constant 0 : i32
        %dma_start3A_16 = tpu.memref_slice %arg8[%mul3A_15, %dma_start3A] : memref<10000x16xf32, #tpu.memory_space<vmem_shared>> -> memref<1000x16xf32, #tpu.memory_space<vmem_shared>>
        tpu.enqueue_dma source(%arg4 : memref<1000x16xf32, #tpu.memory_space<hbm>>) target(%dma_start3A_16 : memref<1000x16xf32, #tpu.memory_space<vmem_shared>>) target_semaphore(%run_scoped3A : memref<!tpu.dma_semaphore, #tpu.memory_space<semaphore_mem>>)
        %dma_wait3A = arith.constant 0 : i32
        %dma_wait3A_17 = tpu.memref_slice %arg8[%mul3A_15, %dma_wait3A] : memref<10000x16xf32, #tpu.memory_space<vmem_shared>> -> memref<1000x16xf32, #tpu.memory_space<vmem_shared>>
        tpu.wait_dma2 semaphore(%run_scoped3A : memref<!tpu.dma_semaphore, #tpu.memory_space<semaphore_mem>>) src(%arg4 : memref<1000x16xf32, #tpu.memory_space<hbm>>) dst(%dma_wait3A_17 : memref<1000x16xf32, #tpu.memory_space<vmem_shared>>)
        tpu.yield
      }) : () -> ()
    } else {
    }
    "tpu.region"() ({
      %run_scoped3A = tpu.sem_alloc : memref<!tpu.dma_semaphore, #tpu.memory_space<semaphore_mem>>
      %dma_start3A = arith.constant 0 : i32
      %dma_start3A_14 = arith.constant 0 : i32
      %dma_start3A_15 = tpu.memref_slice %arg2[%add3A, %dma_start3A, %dma_start3A_14] : memref<32x80x125xi32, #tpu.memory_space<hbm>> -> memref<1x80x125xi32, #tpu.memory_space<hbm>>
      %dma_start3A_16 = tpu.memref_squeeze %dma_start3A_15 : memref<1x80x125xi32, #tpu.memory_space<hbm>> -> memref<80x125xi32, #tpu.memory_space<hbm>>
      %dma_start3A_17 = arith.constant 0 : i32
      %dma_start3A_18 = arith.constant 0 : i32
      %dma_start3A_19 = tpu.memref_slice %arg2[%add3A, %dma_start3A_17, %dma_start3A_18] : memref<32x80x125xi32, #tpu.memory_space<hbm>> -> memref<1x80x125xi32, #tpu.memory_space<hbm>>
      %dma_start3A_20 = tpu.memref_squeeze %dma_start3A_19 : memref<1x80x125xi32, #tpu.memory_space<hbm>> -> memref<80x125xi32, #tpu.memory_space<hbm>>
      tpu.enqueue_dma source(%dma_start3A_20 : memref<80x125xi32, #tpu.memory_space<hbm>>) target(%arg6 : memref<80x125xi32, #tpu.memory_space<vmem>>) target_semaphore(%run_scoped3A : memref<!tpu.dma_semaphore, #tpu.memory_space<semaphore_mem>>)
      %dma_wait3A = arith.constant 0 : i32
      %dma_wait3A_21 = arith.constant 0 : i32
      %dma_wait3A_22 = tpu.memref_slice %arg2[%add3A, %dma_wait3A, %dma_wait3A_21] : memref<32x80x125xi32, #tpu.memory_space<hbm>> -> memref<1x80x125xi32, #tpu.memory_space<hbm>>
      %dma_wait3A_23 = tpu.memref_squeeze %dma_wait3A_22 : memref<1x80x125xi32, #tpu.memory_space<hbm>> -> memref<80x125xi32, #tpu.memory_space<hbm>>
      %dma_wait3A_24 = arith.constant 0 : i32
      %dma_wait3A_25 = arith.constant 0 : i32
      %dma_wait3A_26 = tpu.memref_slice %arg2[%add3A, %dma_wait3A_24, %dma_wait3A_25] : memref<32x80x125xi32, #tpu.memory_space<hbm>> -> memref<1x80x125xi32, #tpu.memory_space<hbm>>
      %dma_wait3A_27 = tpu.memref_squeeze %dma_wait3A_26 : memref<1x80x125xi32, #tpu.memory_space<hbm>> -> memref<80x125xi32, #tpu.memory_space<hbm>>
      tpu.wait_dma2 semaphore(%run_scoped3A : memref<!tpu.dma_semaphore, #tpu.memory_space<semaphore_mem>>) src(%dma_wait3A_27 : memref<80x125xi32, #tpu.memory_space<hbm>>) dst(%arg6 : memref<80x125xi32, #tpu.memory_space<vmem>>)
      tpu.yield
    }) : () -> ()
    "tpu.region"() ({
      %run_scoped3A = tpu.sem_alloc : memref<!tpu.dma_semaphore, #tpu.memory_space<semaphore_mem>>
      tpu.enqueue_dma source(%arg3 : memref<125x16xf32, #tpu.memory_space<hbm>>) target(%arg7 : memref<125x16xf32, #tpu.memory_space<vmem>>) target_semaphore(%run_scoped3A : memref<!tpu.dma_semaphore, #tpu.memory_space<semaphore_mem>>)
      tpu.wait_dma2 semaphore(%run_scoped3A : memref<!tpu.dma_semaphore, #tpu.memory_space<semaphore_mem>>) src(%arg3 : memref<125x16xf32, #tpu.memory_space<hbm>>) dst(%arg7 : memref<125x16xf32, #tpu.memory_space<vmem>>)
      tpu.yield
    }) : () -> ()
    %barrier3A = arith.constant 0 : index
    tpu.barrier barrier_id(%barrier3A)
    %scan3A = arith.constant 0 : i32
    %scan3A_3 = arith.constant 0 : i32
    %scan3A_4 = arith.constant 80 : i32
    %scan3A_5 = arith.addi %scan3A_3, %scan3A_4 : i32
    %scan3A_6 = arith.constant 1 : i32
    scf.for %scan3A_14 = %scan3A_3 to %scan3A_5 step %scan3A_6  : i32 {
      "tpu.region"() ({
        %run_scoped3A = tpu.sem_alloc : memref<!tpu.dma_semaphore, #tpu.memory_space<semaphore_mem>>
        %dma_start3A = arith.constant 0 : i32
        %dma_start3A_15 = tpu.memref_slice %arg6[%scan3A_14, %dma_start3A] : memref<80x125xi32, #tpu.memory_space<vmem>> -> memref<1x125xi32, #tpu.memory_space<vmem>>
        %dma_start3A_16 = tpu.memref_squeeze %dma_start3A_15 : memref<1x125xi32, #tpu.memory_space<vmem>> -> memref<125xi32, #tpu.memory_space<vmem>>
        %dma_start3A_17 = arith.constant 0 : i32
        %dma_start3A_18 = arith.constant 0 : i32
        %dma_start3A_19 = tpu.memref_slice %arg8[%dma_start3A_17, %dma_start3A_18] : memref<10000x16xf32, #tpu.memory_space<vmem_shared>> -> memref<10000x16xf32, #tpu.memory_space<vmem_shared>>
        tpu.enqueue_indirect_dma source(%arg7 : memref<125x16xf32, #tpu.memory_space<vmem>>) target(%dma_start3A_19 : memref<10000x16xf32, #tpu.memory_space<vmem_shared>>) offsets(%dma_start3A_16 : memref<125xi32, #tpu.memory_space<vmem>>) semaphore(%run_scoped3A : memref<!tpu.dma_semaphore, #tpu.memory_space<semaphore_mem>>) {add = true}
        %dma_wait3A = arith.constant 0 : i32
        %dma_wait3A_20 = tpu.memref_slice %arg6[%scan3A_14, %dma_wait3A] : memref<80x125xi32, #tpu.memory_space<vmem>> -> memref<1x125xi32, #tpu.memory_space<vmem>>
        %dma_wait3A_21 = tpu.memref_squeeze %dma_wait3A_20 : memref<1x125xi32, #tpu.memory_space<vmem>> -> memref<125xi32, #tpu.memory_space<vmem>>
        %dma_wait3A_22 = arith.constant 0 : i32
        %dma_wait3A_23 = arith.constant 0 : i32
        %dma_wait3A_24 = tpu.memref_slice %arg8[%dma_wait3A_22, %dma_wait3A_23] : memref<10000x16xf32, #tpu.memory_space<vmem_shared>> -> memref<10000x16xf32, #tpu.memory_space<vmem_shared>>
        tpu.wait_indirect_dma semaphore(%run_scoped3A : memref<!tpu.dma_semaphore, #tpu.memory_space<semaphore_mem>>) src(%arg7 : memref<125x16xf32, #tpu.memory_space<vmem>>) dst(%dma_wait3A_24 : memref<10000x16xf32, #tpu.memory_space<vmem_shared>>)
        tpu.yield
      }) : () -> ()
    }
    %scan3A_7 = arith.constant 80 : i32
    %barrier3A_8 = arith.constant 0 : index
    tpu.barrier barrier_id(%barrier3A_8)
    %lt3A_9 = arith.constant 10 : i32
    %lt3A_10 = arith.cmpi slt, %arg1, %lt3A_9 : i32
    %convert_element_type3A_11 = arith.extui %lt3A_10 : i1 to i32
    %cond3A_12 = arith.constant 0 : i32
    %cond3A_13 = arith.cmpi ne, %convert_element_type3A_11, %cond3A_12 : i32
    scf.if %cond3A_13 {
      %mul3A_14 = arith.constant 1000 : i32
      %mul3A_15 = arith.muli %arg1, %mul3A_14 : i32
      "tpu.region"() ({
        %run_scoped3A = tpu.sem_alloc : memref<!tpu.dma_semaphore, #tpu.memory_space<semaphore_mem>>
        %dma_start3A = arith.constant 0 : i32
        %dma_start3A_16 = tpu.memref_slice %arg5[%arg0, %mul3A_15, %dma_start3A] : memref<2x10000x16xf32, #tpu.memory_space<hbm>> -> memref<1x1000x16xf32, #tpu.memory_space<hbm>>
        %dma_start3A_17 = tpu.memref_squeeze %dma_start3A_16 : memref<1x1000x16xf32, #tpu.memory_space<hbm>> -> memref<1000x16xf32, #tpu.memory_space<hbm>>
        %dma_start3A_18 = arith.constant 0 : i32
        %dma_start3A_19 = tpu.memref_slice %arg8[%mul3A_15, %dma_start3A_18] : memref<10000x16xf32, #tpu.memory_space<vmem_shared>> -> memref<1000x16xf32, #tpu.memory_space<vmem_shared>>
        tpu.enqueue_dma source(%dma_start3A_19 : memref<1000x16xf32, #tpu.memory_space<vmem_shared>>) target(%dma_start3A_17 : memref<1000x16xf32, #tpu.memory_space<hbm>>) target_semaphore(%run_scoped3A : memref<!tpu.dma_semaphore, #tpu.memory_space<semaphore_mem>>)
        %dma_wait3A = arith.constant 0 : i32
        %dma_wait3A_20 = tpu.memref_slice %arg5[%arg0, %mul3A_15, %dma_wait3A] : memref<2x10000x16xf32, #tpu.memory_space<hbm>> -> memref<1x1000x16xf32, #tpu.memory_space<hbm>>
        %dma_wait3A_21 = tpu.memref_squeeze %dma_wait3A_20 : memref<1x1000x16xf32, #tpu.memory_space<hbm>> -> memref<1000x16xf32, #tpu.memory_space<hbm>>
        %dma_wait3A_22 = arith.constant 0 : i32
        %dma_wait3A_23 = tpu.memref_slice %arg8[%mul3A_15, %dma_wait3A_22] : memref<10000x16xf32, #tpu.memory_space<vmem_shared>> -> memref<1000x16xf32, #tpu.memory_space<vmem_shared>>
        tpu.wait_dma2 semaphore(%run_scoped3A : memref<!tpu.dma_semaphore, #tpu.memory_space<semaphore_mem>>) src(%dma_wait3A_23 : memref<1000x16xf32, #tpu.memory_space<vmem_shared>>) dst(%dma_wait3A_21 : memref<1000x16xf32, #tpu.memory_space<hbm>>)
        tpu.yield
      }) : () -> ()
    } else {
    }
    return
  }
}

#map = affine_map<(d0, d1) -> (0, 0)>
#map1 = affine_map<(d0, d1) -> (0, 0, 0)>
module attributes {stable_mosaic.version = 14 : i64} {
  func.func @_agg_body(%arg0: i32, %arg1: i32, %arg2: memref<10000x128xf32, #tpu.memory_space<hbm>>, %arg3: memref<32x80x125xi32, #tpu.memory_space<hbm>>, %arg4: memref<32x80x125xi32, #tpu.memory_space<hbm>>, %arg5: memref<40x128xf32, #tpu.memory_space<hbm>>, %arg6: memref<2x10000x128xf32, #tpu.memory_space<hbm>>, %arg7: memref<80x125xi32, #tpu.memory_space<vmem>>, %arg8: memref<80x125xi32, #tpu.memory_space<vmem>>, %arg9: memref<125x128xf32, #tpu.memory_space<vmem>>, %arg10: memref<40x128xf32, #tpu.memory_space<vmem>>, %arg11: memref<10000x128xf32, #tpu.memory_space<vmem_shared>>) attributes {dimension_semantics = [#tpu.dimension_semantics<core_parallel>, #tpu.dimension_semantics<subcore_parallel>], iteration_bounds = array<i64: 2, 16>, scalar_prefetch = 0 : i64, scratch_operands = 5 : i64, tpu.core_type = #tpu.core_type<sc_vector_subcore>, window_params = [{transform_indices = #map}, {transform_indices = #map1}, {transform_indices = #map1}, {transform_indices = #map}, {transform_indices = #map1}]} {
    %mul3A = arith.constant 16 : i32
    %mul3A_0 = arith.muli %arg0, %mul3A : i32
    %add3A = arith.addi %mul3A_0, %arg1 : i32
    %lt3A = arith.constant 10 : i32
    %lt3A_1 = arith.cmpi slt, %arg1, %lt3A : i32
    %convert_element_type3A = arith.extui %lt3A_1 : i1 to i32
    %cond3A = arith.constant 0 : i32
    %cond3A_2 = arith.cmpi ne, %convert_element_type3A, %cond3A : i32
    scf.if %cond3A_2 {
      "tpu.region"() ({
        %run_scoped3A = tpu.sem_alloc : memref<!tpu.dma_semaphore, #tpu.memory_space<semaphore_mem>>
        tpu.enqueue_dma source(%arg5 : memref<40x128xf32, #tpu.memory_space<hbm>>) target(%arg10 : memref<40x128xf32, #tpu.memory_space<vmem>>) target_semaphore(%run_scoped3A : memref<!tpu.dma_semaphore, #tpu.memory_space<semaphore_mem>>)
        tpu.wait_dma2 semaphore(%run_scoped3A : memref<!tpu.dma_semaphore, #tpu.memory_space<semaphore_mem>>) src(%arg5 : memref<40x128xf32, #tpu.memory_space<hbm>>) dst(%arg10 : memref<40x128xf32, #tpu.memory_space<vmem>>)
        tpu.yield
      }) : () -> ()
      %mul3A_14 = arith.constant 1000 : i32
      %mul3A_15 = arith.muli %arg1, %mul3A_14 : i32
      %add3A_16 = arith.constant 0 : i32
      %add3A_17 = arith.addi %mul3A_15, %add3A_16 : i32
      "tpu.region"() ({
        %run_scoped3A = tpu.sem_alloc : memref<!tpu.dma_semaphore, #tpu.memory_space<semaphore_mem>>
        %dma_start3A = arith.constant 0 : i32
        %dma_start3A_114 = tpu.memref_slice %arg11[%add3A_17, %dma_start3A] : memref<10000x128xf32, #tpu.memory_space<vmem_shared>> -> memref<40x128xf32, #tpu.memory_space<vmem_shared>>
        %dma_start3A_115 = arith.constant 0 : i32
        %dma_start3A_116 = tpu.memref_slice %arg11[%add3A_17, %dma_start3A_115] : memref<10000x128xf32, #tpu.memory_space<vmem_shared>> -> memref<40x128xf32, #tpu.memory_space<vmem_shared>>
        tpu.enqueue_dma source(%arg10 : memref<40x128xf32, #tpu.memory_space<vmem>>) target(%dma_start3A_116 : memref<40x128xf32, #tpu.memory_space<vmem_shared>>) target_semaphore(%run_scoped3A : memref<!tpu.dma_semaphore, #tpu.memory_space<semaphore_mem>>)
        %dma_wait3A = arith.constant 0 : i32
        %dma_wait3A_117 = tpu.memref_slice %arg11[%add3A_17, %dma_wait3A] : memref<10000x128xf32, #tpu.memory_space<vmem_shared>> -> memref<40x128xf32, #tpu.memory_space<vmem_shared>>
        %dma_wait3A_118 = arith.constant 0 : i32
        %dma_wait3A_119 = tpu.memref_slice %arg11[%add3A_17, %dma_wait3A_118] : memref<10000x128xf32, #tpu.memory_space<vmem_shared>> -> memref<40x128xf32, #tpu.memory_space<vmem_shared>>
        tpu.wait_dma2 semaphore(%run_scoped3A : memref<!tpu.dma_semaphore, #tpu.memory_space<semaphore_mem>>) src(%arg10 : memref<40x128xf32, #tpu.memory_space<vmem>>) dst(%dma_wait3A_119 : memref<40x128xf32, #tpu.memory_space<vmem_shared>>)
        tpu.yield
      }) : () -> ()
      %mul3A_18 = arith.constant 1000 : i32
      %mul3A_19 = arith.muli %arg1, %mul3A_18 : i32
      %add3A_20 = arith.constant 40 : i32
      %add3A_21 = arith.addi %mul3A_19, %add3A_20 : i32
      "tpu.region"() ({
        %run_scoped3A = tpu.sem_alloc : memref<!tpu.dma_semaphore, #tpu.memory_space<semaphore_mem>>
        %dma_start3A = arith.constant 0 : i32
        %dma_start3A_114 = tpu.memref_slice %arg11[%add3A_21, %dma_start3A] : memref<10000x128xf32, #tpu.memory_space<vmem_shared>> -> memref<40x128xf32, #tpu.memory_space<vmem_shared>>
        %dma_start3A_115 = arith.constant 0 : i32
        %dma_start3A_116 = tpu.memref_slice %arg11[%add3A_21, %dma_start3A_115] : memref<10000x128xf32, #tpu.memory_space<vmem_shared>> -> memref<40x128xf32, #tpu.memory_space<vmem_shared>>
        tpu.enqueue_dma source(%arg10 : memref<40x128xf32, #tpu.memory_space<vmem>>) target(%dma_start3A_116 : memref<40x128xf32, #tpu.memory_space<vmem_shared>>) target_semaphore(%run_scoped3A : memref<!tpu.dma_semaphore, #tpu.memory_space<semaphore_mem>>)
        %dma_wait3A = arith.constant 0 : i32
        %dma_wait3A_117 = tpu.memref_slice %arg11[%add3A_21, %dma_wait3A] : memref<10000x128xf32, #tpu.memory_space<vmem_shared>> -> memref<40x128xf32, #tpu.memory_space<vmem_shared>>
        %dma_wait3A_118 = arith.constant 0 : i32
        %dma_wait3A_119 = tpu.memref_slice %arg11[%add3A_21, %dma_wait3A_118] : memref<10000x128xf32, #tpu.memory_space<vmem_shared>> -> memref<40x128xf32, #tpu.memory_space<vmem_shared>>
        tpu.wait_dma2 semaphore(%run_scoped3A : memref<!tpu.dma_semaphore, #tpu.memory_space<semaphore_mem>>) src(%arg10 : memref<40x128xf32, #tpu.memory_space<vmem>>) dst(%dma_wait3A_119 : memref<40x128xf32, #tpu.memory_space<vmem_shared>>)
        tpu.yield
      }) : () -> ()
      %mul3A_22 = arith.constant 1000 : i32
      %mul3A_23 = arith.muli %arg1, %mul3A_22 : i32
      %add3A_24 = arith.constant 80 : i32
      %add3A_25 = arith.addi %mul3A_23, %add3A_24 : i32
      "tpu.region"() ({
        %run_scoped3A = tpu.sem_alloc : memref<!tpu.dma_semaphore, #tpu.memory_space<semaphore_mem>>
        %dma_start3A = arith.constant 0 : i32
        %dma_start3A_114 = tpu.memref_slice %arg11[%add3A_25, %dma_start3A] : memref<10000x128xf32, #tpu.memory_space<vmem_shared>> -> memref<40x128xf32, #tpu.memory_space<vmem_shared>>
        %dma_start3A_115 = arith.constant 0 : i32
        %dma_start3A_116 = tpu.memref_slice %arg11[%add3A_25, %dma_start3A_115] : memref<10000x128xf32, #tpu.memory_space<vmem_shared>> -> memref<40x128xf32, #tpu.memory_space<vmem_shared>>
        tpu.enqueue_dma source(%arg10 : memref<40x128xf32, #tpu.memory_space<vmem>>) target(%dma_start3A_116 : memref<40x128xf32, #tpu.memory_space<vmem_shared>>) target_semaphore(%run_scoped3A : memref<!tpu.dma_semaphore, #tpu.memory_space<semaphore_mem>>)
        %dma_wait3A = arith.constant 0 : i32
        %dma_wait3A_117 = tpu.memref_slice %arg11[%add3A_25, %dma_wait3A] : memref<10000x128xf32, #tpu.memory_space<vmem_shared>> -> memref<40x128xf32, #tpu.memory_space<vmem_shared>>
        %dma_wait3A_118 = arith.constant 0 : i32
        %dma_wait3A_119 = tpu.memref_slice %arg11[%add3A_25, %dma_wait3A_118] : memref<10000x128xf32, #tpu.memory_space<vmem_shared>> -> memref<40x128xf32, #tpu.memory_space<vmem_shared>>
        tpu.wait_dma2 semaphore(%run_scoped3A : memref<!tpu.dma_semaphore, #tpu.memory_space<semaphore_mem>>) src(%arg10 : memref<40x128xf32, #tpu.memory_space<vmem>>) dst(%dma_wait3A_119 : memref<40x128xf32, #tpu.memory_space<vmem_shared>>)
        tpu.yield
      }) : () -> ()
      %mul3A_26 = arith.constant 1000 : i32
      %mul3A_27 = arith.muli %arg1, %mul3A_26 : i32
      %add3A_28 = arith.constant 120 : i32
      %add3A_29 = arith.addi %mul3A_27, %add3A_28 : i32
      "tpu.region"() ({
        %run_scoped3A = tpu.sem_alloc : memref<!tpu.dma_semaphore, #tpu.memory_space<semaphore_mem>>
        %dma_start3A = arith.constant 0 : i32
        %dma_start3A_114 = tpu.memref_slice %arg11[%add3A_29, %dma_start3A] : memref<10000x128xf32, #tpu.memory_space<vmem_shared>> -> memref<40x128xf32, #tpu.memory_space<vmem_shared>>
        %dma_start3A_115 = arith.constant 0 : i32
        %dma_start3A_116 = tpu.memref_slice %arg11[%add3A_29, %dma_start3A_115] : memref<10000x128xf32, #tpu.memory_space<vmem_shared>> -> memref<40x128xf32, #tpu.memory_space<vmem_shared>>
        tpu.enqueue_dma source(%arg10 : memref<40x128xf32, #tpu.memory_space<vmem>>) target(%dma_start3A_116 : memref<40x128xf32, #tpu.memory_space<vmem_shared>>) target_semaphore(%run_scoped3A : memref<!tpu.dma_semaphore, #tpu.memory_space<semaphore_mem>>)
        %dma_wait3A = arith.constant 0 : i32
        %dma_wait3A_117 = tpu.memref_slice %arg11[%add3A_29, %dma_wait3A] : memref<10000x128xf32, #tpu.memory_space<vmem_shared>> -> memref<40x128xf32, #tpu.memory_space<vmem_shared>>
        %dma_wait3A_118 = arith.constant 0 : i32
        %dma_wait3A_119 = tpu.memref_slice %arg11[%add3A_29, %dma_wait3A_118] : memref<10000x128xf32, #tpu.memory_space<vmem_shared>> -> memref<40x128xf32, #tpu.memory_space<vmem_shared>>
        tpu.wait_dma2 semaphore(%run_scoped3A : memref<!tpu.dma_semaphore, #tpu.memory_space<semaphore_mem>>) src(%arg10 : memref<40x128xf32, #tpu.memory_space<vmem>>) dst(%dma_wait3A_119 : memref<40x128xf32, #tpu.memory_space<vmem_shared>>)
        tpu.yield
      }) : () -> ()
      %mul3A_30 = arith.constant 1000 : i32
      %mul3A_31 = arith.muli %arg1, %mul3A_30 : i32
      %add3A_32 = arith.constant 160 : i32
      %add3A_33 = arith.addi %mul3A_31, %add3A_32 : i32
      "tpu.region"() ({
        %run_scoped3A = tpu.sem_alloc : memref<!tpu.dma_semaphore, #tpu.memory_space<semaphore_mem>>
        %dma_start3A = arith.constant 0 : i32
        %dma_start3A_114 = tpu.memref_slice %arg11[%add3A_33, %dma_start3A] : memref<10000x128xf32, #tpu.memory_space<vmem_shared>> -> memref<40x128xf32, #tpu.memory_space<vmem_shared>>
        %dma_start3A_115 = arith.constant 0 : i32
        %dma_start3A_116 = tpu.memref_slice %arg11[%add3A_33, %dma_start3A_115] : memref<10000x128xf32, #tpu.memory_space<vmem_shared>> -> memref<40x128xf32, #tpu.memory_space<vmem_shared>>
        tpu.enqueue_dma source(%arg10 : memref<40x128xf32, #tpu.memory_space<vmem>>) target(%dma_start3A_116 : memref<40x128xf32, #tpu.memory_space<vmem_shared>>) target_semaphore(%run_scoped3A : memref<!tpu.dma_semaphore, #tpu.memory_space<semaphore_mem>>)
        %dma_wait3A = arith.constant 0 : i32
        %dma_wait3A_117 = tpu.memref_slice %arg11[%add3A_33, %dma_wait3A] : memref<10000x128xf32, #tpu.memory_space<vmem_shared>> -> memref<40x128xf32, #tpu.memory_space<vmem_shared>>
        %dma_wait3A_118 = arith.constant 0 : i32
        %dma_wait3A_119 = tpu.memref_slice %arg11[%add3A_33, %dma_wait3A_118] : memref<10000x128xf32, #tpu.memory_space<vmem_shared>> -> memref<40x128xf32, #tpu.memory_space<vmem_shared>>
        tpu.wait_dma2 semaphore(%run_scoped3A : memref<!tpu.dma_semaphore, #tpu.memory_space<semaphore_mem>>) src(%arg10 : memref<40x128xf32, #tpu.memory_space<vmem>>) dst(%dma_wait3A_119 : memref<40x128xf32, #tpu.memory_space<vmem_shared>>)
        tpu.yield
      }) : () -> ()
      %mul3A_34 = arith.constant 1000 : i32
      %mul3A_35 = arith.muli %arg1, %mul3A_34 : i32
      %add3A_36 = arith.constant 200 : i32
      %add3A_37 = arith.addi %mul3A_35, %add3A_36 : i32
      "tpu.region"() ({
        %run_scoped3A = tpu.sem_alloc : memref<!tpu.dma_semaphore, #tpu.memory_space<semaphore_mem>>
        %dma_start3A = arith.constant 0 : i32
        %dma_start3A_114 = tpu.memref_slice %arg11[%add3A_37, %dma_start3A] : memref<10000x128xf32, #tpu.memory_space<vmem_shared>> -> memref<40x128xf32, #tpu.memory_space<vmem_shared>>
        %dma_start3A_115 = arith.constant 0 : i32
        %dma_start3A_116 = tpu.memref_slice %arg11[%add3A_37, %dma_start3A_115] : memref<10000x128xf32, #tpu.memory_space<vmem_shared>> -> memref<40x128xf32, #tpu.memory_space<vmem_shared>>
        tpu.enqueue_dma source(%arg10 : memref<40x128xf32, #tpu.memory_space<vmem>>) target(%dma_start3A_116 : memref<40x128xf32, #tpu.memory_space<vmem_shared>>) target_semaphore(%run_scoped3A : memref<!tpu.dma_semaphore, #tpu.memory_space<semaphore_mem>>)
        %dma_wait3A = arith.constant 0 : i32
        %dma_wait3A_117 = tpu.memref_slice %arg11[%add3A_37, %dma_wait3A] : memref<10000x128xf32, #tpu.memory_space<vmem_shared>> -> memref<40x128xf32, #tpu.memory_space<vmem_shared>>
        %dma_wait3A_118 = arith.constant 0 : i32
        %dma_wait3A_119 = tpu.memref_slice %arg11[%add3A_37, %dma_wait3A_118] : memref<10000x128xf32, #tpu.memory_space<vmem_shared>> -> memref<40x128xf32, #tpu.memory_space<vmem_shared>>
        tpu.wait_dma2 semaphore(%run_scoped3A : memref<!tpu.dma_semaphore, #tpu.memory_space<semaphore_mem>>) src(%arg10 : memref<40x128xf32, #tpu.memory_space<vmem>>) dst(%dma_wait3A_119 : memref<40x128xf32, #tpu.memory_space<vmem_shared>>)
        tpu.yield
      }) : () -> ()
      %mul3A_38 = arith.constant 1000 : i32
      %mul3A_39 = arith.muli %arg1, %mul3A_38 : i32
      %add3A_40 = arith.constant 240 : i32
      %add3A_41 = arith.addi %mul3A_39, %add3A_40 : i32
      "tpu.region"() ({
        %run_scoped3A = tpu.sem_alloc : memref<!tpu.dma_semaphore, #tpu.memory_space<semaphore_mem>>
        %dma_start3A = arith.constant 0 : i32
        %dma_start3A_114 = tpu.memref_slice %arg11[%add3A_41, %dma_start3A] : memref<10000x128xf32, #tpu.memory_space<vmem_shared>> -> memref<40x128xf32, #tpu.memory_space<vmem_shared>>
        %dma_start3A_115 = arith.constant 0 : i32
        %dma_start3A_116 = tpu.memref_slice %arg11[%add3A_41, %dma_start3A_115] : memref<10000x128xf32, #tpu.memory_space<vmem_shared>> -> memref<40x128xf32, #tpu.memory_space<vmem_shared>>
        tpu.enqueue_dma source(%arg10 : memref<40x128xf32, #tpu.memory_space<vmem>>) target(%dma_start3A_116 : memref<40x128xf32, #tpu.memory_space<vmem_shared>>) target_semaphore(%run_scoped3A : memref<!tpu.dma_semaphore, #tpu.memory_space<semaphore_mem>>)
        %dma_wait3A = arith.constant 0 : i32
        %dma_wait3A_117 = tpu.memref_slice %arg11[%add3A_41, %dma_wait3A] : memref<10000x128xf32, #tpu.memory_space<vmem_shared>> -> memref<40x128xf32, #tpu.memory_space<vmem_shared>>
        %dma_wait3A_118 = arith.constant 0 : i32
        %dma_wait3A_119 = tpu.memref_slice %arg11[%add3A_41, %dma_wait3A_118] : memref<10000x128xf32, #tpu.memory_space<vmem_shared>> -> memref<40x128xf32, #tpu.memory_space<vmem_shared>>
        tpu.wait_dma2 semaphore(%run_scoped3A : memref<!tpu.dma_semaphore, #tpu.memory_space<semaphore_mem>>) src(%arg10 : memref<40x128xf32, #tpu.memory_space<vmem>>) dst(%dma_wait3A_119 : memref<40x128xf32, #tpu.memory_space<vmem_shared>>)
        tpu.yield
      }) : () -> ()
      %mul3A_42 = arith.constant 1000 : i32
      %mul3A_43 = arith.muli %arg1, %mul3A_42 : i32
      %add3A_44 = arith.constant 280 : i32
      %add3A_45 = arith.addi %mul3A_43, %add3A_44 : i32
      "tpu.region"() ({
        %run_scoped3A = tpu.sem_alloc : memref<!tpu.dma_semaphore, #tpu.memory_space<semaphore_mem>>
        %dma_start3A = arith.constant 0 : i32
        %dma_start3A_114 = tpu.memref_slice %arg11[%add3A_45, %dma_start3A] : memref<10000x128xf32, #tpu.memory_space<vmem_shared>> -> memref<40x128xf32, #tpu.memory_space<vmem_shared>>
        %dma_start3A_115 = arith.constant 0 : i32
        %dma_start3A_116 = tpu.memref_slice %arg11[%add3A_45, %dma_start3A_115] : memref<10000x128xf32, #tpu.memory_space<vmem_shared>> -> memref<40x128xf32, #tpu.memory_space<vmem_shared>>
        tpu.enqueue_dma source(%arg10 : memref<40x128xf32, #tpu.memory_space<vmem>>) target(%dma_start3A_116 : memref<40x128xf32, #tpu.memory_space<vmem_shared>>) target_semaphore(%run_scoped3A : memref<!tpu.dma_semaphore, #tpu.memory_space<semaphore_mem>>)
        %dma_wait3A = arith.constant 0 : i32
        %dma_wait3A_117 = tpu.memref_slice %arg11[%add3A_45, %dma_wait3A] : memref<10000x128xf32, #tpu.memory_space<vmem_shared>> -> memref<40x128xf32, #tpu.memory_space<vmem_shared>>
        %dma_wait3A_118 = arith.constant 0 : i32
        %dma_wait3A_119 = tpu.memref_slice %arg11[%add3A_45, %dma_wait3A_118] : memref<10000x128xf32, #tpu.memory_space<vmem_shared>> -> memref<40x128xf32, #tpu.memory_space<vmem_shared>>
        tpu.wait_dma2 semaphore(%run_scoped3A : memref<!tpu.dma_semaphore, #tpu.memory_space<semaphore_mem>>) src(%arg10 : memref<40x128xf32, #tpu.memory_space<vmem>>) dst(%dma_wait3A_119 : memref<40x128xf32, #tpu.memory_space<vmem_shared>>)
        tpu.yield
      }) : () -> ()
      %mul3A_46 = arith.constant 1000 : i32
      %mul3A_47 = arith.muli %arg1, %mul3A_46 : i32
      %add3A_48 = arith.constant 320 : i32
      %add3A_49 = arith.addi %mul3A_47, %add3A_48 : i32
      "tpu.region"() ({
        %run_scoped3A = tpu.sem_alloc : memref<!tpu.dma_semaphore, #tpu.memory_space<semaphore_mem>>
        %dma_start3A = arith.constant 0 : i32
        %dma_start3A_114 = tpu.memref_slice %arg11[%add3A_49, %dma_start3A] : memref<10000x128xf32, #tpu.memory_space<vmem_shared>> -> memref<40x128xf32, #tpu.memory_space<vmem_shared>>
        %dma_start3A_115 = arith.constant 0 : i32
        %dma_start3A_116 = tpu.memref_slice %arg11[%add3A_49, %dma_start3A_115] : memref<10000x128xf32, #tpu.memory_space<vmem_shared>> -> memref<40x128xf32, #tpu.memory_space<vmem_shared>>
        tpu.enqueue_dma source(%arg10 : memref<40x128xf32, #tpu.memory_space<vmem>>) target(%dma_start3A_116 : memref<40x128xf32, #tpu.memory_space<vmem_shared>>) target_semaphore(%run_scoped3A : memref<!tpu.dma_semaphore, #tpu.memory_space<semaphore_mem>>)
        %dma_wait3A = arith.constant 0 : i32
        %dma_wait3A_117 = tpu.memref_slice %arg11[%add3A_49, %dma_wait3A] : memref<10000x128xf32, #tpu.memory_space<vmem_shared>> -> memref<40x128xf32, #tpu.memory_space<vmem_shared>>
        %dma_wait3A_118 = arith.constant 0 : i32
        %dma_wait3A_119 = tpu.memref_slice %arg11[%add3A_49, %dma_wait3A_118] : memref<10000x128xf32, #tpu.memory_space<vmem_shared>> -> memref<40x128xf32, #tpu.memory_space<vmem_shared>>
        tpu.wait_dma2 semaphore(%run_scoped3A : memref<!tpu.dma_semaphore, #tpu.memory_space<semaphore_mem>>) src(%arg10 : memref<40x128xf32, #tpu.memory_space<vmem>>) dst(%dma_wait3A_119 : memref<40x128xf32, #tpu.memory_space<vmem_shared>>)
        tpu.yield
      }) : () -> ()
      %mul3A_50 = arith.constant 1000 : i32
      %mul3A_51 = arith.muli %arg1, %mul3A_50 : i32
      %add3A_52 = arith.constant 360 : i32
      %add3A_53 = arith.addi %mul3A_51, %add3A_52 : i32
      "tpu.region"() ({
        %run_scoped3A = tpu.sem_alloc : memref<!tpu.dma_semaphore, #tpu.memory_space<semaphore_mem>>
        %dma_start3A = arith.constant 0 : i32
        %dma_start3A_114 = tpu.memref_slice %arg11[%add3A_53, %dma_start3A] : memref<10000x128xf32, #tpu.memory_space<vmem_shared>> -> memref<40x128xf32, #tpu.memory_space<vmem_shared>>
        %dma_start3A_115 = arith.constant 0 : i32
        %dma_start3A_116 = tpu.memref_slice %arg11[%add3A_53, %dma_start3A_115] : memref<10000x128xf32, #tpu.memory_space<vmem_shared>> -> memref<40x128xf32, #tpu.memory_space<vmem_shared>>
        tpu.enqueue_dma source(%arg10 : memref<40x128xf32, #tpu.memory_space<vmem>>) target(%dma_start3A_116 : memref<40x128xf32, #tpu.memory_space<vmem_shared>>) target_semaphore(%run_scoped3A : memref<!tpu.dma_semaphore, #tpu.memory_space<semaphore_mem>>)
        %dma_wait3A = arith.constant 0 : i32
        %dma_wait3A_117 = tpu.memref_slice %arg11[%add3A_53, %dma_wait3A] : memref<10000x128xf32, #tpu.memory_space<vmem_shared>> -> memref<40x128xf32, #tpu.memory_space<vmem_shared>>
        %dma_wait3A_118 = arith.constant 0 : i32
        %dma_wait3A_119 = tpu.memref_slice %arg11[%add3A_53, %dma_wait3A_118] : memref<10000x128xf32, #tpu.memory_space<vmem_shared>> -> memref<40x128xf32, #tpu.memory_space<vmem_shared>>
        tpu.wait_dma2 semaphore(%run_scoped3A : memref<!tpu.dma_semaphore, #tpu.memory_space<semaphore_mem>>) src(%arg10 : memref<40x128xf32, #tpu.memory_space<vmem>>) dst(%dma_wait3A_119 : memref<40x128xf32, #tpu.memory_space<vmem_shared>>)
        tpu.yield
      }) : () -> ()
      %mul3A_54 = arith.constant 1000 : i32
      %mul3A_55 = arith.muli %arg1, %mul3A_54 : i32
      %add3A_56 = arith.constant 400 : i32
      %add3A_57 = arith.addi %mul3A_55, %add3A_56 : i32
      "tpu.region"() ({
        %run_scoped3A = tpu.sem_alloc : memref<!tpu.dma_semaphore, #tpu.memory_space<semaphore_mem>>
        %dma_start3A = arith.constant 0 : i32
        %dma_start3A_114 = tpu.memref_slice %arg11[%add3A_57, %dma_start3A] : memref<10000x128xf32, #tpu.memory_space<vmem_shared>> -> memref<40x128xf32, #tpu.memory_space<vmem_shared>>
        %dma_start3A_115 = arith.constant 0 : i32
        %dma_start3A_116 = tpu.memref_slice %arg11[%add3A_57, %dma_start3A_115] : memref<10000x128xf32, #tpu.memory_space<vmem_shared>> -> memref<40x128xf32, #tpu.memory_space<vmem_shared>>
        tpu.enqueue_dma source(%arg10 : memref<40x128xf32, #tpu.memory_space<vmem>>) target(%dma_start3A_116 : memref<40x128xf32, #tpu.memory_space<vmem_shared>>) target_semaphore(%run_scoped3A : memref<!tpu.dma_semaphore, #tpu.memory_space<semaphore_mem>>)
        %dma_wait3A = arith.constant 0 : i32
        %dma_wait3A_117 = tpu.memref_slice %arg11[%add3A_57, %dma_wait3A] : memref<10000x128xf32, #tpu.memory_space<vmem_shared>> -> memref<40x128xf32, #tpu.memory_space<vmem_shared>>
        %dma_wait3A_118 = arith.constant 0 : i32
        %dma_wait3A_119 = tpu.memref_slice %arg11[%add3A_57, %dma_wait3A_118] : memref<10000x128xf32, #tpu.memory_space<vmem_shared>> -> memref<40x128xf32, #tpu.memory_space<vmem_shared>>
        tpu.wait_dma2 semaphore(%run_scoped3A : memref<!tpu.dma_semaphore, #tpu.memory_space<semaphore_mem>>) src(%arg10 : memref<40x128xf32, #tpu.memory_space<vmem>>) dst(%dma_wait3A_119 : memref<40x128xf32, #tpu.memory_space<vmem_shared>>)
        tpu.yield
      }) : () -> ()
      %mul3A_58 = arith.constant 1000 : i32
      %mul3A_59 = arith.muli %arg1, %mul3A_58 : i32
      %add3A_60 = arith.constant 440 : i32
      %add3A_61 = arith.addi %mul3A_59, %add3A_60 : i32
      "tpu.region"() ({
        %run_scoped3A = tpu.sem_alloc : memref<!tpu.dma_semaphore, #tpu.memory_space<semaphore_mem>>
        %dma_start3A = arith.constant 0 : i32
        %dma_start3A_114 = tpu.memref_slice %arg11[%add3A_61, %dma_start3A] : memref<10000x128xf32, #tpu.memory_space<vmem_shared>> -> memref<40x128xf32, #tpu.memory_space<vmem_shared>>
        %dma_start3A_115 = arith.constant 0 : i32
        %dma_start3A_116 = tpu.memref_slice %arg11[%add3A_61, %dma_start3A_115] : memref<10000x128xf32, #tpu.memory_space<vmem_shared>> -> memref<40x128xf32, #tpu.memory_space<vmem_shared>>
        tpu.enqueue_dma source(%arg10 : memref<40x128xf32, #tpu.memory_space<vmem>>) target(%dma_start3A_116 : memref<40x128xf32, #tpu.memory_space<vmem_shared>>) target_semaphore(%run_scoped3A : memref<!tpu.dma_semaphore, #tpu.memory_space<semaphore_mem>>)
        %dma_wait3A = arith.constant 0 : i32
        %dma_wait3A_117 = tpu.memref_slice %arg11[%add3A_61, %dma_wait3A] : memref<10000x128xf32, #tpu.memory_space<vmem_shared>> -> memref<40x128xf32, #tpu.memory_space<vmem_shared>>
        %dma_wait3A_118 = arith.constant 0 : i32
        %dma_wait3A_119 = tpu.memref_slice %arg11[%add3A_61, %dma_wait3A_118] : memref<10000x128xf32, #tpu.memory_space<vmem_shared>> -> memref<40x128xf32, #tpu.memory_space<vmem_shared>>
        tpu.wait_dma2 semaphore(%run_scoped3A : memref<!tpu.dma_semaphore, #tpu.memory_space<semaphore_mem>>) src(%arg10 : memref<40x128xf32, #tpu.memory_space<vmem>>) dst(%dma_wait3A_119 : memref<40x128xf32, #tpu.memory_space<vmem_shared>>)
        tpu.yield
      }) : () -> ()
      %mul3A_62 = arith.constant 1000 : i32
      %mul3A_63 = arith.muli %arg1, %mul3A_62 : i32
      %add3A_64 = arith.constant 480 : i32
      %add3A_65 = arith.addi %mul3A_63, %add3A_64 : i32
      "tpu.region"() ({
        %run_scoped3A = tpu.sem_alloc : memref<!tpu.dma_semaphore, #tpu.memory_space<semaphore_mem>>
        %dma_start3A = arith.constant 0 : i32
        %dma_start3A_114 = tpu.memref_slice %arg11[%add3A_65, %dma_start3A] : memref<10000x128xf32, #tpu.memory_space<vmem_shared>> -> memref<40x128xf32, #tpu.memory_space<vmem_shared>>
        %dma_start3A_115 = arith.constant 0 : i32
        %dma_start3A_116 = tpu.memref_slice %arg11[%add3A_65, %dma_start3A_115] : memref<10000x128xf32, #tpu.memory_space<vmem_shared>> -> memref<40x128xf32, #tpu.memory_space<vmem_shared>>
        tpu.enqueue_dma source(%arg10 : memref<40x128xf32, #tpu.memory_space<vmem>>) target(%dma_start3A_116 : memref<40x128xf32, #tpu.memory_space<vmem_shared>>) target_semaphore(%run_scoped3A : memref<!tpu.dma_semaphore, #tpu.memory_space<semaphore_mem>>)
        %dma_wait3A = arith.constant 0 : i32
        %dma_wait3A_117 = tpu.memref_slice %arg11[%add3A_65, %dma_wait3A] : memref<10000x128xf32, #tpu.memory_space<vmem_shared>> -> memref<40x128xf32, #tpu.memory_space<vmem_shared>>
        %dma_wait3A_118 = arith.constant 0 : i32
        %dma_wait3A_119 = tpu.memref_slice %arg11[%add3A_65, %dma_wait3A_118] : memref<10000x128xf32, #tpu.memory_space<vmem_shared>> -> memref<40x128xf32, #tpu.memory_space<vmem_shared>>
        tpu.wait_dma2 semaphore(%run_scoped3A : memref<!tpu.dma_semaphore, #tpu.memory_space<semaphore_mem>>) src(%arg10 : memref<40x128xf32, #tpu.memory_space<vmem>>) dst(%dma_wait3A_119 : memref<40x128xf32, #tpu.memory_space<vmem_shared>>)
        tpu.yield
      }) : () -> ()
      %mul3A_66 = arith.constant 1000 : i32
      %mul3A_67 = arith.muli %arg1, %mul3A_66 : i32
      %add3A_68 = arith.constant 520 : i32
      %add3A_69 = arith.addi %mul3A_67, %add3A_68 : i32
      "tpu.region"() ({
        %run_scoped3A = tpu.sem_alloc : memref<!tpu.dma_semaphore, #tpu.memory_space<semaphore_mem>>
        %dma_start3A = arith.constant 0 : i32
        %dma_start3A_114 = tpu.memref_slice %arg11[%add3A_69, %dma_start3A] : memref<10000x128xf32, #tpu.memory_space<vmem_shared>> -> memref<40x128xf32, #tpu.memory_space<vmem_shared>>
        %dma_start3A_115 = arith.constant 0 : i32
        %dma_start3A_116 = tpu.memref_slice %arg11[%add3A_69, %dma_start3A_115] : memref<10000x128xf32, #tpu.memory_space<vmem_shared>> -> memref<40x128xf32, #tpu.memory_space<vmem_shared>>
        tpu.enqueue_dma source(%arg10 : memref<40x128xf32, #tpu.memory_space<vmem>>) target(%dma_start3A_116 : memref<40x128xf32, #tpu.memory_space<vmem_shared>>) target_semaphore(%run_scoped3A : memref<!tpu.dma_semaphore, #tpu.memory_space<semaphore_mem>>)
        %dma_wait3A = arith.constant 0 : i32
        %dma_wait3A_117 = tpu.memref_slice %arg11[%add3A_69, %dma_wait3A] : memref<10000x128xf32, #tpu.memory_space<vmem_shared>> -> memref<40x128xf32, #tpu.memory_space<vmem_shared>>
        %dma_wait3A_118 = arith.constant 0 : i32
        %dma_wait3A_119 = tpu.memref_slice %arg11[%add3A_69, %dma_wait3A_118] : memref<10000x128xf32, #tpu.memory_space<vmem_shared>> -> memref<40x128xf32, #tpu.memory_space<vmem_shared>>
        tpu.wait_dma2 semaphore(%run_scoped3A : memref<!tpu.dma_semaphore, #tpu.memory_space<semaphore_mem>>) src(%arg10 : memref<40x128xf32, #tpu.memory_space<vmem>>) dst(%dma_wait3A_119 : memref<40x128xf32, #tpu.memory_space<vmem_shared>>)
        tpu.yield
      }) : () -> ()
      %mul3A_70 = arith.constant 1000 : i32
      %mul3A_71 = arith.muli %arg1, %mul3A_70 : i32
      %add3A_72 = arith.constant 560 : i32
      %add3A_73 = arith.addi %mul3A_71, %add3A_72 : i32
      "tpu.region"() ({
        %run_scoped3A = tpu.sem_alloc : memref<!tpu.dma_semaphore, #tpu.memory_space<semaphore_mem>>
        %dma_start3A = arith.constant 0 : i32
        %dma_start3A_114 = tpu.memref_slice %arg11[%add3A_73, %dma_start3A] : memref<10000x128xf32, #tpu.memory_space<vmem_shared>> -> memref<40x128xf32, #tpu.memory_space<vmem_shared>>
        %dma_start3A_115 = arith.constant 0 : i32
        %dma_start3A_116 = tpu.memref_slice %arg11[%add3A_73, %dma_start3A_115] : memref<10000x128xf32, #tpu.memory_space<vmem_shared>> -> memref<40x128xf32, #tpu.memory_space<vmem_shared>>
        tpu.enqueue_dma source(%arg10 : memref<40x128xf32, #tpu.memory_space<vmem>>) target(%dma_start3A_116 : memref<40x128xf32, #tpu.memory_space<vmem_shared>>) target_semaphore(%run_scoped3A : memref<!tpu.dma_semaphore, #tpu.memory_space<semaphore_mem>>)
        %dma_wait3A = arith.constant 0 : i32
        %dma_wait3A_117 = tpu.memref_slice %arg11[%add3A_73, %dma_wait3A] : memref<10000x128xf32, #tpu.memory_space<vmem_shared>> -> memref<40x128xf32, #tpu.memory_space<vmem_shared>>
        %dma_wait3A_118 = arith.constant 0 : i32
        %dma_wait3A_119 = tpu.memref_slice %arg11[%add3A_73, %dma_wait3A_118] : memref<10000x128xf32, #tpu.memory_space<vmem_shared>> -> memref<40x128xf32, #tpu.memory_space<vmem_shared>>
        tpu.wait_dma2 semaphore(%run_scoped3A : memref<!tpu.dma_semaphore, #tpu.memory_space<semaphore_mem>>) src(%arg10 : memref<40x128xf32, #tpu.memory_space<vmem>>) dst(%dma_wait3A_119 : memref<40x128xf32, #tpu.memory_space<vmem_shared>>)
        tpu.yield
      }) : () -> ()
      %mul3A_74 = arith.constant 1000 : i32
      %mul3A_75 = arith.muli %arg1, %mul3A_74 : i32
      %add3A_76 = arith.constant 600 : i32
      %add3A_77 = arith.addi %mul3A_75, %add3A_76 : i32
      "tpu.region"() ({
        %run_scoped3A = tpu.sem_alloc : memref<!tpu.dma_semaphore, #tpu.memory_space<semaphore_mem>>
        %dma_start3A = arith.constant 0 : i32
        %dma_start3A_114 = tpu.memref_slice %arg11[%add3A_77, %dma_start3A] : memref<10000x128xf32, #tpu.memory_space<vmem_shared>> -> memref<40x128xf32, #tpu.memory_space<vmem_shared>>
        %dma_start3A_115 = arith.constant 0 : i32
        %dma_start3A_116 = tpu.memref_slice %arg11[%add3A_77, %dma_start3A_115] : memref<10000x128xf32, #tpu.memory_space<vmem_shared>> -> memref<40x128xf32, #tpu.memory_space<vmem_shared>>
        tpu.enqueue_dma source(%arg10 : memref<40x128xf32, #tpu.memory_space<vmem>>) target(%dma_start3A_116 : memref<40x128xf32, #tpu.memory_space<vmem_shared>>) target_semaphore(%run_scoped3A : memref<!tpu.dma_semaphore, #tpu.memory_space<semaphore_mem>>)
        %dma_wait3A = arith.constant 0 : i32
        %dma_wait3A_117 = tpu.memref_slice %arg11[%add3A_77, %dma_wait3A] : memref<10000x128xf32, #tpu.memory_space<vmem_shared>> -> memref<40x128xf32, #tpu.memory_space<vmem_shared>>
        %dma_wait3A_118 = arith.constant 0 : i32
        %dma_wait3A_119 = tpu.memref_slice %arg11[%add3A_77, %dma_wait3A_118] : memref<10000x128xf32, #tpu.memory_space<vmem_shared>> -> memref<40x128xf32, #tpu.memory_space<vmem_shared>>
        tpu.wait_dma2 semaphore(%run_scoped3A : memref<!tpu.dma_semaphore, #tpu.memory_space<semaphore_mem>>) src(%arg10 : memref<40x128xf32, #tpu.memory_space<vmem>>) dst(%dma_wait3A_119 : memref<40x128xf32, #tpu.memory_space<vmem_shared>>)
        tpu.yield
      }) : () -> ()
      %mul3A_78 = arith.constant 1000 : i32
      %mul3A_79 = arith.muli %arg1, %mul3A_78 : i32
      %add3A_80 = arith.constant 640 : i32
      %add3A_81 = arith.addi %mul3A_79, %add3A_80 : i32
      "tpu.region"() ({
        %run_scoped3A = tpu.sem_alloc : memref<!tpu.dma_semaphore, #tpu.memory_space<semaphore_mem>>
        %dma_start3A = arith.constant 0 : i32
        %dma_start3A_114 = tpu.memref_slice %arg11[%add3A_81, %dma_start3A] : memref<10000x128xf32, #tpu.memory_space<vmem_shared>> -> memref<40x128xf32, #tpu.memory_space<vmem_shared>>
        %dma_start3A_115 = arith.constant 0 : i32
        %dma_start3A_116 = tpu.memref_slice %arg11[%add3A_81, %dma_start3A_115] : memref<10000x128xf32, #tpu.memory_space<vmem_shared>> -> memref<40x128xf32, #tpu.memory_space<vmem_shared>>
        tpu.enqueue_dma source(%arg10 : memref<40x128xf32, #tpu.memory_space<vmem>>) target(%dma_start3A_116 : memref<40x128xf32, #tpu.memory_space<vmem_shared>>) target_semaphore(%run_scoped3A : memref<!tpu.dma_semaphore, #tpu.memory_space<semaphore_mem>>)
        %dma_wait3A = arith.constant 0 : i32
        %dma_wait3A_117 = tpu.memref_slice %arg11[%add3A_81, %dma_wait3A] : memref<10000x128xf32, #tpu.memory_space<vmem_shared>> -> memref<40x128xf32, #tpu.memory_space<vmem_shared>>
        %dma_wait3A_118 = arith.constant 0 : i32
        %dma_wait3A_119 = tpu.memref_slice %arg11[%add3A_81, %dma_wait3A_118] : memref<10000x128xf32, #tpu.memory_space<vmem_shared>> -> memref<40x128xf32, #tpu.memory_space<vmem_shared>>
        tpu.wait_dma2 semaphore(%run_scoped3A : memref<!tpu.dma_semaphore, #tpu.memory_space<semaphore_mem>>) src(%arg10 : memref<40x128xf32, #tpu.memory_space<vmem>>) dst(%dma_wait3A_119 : memref<40x128xf32, #tpu.memory_space<vmem_shared>>)
        tpu.yield
      }) : () -> ()
      %mul3A_82 = arith.constant 1000 : i32
      %mul3A_83 = arith.muli %arg1, %mul3A_82 : i32
      %add3A_84 = arith.constant 680 : i32
      %add3A_85 = arith.addi %mul3A_83, %add3A_84 : i32
      "tpu.region"() ({
        %run_scoped3A = tpu.sem_alloc : memref<!tpu.dma_semaphore, #tpu.memory_space<semaphore_mem>>
        %dma_start3A = arith.constant 0 : i32
        %dma_start3A_114 = tpu.memref_slice %arg11[%add3A_85, %dma_start3A] : memref<10000x128xf32, #tpu.memory_space<vmem_shared>> -> memref<40x128xf32, #tpu.memory_space<vmem_shared>>
        %dma_start3A_115 = arith.constant 0 : i32
        %dma_start3A_116 = tpu.memref_slice %arg11[%add3A_85, %dma_start3A_115] : memref<10000x128xf32, #tpu.memory_space<vmem_shared>> -> memref<40x128xf32, #tpu.memory_space<vmem_shared>>
        tpu.enqueue_dma source(%arg10 : memref<40x128xf32, #tpu.memory_space<vmem>>) target(%dma_start3A_116 : memref<40x128xf32, #tpu.memory_space<vmem_shared>>) target_semaphore(%run_scoped3A : memref<!tpu.dma_semaphore, #tpu.memory_space<semaphore_mem>>)
        %dma_wait3A = arith.constant 0 : i32
        %dma_wait3A_117 = tpu.memref_slice %arg11[%add3A_85, %dma_wait3A] : memref<10000x128xf32, #tpu.memory_space<vmem_shared>> -> memref<40x128xf32, #tpu.memory_space<vmem_shared>>
        %dma_wait3A_118 = arith.constant 0 : i32
        %dma_wait3A_119 = tpu.memref_slice %arg11[%add3A_85, %dma_wait3A_118] : memref<10000x128xf32, #tpu.memory_space<vmem_shared>> -> memref<40x128xf32, #tpu.memory_space<vmem_shared>>
        tpu.wait_dma2 semaphore(%run_scoped3A : memref<!tpu.dma_semaphore, #tpu.memory_space<semaphore_mem>>) src(%arg10 : memref<40x128xf32, #tpu.memory_space<vmem>>) dst(%dma_wait3A_119 : memref<40x128xf32, #tpu.memory_space<vmem_shared>>)
        tpu.yield
      }) : () -> ()
      %mul3A_86 = arith.constant 1000 : i32
      %mul3A_87 = arith.muli %arg1, %mul3A_86 : i32
      %add3A_88 = arith.constant 720 : i32
      %add3A_89 = arith.addi %mul3A_87, %add3A_88 : i32
      "tpu.region"() ({
        %run_scoped3A = tpu.sem_alloc : memref<!tpu.dma_semaphore, #tpu.memory_space<semaphore_mem>>
        %dma_start3A = arith.constant 0 : i32
        %dma_start3A_114 = tpu.memref_slice %arg11[%add3A_89, %dma_start3A] : memref<10000x128xf32, #tpu.memory_space<vmem_shared>> -> memref<40x128xf32, #tpu.memory_space<vmem_shared>>
        %dma_start3A_115 = arith.constant 0 : i32
        %dma_start3A_116 = tpu.memref_slice %arg11[%add3A_89, %dma_start3A_115] : memref<10000x128xf32, #tpu.memory_space<vmem_shared>> -> memref<40x128xf32, #tpu.memory_space<vmem_shared>>
        tpu.enqueue_dma source(%arg10 : memref<40x128xf32, #tpu.memory_space<vmem>>) target(%dma_start3A_116 : memref<40x128xf32, #tpu.memory_space<vmem_shared>>) target_semaphore(%run_scoped3A : memref<!tpu.dma_semaphore, #tpu.memory_space<semaphore_mem>>)
        %dma_wait3A = arith.constant 0 : i32
        %dma_wait3A_117 = tpu.memref_slice %arg11[%add3A_89, %dma_wait3A] : memref<10000x128xf32, #tpu.memory_space<vmem_shared>> -> memref<40x128xf32, #tpu.memory_space<vmem_shared>>
        %dma_wait3A_118 = arith.constant 0 : i32
        %dma_wait3A_119 = tpu.memref_slice %arg11[%add3A_89, %dma_wait3A_118] : memref<10000x128xf32, #tpu.memory_space<vmem_shared>> -> memref<40x128xf32, #tpu.memory_space<vmem_shared>>
        tpu.wait_dma2 semaphore(%run_scoped3A : memref<!tpu.dma_semaphore, #tpu.memory_space<semaphore_mem>>) src(%arg10 : memref<40x128xf32, #tpu.memory_space<vmem>>) dst(%dma_wait3A_119 : memref<40x128xf32, #tpu.memory_space<vmem_shared>>)
        tpu.yield
      }) : () -> ()
      %mul3A_90 = arith.constant 1000 : i32
      %mul3A_91 = arith.muli %arg1, %mul3A_90 : i32
      %add3A_92 = arith.constant 760 : i32
      %add3A_93 = arith.addi %mul3A_91, %add3A_92 : i32
      "tpu.region"() ({
        %run_scoped3A = tpu.sem_alloc : memref<!tpu.dma_semaphore, #tpu.memory_space<semaphore_mem>>
        %dma_start3A = arith.constant 0 : i32
        %dma_start3A_114 = tpu.memref_slice %arg11[%add3A_93, %dma_start3A] : memref<10000x128xf32, #tpu.memory_space<vmem_shared>> -> memref<40x128xf32, #tpu.memory_space<vmem_shared>>
        %dma_start3A_115 = arith.constant 0 : i32
        %dma_start3A_116 = tpu.memref_slice %arg11[%add3A_93, %dma_start3A_115] : memref<10000x128xf32, #tpu.memory_space<vmem_shared>> -> memref<40x128xf32, #tpu.memory_space<vmem_shared>>
        tpu.enqueue_dma source(%arg10 : memref<40x128xf32, #tpu.memory_space<vmem>>) target(%dma_start3A_116 : memref<40x128xf32, #tpu.memory_space<vmem_shared>>) target_semaphore(%run_scoped3A : memref<!tpu.dma_semaphore, #tpu.memory_space<semaphore_mem>>)
        %dma_wait3A = arith.constant 0 : i32
        %dma_wait3A_117 = tpu.memref_slice %arg11[%add3A_93, %dma_wait3A] : memref<10000x128xf32, #tpu.memory_space<vmem_shared>> -> memref<40x128xf32, #tpu.memory_space<vmem_shared>>
        %dma_wait3A_118 = arith.constant 0 : i32
        %dma_wait3A_119 = tpu.memref_slice %arg11[%add3A_93, %dma_wait3A_118] : memref<10000x128xf32, #tpu.memory_space<vmem_shared>> -> memref<40x128xf32, #tpu.memory_space<vmem_shared>>
        tpu.wait_dma2 semaphore(%run_scoped3A : memref<!tpu.dma_semaphore, #tpu.memory_space<semaphore_mem>>) src(%arg10 : memref<40x128xf32, #tpu.memory_space<vmem>>) dst(%dma_wait3A_119 : memref<40x128xf32, #tpu.memory_space<vmem_shared>>)
        tpu.yield
      }) : () -> ()
      %mul3A_94 = arith.constant 1000 : i32
      %mul3A_95 = arith.muli %arg1, %mul3A_94 : i32
      %add3A_96 = arith.constant 800 : i32
      %add3A_97 = arith.addi %mul3A_95, %add3A_96 : i32
      "tpu.region"() ({
        %run_scoped3A = tpu.sem_alloc : memref<!tpu.dma_semaphore, #tpu.memory_space<semaphore_mem>>
        %dma_start3A = arith.constant 0 : i32
        %dma_start3A_114 = tpu.memref_slice %arg11[%add3A_97, %dma_start3A] : memref<10000x128xf32, #tpu.memory_space<vmem_shared>> -> memref<40x128xf32, #tpu.memory_space<vmem_shared>>
        %dma_start3A_115 = arith.constant 0 : i32
        %dma_start3A_116 = tpu.memref_slice %arg11[%add3A_97, %dma_start3A_115] : memref<10000x128xf32, #tpu.memory_space<vmem_shared>> -> memref<40x128xf32, #tpu.memory_space<vmem_shared>>
        tpu.enqueue_dma source(%arg10 : memref<40x128xf32, #tpu.memory_space<vmem>>) target(%dma_start3A_116 : memref<40x128xf32, #tpu.memory_space<vmem_shared>>) target_semaphore(%run_scoped3A : memref<!tpu.dma_semaphore, #tpu.memory_space<semaphore_mem>>)
        %dma_wait3A = arith.constant 0 : i32
        %dma_wait3A_117 = tpu.memref_slice %arg11[%add3A_97, %dma_wait3A] : memref<10000x128xf32, #tpu.memory_space<vmem_shared>> -> memref<40x128xf32, #tpu.memory_space<vmem_shared>>
        %dma_wait3A_118 = arith.constant 0 : i32
        %dma_wait3A_119 = tpu.memref_slice %arg11[%add3A_97, %dma_wait3A_118] : memref<10000x128xf32, #tpu.memory_space<vmem_shared>> -> memref<40x128xf32, #tpu.memory_space<vmem_shared>>
        tpu.wait_dma2 semaphore(%run_scoped3A : memref<!tpu.dma_semaphore, #tpu.memory_space<semaphore_mem>>) src(%arg10 : memref<40x128xf32, #tpu.memory_space<vmem>>) dst(%dma_wait3A_119 : memref<40x128xf32, #tpu.memory_space<vmem_shared>>)
        tpu.yield
      }) : () -> ()
      %mul3A_98 = arith.constant 1000 : i32
      %mul3A_99 = arith.muli %arg1, %mul3A_98 : i32
      %add3A_100 = arith.constant 840 : i32
      %add3A_101 = arith.addi %mul3A_99, %add3A_100 : i32
      "tpu.region"() ({
        %run_scoped3A = tpu.sem_alloc : memref<!tpu.dma_semaphore, #tpu.memory_space<semaphore_mem>>
        %dma_start3A = arith.constant 0 : i32
        %dma_start3A_114 = tpu.memref_slice %arg11[%add3A_101, %dma_start3A] : memref<10000x128xf32, #tpu.memory_space<vmem_shared>> -> memref<40x128xf32, #tpu.memory_space<vmem_shared>>
        %dma_start3A_115 = arith.constant 0 : i32
        %dma_start3A_116 = tpu.memref_slice %arg11[%add3A_101, %dma_start3A_115] : memref<10000x128xf32, #tpu.memory_space<vmem_shared>> -> memref<40x128xf32, #tpu.memory_space<vmem_shared>>
        tpu.enqueue_dma source(%arg10 : memref<40x128xf32, #tpu.memory_space<vmem>>) target(%dma_start3A_116 : memref<40x128xf32, #tpu.memory_space<vmem_shared>>) target_semaphore(%run_scoped3A : memref<!tpu.dma_semaphore, #tpu.memory_space<semaphore_mem>>)
        %dma_wait3A = arith.constant 0 : i32
        %dma_wait3A_117 = tpu.memref_slice %arg11[%add3A_101, %dma_wait3A] : memref<10000x128xf32, #tpu.memory_space<vmem_shared>> -> memref<40x128xf32, #tpu.memory_space<vmem_shared>>
        %dma_wait3A_118 = arith.constant 0 : i32
        %dma_wait3A_119 = tpu.memref_slice %arg11[%add3A_101, %dma_wait3A_118] : memref<10000x128xf32, #tpu.memory_space<vmem_shared>> -> memref<40x128xf32, #tpu.memory_space<vmem_shared>>
        tpu.wait_dma2 semaphore(%run_scoped3A : memref<!tpu.dma_semaphore, #tpu.memory_space<semaphore_mem>>) src(%arg10 : memref<40x128xf32, #tpu.memory_space<vmem>>) dst(%dma_wait3A_119 : memref<40x128xf32, #tpu.memory_space<vmem_shared>>)
        tpu.yield
      }) : () -> ()
      %mul3A_102 = arith.constant 1000 : i32
      %mul3A_103 = arith.muli %arg1, %mul3A_102 : i32
      %add3A_104 = arith.constant 880 : i32
      %add3A_105 = arith.addi %mul3A_103, %add3A_104 : i32
      "tpu.region"() ({
        %run_scoped3A = tpu.sem_alloc : memref<!tpu.dma_semaphore, #tpu.memory_space<semaphore_mem>>
        %dma_start3A = arith.constant 0 : i32
        %dma_start3A_114 = tpu.memref_slice %arg11[%add3A_105, %dma_start3A] : memref<10000x128xf32, #tpu.memory_space<vmem_shared>> -> memref<40x128xf32, #tpu.memory_space<vmem_shared>>
        %dma_start3A_115 = arith.constant 0 : i32
        %dma_start3A_116 = tpu.memref_slice %arg11[%add3A_105, %dma_start3A_115] : memref<10000x128xf32, #tpu.memory_space<vmem_shared>> -> memref<40x128xf32, #tpu.memory_space<vmem_shared>>
        tpu.enqueue_dma source(%arg10 : memref<40x128xf32, #tpu.memory_space<vmem>>) target(%dma_start3A_116 : memref<40x128xf32, #tpu.memory_space<vmem_shared>>) target_semaphore(%run_scoped3A : memref<!tpu.dma_semaphore, #tpu.memory_space<semaphore_mem>>)
        %dma_wait3A = arith.constant 0 : i32
        %dma_wait3A_117 = tpu.memref_slice %arg11[%add3A_105, %dma_wait3A] : memref<10000x128xf32, #tpu.memory_space<vmem_shared>> -> memref<40x128xf32, #tpu.memory_space<vmem_shared>>
        %dma_wait3A_118 = arith.constant 0 : i32
        %dma_wait3A_119 = tpu.memref_slice %arg11[%add3A_105, %dma_wait3A_118] : memref<10000x128xf32, #tpu.memory_space<vmem_shared>> -> memref<40x128xf32, #tpu.memory_space<vmem_shared>>
        tpu.wait_dma2 semaphore(%run_scoped3A : memref<!tpu.dma_semaphore, #tpu.memory_space<semaphore_mem>>) src(%arg10 : memref<40x128xf32, #tpu.memory_space<vmem>>) dst(%dma_wait3A_119 : memref<40x128xf32, #tpu.memory_space<vmem_shared>>)
        tpu.yield
      }) : () -> ()
      %mul3A_106 = arith.constant 1000 : i32
      %mul3A_107 = arith.muli %arg1, %mul3A_106 : i32
      %add3A_108 = arith.constant 920 : i32
      %add3A_109 = arith.addi %mul3A_107, %add3A_108 : i32
      "tpu.region"() ({
        %run_scoped3A = tpu.sem_alloc : memref<!tpu.dma_semaphore, #tpu.memory_space<semaphore_mem>>
        %dma_start3A = arith.constant 0 : i32
        %dma_start3A_114 = tpu.memref_slice %arg11[%add3A_109, %dma_start3A] : memref<10000x128xf32, #tpu.memory_space<vmem_shared>> -> memref<40x128xf32, #tpu.memory_space<vmem_shared>>
        %dma_start3A_115 = arith.constant 0 : i32
        %dma_start3A_116 = tpu.memref_slice %arg11[%add3A_109, %dma_start3A_115] : memref<10000x128xf32, #tpu.memory_space<vmem_shared>> -> memref<40x128xf32, #tpu.memory_space<vmem_shared>>
        tpu.enqueue_dma source(%arg10 : memref<40x128xf32, #tpu.memory_space<vmem>>) target(%dma_start3A_116 : memref<40x128xf32, #tpu.memory_space<vmem_shared>>) target_semaphore(%run_scoped3A : memref<!tpu.dma_semaphore, #tpu.memory_space<semaphore_mem>>)
        %dma_wait3A = arith.constant 0 : i32
        %dma_wait3A_117 = tpu.memref_slice %arg11[%add3A_109, %dma_wait3A] : memref<10000x128xf32, #tpu.memory_space<vmem_shared>> -> memref<40x128xf32, #tpu.memory_space<vmem_shared>>
        %dma_wait3A_118 = arith.constant 0 : i32
        %dma_wait3A_119 = tpu.memref_slice %arg11[%add3A_109, %dma_wait3A_118] : memref<10000x128xf32, #tpu.memory_space<vmem_shared>> -> memref<40x128xf32, #tpu.memory_space<vmem_shared>>
        tpu.wait_dma2 semaphore(%run_scoped3A : memref<!tpu.dma_semaphore, #tpu.memory_space<semaphore_mem>>) src(%arg10 : memref<40x128xf32, #tpu.memory_space<vmem>>) dst(%dma_wait3A_119 : memref<40x128xf32, #tpu.memory_space<vmem_shared>>)
        tpu.yield
      }) : () -> ()
      %mul3A_110 = arith.constant 1000 : i32
      %mul3A_111 = arith.muli %arg1, %mul3A_110 : i32
      %add3A_112 = arith.constant 960 : i32
      %add3A_113 = arith.addi %mul3A_111, %add3A_112 : i32
      "tpu.region"() ({
        %run_scoped3A = tpu.sem_alloc : memref<!tpu.dma_semaphore, #tpu.memory_space<semaphore_mem>>
        %dma_start3A = arith.constant 0 : i32
        %dma_start3A_114 = tpu.memref_slice %arg11[%add3A_113, %dma_start3A] : memref<10000x128xf32, #tpu.memory_space<vmem_shared>> -> memref<40x128xf32, #tpu.memory_space<vmem_shared>>
        %dma_start3A_115 = arith.constant 0 : i32
        %dma_start3A_116 = tpu.memref_slice %arg11[%add3A_113, %dma_start3A_115] : memref<10000x128xf32, #tpu.memory_space<vmem_shared>> -> memref<40x128xf32, #tpu.memory_space<vmem_shared>>
        tpu.enqueue_dma source(%arg10 : memref<40x128xf32, #tpu.memory_space<vmem>>) target(%dma_start3A_116 : memref<40x128xf32, #tpu.memory_space<vmem_shared>>) target_semaphore(%run_scoped3A : memref<!tpu.dma_semaphore, #tpu.memory_space<semaphore_mem>>)
        %dma_wait3A = arith.constant 0 : i32
        %dma_wait3A_117 = tpu.memref_slice %arg11[%add3A_113, %dma_wait3A] : memref<10000x128xf32, #tpu.memory_space<vmem_shared>> -> memref<40x128xf32, #tpu.memory_space<vmem_shared>>
        %dma_wait3A_118 = arith.constant 0 : i32
        %dma_wait3A_119 = tpu.memref_slice %arg11[%add3A_113, %dma_wait3A_118] : memref<10000x128xf32, #tpu.memory_space<vmem_shared>> -> memref<40x128xf32, #tpu.memory_space<vmem_shared>>
        tpu.wait_dma2 semaphore(%run_scoped3A : memref<!tpu.dma_semaphore, #tpu.memory_space<semaphore_mem>>) src(%arg10 : memref<40x128xf32, #tpu.memory_space<vmem>>) dst(%dma_wait3A_119 : memref<40x128xf32, #tpu.memory_space<vmem_shared>>)
        tpu.yield
      }) : () -> ()
    } else {
    }
    "tpu.region"() ({
      %run_scoped3A = tpu.sem_alloc : memref<!tpu.dma_semaphore, #tpu.memory_space<semaphore_mem>>
      %dma_start3A = arith.constant 0 : i32
      %dma_start3A_14 = arith.constant 0 : i32
      %dma_start3A_15 = tpu.memref_slice %arg3[%add3A, %dma_start3A, %dma_start3A_14] : memref<32x80x125xi32, #tpu.memory_space<hbm>> -> memref<1x80x125xi32, #tpu.memory_space<hbm>>
      %dma_start3A_16 = tpu.memref_squeeze %dma_start3A_15 : memref<1x80x125xi32, #tpu.memory_space<hbm>> -> memref<80x125xi32, #tpu.memory_space<hbm>>
      %dma_start3A_17 = arith.constant 0 : i32
      %dma_start3A_18 = arith.constant 0 : i32
      %dma_start3A_19 = tpu.memref_slice %arg3[%add3A, %dma_start3A_17, %dma_start3A_18] : memref<32x80x125xi32, #tpu.memory_space<hbm>> -> memref<1x80x125xi32, #tpu.memory_space<hbm>>
      %dma_start3A_20 = tpu.memref_squeeze %dma_start3A_19 : memref<1x80x125xi32, #tpu.memory_space<hbm>> -> memref<80x125xi32, #tpu.memory_space<hbm>>
      tpu.enqueue_dma source(%dma_start3A_20 : memref<80x125xi32, #tpu.memory_space<hbm>>) target(%arg7 : memref<80x125xi32, #tpu.memory_space<vmem>>) target_semaphore(%run_scoped3A : memref<!tpu.dma_semaphore, #tpu.memory_space<semaphore_mem>>)
      %dma_wait3A = arith.constant 0 : i32
      %dma_wait3A_21 = arith.constant 0 : i32
      %dma_wait3A_22 = tpu.memref_slice %arg3[%add3A, %dma_wait3A, %dma_wait3A_21] : memref<32x80x125xi32, #tpu.memory_space<hbm>> -> memref<1x80x125xi32, #tpu.memory_space<hbm>>
      %dma_wait3A_23 = tpu.memref_squeeze %dma_wait3A_22 : memref<1x80x125xi32, #tpu.memory_space<hbm>> -> memref<80x125xi32, #tpu.memory_space<hbm>>
      %dma_wait3A_24 = arith.constant 0 : i32
      %dma_wait3A_25 = arith.constant 0 : i32
      %dma_wait3A_26 = tpu.memref_slice %arg3[%add3A, %dma_wait3A_24, %dma_wait3A_25] : memref<32x80x125xi32, #tpu.memory_space<hbm>> -> memref<1x80x125xi32, #tpu.memory_space<hbm>>
      %dma_wait3A_27 = tpu.memref_squeeze %dma_wait3A_26 : memref<1x80x125xi32, #tpu.memory_space<hbm>> -> memref<80x125xi32, #tpu.memory_space<hbm>>
      tpu.wait_dma2 semaphore(%run_scoped3A : memref<!tpu.dma_semaphore, #tpu.memory_space<semaphore_mem>>) src(%dma_wait3A_27 : memref<80x125xi32, #tpu.memory_space<hbm>>) dst(%arg7 : memref<80x125xi32, #tpu.memory_space<vmem>>)
      tpu.yield
    }) : () -> ()
    "tpu.region"() ({
      %run_scoped3A = tpu.sem_alloc : memref<!tpu.dma_semaphore, #tpu.memory_space<semaphore_mem>>
      %dma_start3A = arith.constant 0 : i32
      %dma_start3A_14 = arith.constant 0 : i32
      %dma_start3A_15 = tpu.memref_slice %arg4[%add3A, %dma_start3A, %dma_start3A_14] : memref<32x80x125xi32, #tpu.memory_space<hbm>> -> memref<1x80x125xi32, #tpu.memory_space<hbm>>
      %dma_start3A_16 = tpu.memref_squeeze %dma_start3A_15 : memref<1x80x125xi32, #tpu.memory_space<hbm>> -> memref<80x125xi32, #tpu.memory_space<hbm>>
      %dma_start3A_17 = arith.constant 0 : i32
      %dma_start3A_18 = arith.constant 0 : i32
      %dma_start3A_19 = tpu.memref_slice %arg4[%add3A, %dma_start3A_17, %dma_start3A_18] : memref<32x80x125xi32, #tpu.memory_space<hbm>> -> memref<1x80x125xi32, #tpu.memory_space<hbm>>
      %dma_start3A_20 = tpu.memref_squeeze %dma_start3A_19 : memref<1x80x125xi32, #tpu.memory_space<hbm>> -> memref<80x125xi32, #tpu.memory_space<hbm>>
      tpu.enqueue_dma source(%dma_start3A_20 : memref<80x125xi32, #tpu.memory_space<hbm>>) target(%arg8 : memref<80x125xi32, #tpu.memory_space<vmem>>) target_semaphore(%run_scoped3A : memref<!tpu.dma_semaphore, #tpu.memory_space<semaphore_mem>>)
      %dma_wait3A = arith.constant 0 : i32
      %dma_wait3A_21 = arith.constant 0 : i32
      %dma_wait3A_22 = tpu.memref_slice %arg4[%add3A, %dma_wait3A, %dma_wait3A_21] : memref<32x80x125xi32, #tpu.memory_space<hbm>> -> memref<1x80x125xi32, #tpu.memory_space<hbm>>
      %dma_wait3A_23 = tpu.memref_squeeze %dma_wait3A_22 : memref<1x80x125xi32, #tpu.memory_space<hbm>> -> memref<80x125xi32, #tpu.memory_space<hbm>>
      %dma_wait3A_24 = arith.constant 0 : i32
      %dma_wait3A_25 = arith.constant 0 : i32
      %dma_wait3A_26 = tpu.memref_slice %arg4[%add3A, %dma_wait3A_24, %dma_wait3A_25] : memref<32x80x125xi32, #tpu.memory_space<hbm>> -> memref<1x80x125xi32, #tpu.memory_space<hbm>>
      %dma_wait3A_27 = tpu.memref_squeeze %dma_wait3A_26 : memref<1x80x125xi32, #tpu.memory_space<hbm>> -> memref<80x125xi32, #tpu.memory_space<hbm>>
      tpu.wait_dma2 semaphore(%run_scoped3A : memref<!tpu.dma_semaphore, #tpu.memory_space<semaphore_mem>>) src(%dma_wait3A_27 : memref<80x125xi32, #tpu.memory_space<hbm>>) dst(%arg8 : memref<80x125xi32, #tpu.memory_space<vmem>>)
      tpu.yield
    }) : () -> ()
    %barrier3A = arith.constant 0 : index
    tpu.barrier barrier_id(%barrier3A)
    %scan3A = arith.constant 0 : i32
    %scan3A_3 = arith.constant 0 : i32
    %scan3A_4 = arith.constant 80 : i32
    %scan3A_5 = arith.addi %scan3A_3, %scan3A_4 : i32
    %scan3A_6 = arith.constant 1 : i32
    scf.for %scan3A_14 = %scan3A_3 to %scan3A_5 step %scan3A_6  : i32 {
      "tpu.region"() ({
        %run_scoped3A = tpu.sem_alloc : memref<!tpu.dma_semaphore, #tpu.memory_space<semaphore_mem>>
        %dma_start3A = arith.constant 0 : i32
        %dma_start3A_15 = tpu.memref_slice %arg7[%scan3A_14, %dma_start3A] : memref<80x125xi32, #tpu.memory_space<vmem>> -> memref<1x125xi32, #tpu.memory_space<vmem>>
        %dma_start3A_16 = tpu.memref_squeeze %dma_start3A_15 : memref<1x125xi32, #tpu.memory_space<vmem>> -> memref<125xi32, #tpu.memory_space<vmem>>
        %dma_start3A_17 = arith.constant 0 : i32
        %dma_start3A_18 = arith.constant 0 : i32
        %dma_start3A_19 = tpu.memref_slice %arg2[%dma_start3A_17, %dma_start3A_18] : memref<10000x128xf32, #tpu.memory_space<hbm>> -> memref<10000x128xf32, #tpu.memory_space<hbm>>
        tpu.enqueue_indirect_dma source(%dma_start3A_19 : memref<10000x128xf32, #tpu.memory_space<hbm>>) target(%arg9 : memref<125x128xf32, #tpu.memory_space<vmem>>) offsets(%dma_start3A_16 : memref<125xi32, #tpu.memory_space<vmem>>) semaphore(%run_scoped3A : memref<!tpu.dma_semaphore, #tpu.memory_space<semaphore_mem>>)
        %dma_wait3A = arith.constant 0 : i32
        %dma_wait3A_20 = tpu.memref_slice %arg7[%scan3A_14, %dma_wait3A] : memref<80x125xi32, #tpu.memory_space<vmem>> -> memref<1x125xi32, #tpu.memory_space<vmem>>
        %dma_wait3A_21 = tpu.memref_squeeze %dma_wait3A_20 : memref<1x125xi32, #tpu.memory_space<vmem>> -> memref<125xi32, #tpu.memory_space<vmem>>
        %dma_wait3A_22 = arith.constant 0 : i32
        %dma_wait3A_23 = arith.constant 0 : i32
        %dma_wait3A_24 = tpu.memref_slice %arg2[%dma_wait3A_22, %dma_wait3A_23] : memref<10000x128xf32, #tpu.memory_space<hbm>> -> memref<10000x128xf32, #tpu.memory_space<hbm>>
        tpu.wait_indirect_dma semaphore(%run_scoped3A : memref<!tpu.dma_semaphore, #tpu.memory_space<semaphore_mem>>) src(%dma_wait3A_24 : memref<10000x128xf32, #tpu.memory_space<hbm>>) dst(%arg9 : memref<125x128xf32, #tpu.memory_space<vmem>>)
        tpu.yield
      }) : () -> ()
      "tpu.region"() ({
        %run_scoped3A = tpu.sem_alloc : memref<!tpu.dma_semaphore, #tpu.memory_space<semaphore_mem>>
        %dma_start3A = arith.constant 0 : i32
        %dma_start3A_15 = tpu.memref_slice %arg8[%scan3A_14, %dma_start3A] : memref<80x125xi32, #tpu.memory_space<vmem>> -> memref<1x125xi32, #tpu.memory_space<vmem>>
        %dma_start3A_16 = tpu.memref_squeeze %dma_start3A_15 : memref<1x125xi32, #tpu.memory_space<vmem>> -> memref<125xi32, #tpu.memory_space<vmem>>
        %dma_start3A_17 = arith.constant 0 : i32
        %dma_start3A_18 = arith.constant 0 : i32
        %dma_start3A_19 = tpu.memref_slice %arg11[%dma_start3A_17, %dma_start3A_18] : memref<10000x128xf32, #tpu.memory_space<vmem_shared>> -> memref<10000x128xf32, #tpu.memory_space<vmem_shared>>
        tpu.enqueue_indirect_dma source(%arg9 : memref<125x128xf32, #tpu.memory_space<vmem>>) target(%dma_start3A_19 : memref<10000x128xf32, #tpu.memory_space<vmem_shared>>) offsets(%dma_start3A_16 : memref<125xi32, #tpu.memory_space<vmem>>) semaphore(%run_scoped3A : memref<!tpu.dma_semaphore, #tpu.memory_space<semaphore_mem>>) {add = true}
        %dma_wait3A = arith.constant 0 : i32
        %dma_wait3A_20 = tpu.memref_slice %arg8[%scan3A_14, %dma_wait3A] : memref<80x125xi32, #tpu.memory_space<vmem>> -> memref<1x125xi32, #tpu.memory_space<vmem>>
        %dma_wait3A_21 = tpu.memref_squeeze %dma_wait3A_20 : memref<1x125xi32, #tpu.memory_space<vmem>> -> memref<125xi32, #tpu.memory_space<vmem>>
        %dma_wait3A_22 = arith.constant 0 : i32
        %dma_wait3A_23 = arith.constant 0 : i32
        %dma_wait3A_24 = tpu.memref_slice %arg11[%dma_wait3A_22, %dma_wait3A_23] : memref<10000x128xf32, #tpu.memory_space<vmem_shared>> -> memref<10000x128xf32, #tpu.memory_space<vmem_shared>>
        tpu.wait_indirect_dma semaphore(%run_scoped3A : memref<!tpu.dma_semaphore, #tpu.memory_space<semaphore_mem>>) src(%arg9 : memref<125x128xf32, #tpu.memory_space<vmem>>) dst(%dma_wait3A_24 : memref<10000x128xf32, #tpu.memory_space<vmem_shared>>)
        tpu.yield
      }) : () -> ()
    }
    %scan3A_7 = arith.constant 80 : i32
    %barrier3A_8 = arith.constant 0 : index
    tpu.barrier barrier_id(%barrier3A_8)
    %lt3A_9 = arith.constant 10 : i32
    %lt3A_10 = arith.cmpi slt, %arg1, %lt3A_9 : i32
    %convert_element_type3A_11 = arith.extui %lt3A_10 : i1 to i32
    %cond3A_12 = arith.constant 0 : i32
    %cond3A_13 = arith.cmpi ne, %convert_element_type3A_11, %cond3A_12 : i32
    scf.if %cond3A_13 {
      %mul3A_14 = arith.constant 1000 : i32
      %mul3A_15 = arith.muli %arg1, %mul3A_14 : i32
      "tpu.region"() ({
        %run_scoped3A = tpu.sem_alloc : memref<!tpu.dma_semaphore, #tpu.memory_space<semaphore_mem>>
        %dma_start3A = arith.constant 0 : i32
        %dma_start3A_16 = tpu.memref_slice %arg6[%arg0, %mul3A_15, %dma_start3A] : memref<2x10000x128xf32, #tpu.memory_space<hbm>> -> memref<1x1000x128xf32, #tpu.memory_space<hbm>>
        %dma_start3A_17 = tpu.memref_squeeze %dma_start3A_16 : memref<1x1000x128xf32, #tpu.memory_space<hbm>> -> memref<1000x128xf32, #tpu.memory_space<hbm>>
        %dma_start3A_18 = arith.constant 0 : i32
        %dma_start3A_19 = tpu.memref_slice %arg11[%mul3A_15, %dma_start3A_18] : memref<10000x128xf32, #tpu.memory_space<vmem_shared>> -> memref<1000x128xf32, #tpu.memory_space<vmem_shared>>
        tpu.enqueue_dma source(%dma_start3A_19 : memref<1000x128xf32, #tpu.memory_space<vmem_shared>>) target(%dma_start3A_17 : memref<1000x128xf32, #tpu.memory_space<hbm>>) target_semaphore(%run_scoped3A : memref<!tpu.dma_semaphore, #tpu.memory_space<semaphore_mem>>)
        %dma_wait3A = arith.constant 0 : i32
        %dma_wait3A_20 = tpu.memref_slice %arg6[%arg0, %mul3A_15, %dma_wait3A] : memref<2x10000x128xf32, #tpu.memory_space<hbm>> -> memref<1x1000x128xf32, #tpu.memory_space<hbm>>
        %dma_wait3A_21 = tpu.memref_squeeze %dma_wait3A_20 : memref<1x1000x128xf32, #tpu.memory_space<hbm>> -> memref<1000x128xf32, #tpu.memory_space<hbm>>
        %dma_wait3A_22 = arith.constant 0 : i32
        %dma_wait3A_23 = tpu.memref_slice %arg11[%mul3A_15, %dma_wait3A_22] : memref<10000x128xf32, #tpu.memory_space<vmem_shared>> -> memref<1000x128xf32, #tpu.memory_space<vmem_shared>>
        tpu.wait_dma2 semaphore(%run_scoped3A : memref<!tpu.dma_semaphore, #tpu.memory_space<semaphore_mem>>) src(%dma_wait3A_23 : memref<1000x128xf32, #tpu.memory_space<vmem_shared>>) dst(%dma_wait3A_21 : memref<1000x128xf32, #tpu.memory_space<hbm>>)
        tpu.yield
      }) : () -> ()
    } else {
    }
    return
  }
}

#map = affine_map<(d0, d1) -> (0, 0)>
#map1 = affine_map<(d0, d1) -> (0, 0, 0)>
module attributes {stable_mosaic.version = 14 : i64} {
  func.func @_agg_body(%arg0: i32, %arg1: i32, %arg2: memref<10000x128xf32, #tpu.memory_space<hbm>>, %arg3: memref<32x80x125xi32, #tpu.memory_space<hbm>>, %arg4: memref<32x80x125xi32, #tpu.memory_space<hbm>>, %arg5: memref<40x128xf32, #tpu.memory_space<hbm>>, %arg6: memref<2x10000x128xf32, #tpu.memory_space<hbm>>, %arg7: memref<80x125xi32, #tpu.memory_space<vmem>>, %arg8: memref<80x125xi32, #tpu.memory_space<vmem>>, %arg9: memref<125x128xf32, #tpu.memory_space<vmem>>, %arg10: memref<40x128xf32, #tpu.memory_space<vmem>>, %arg11: memref<10000x128xf32, #tpu.memory_space<vmem_shared>>) attributes {dimension_semantics = [#tpu.dimension_semantics<core_parallel>, #tpu.dimension_semantics<subcore_parallel>], iteration_bounds = array<i64: 2, 16>, scalar_prefetch = 0 : i64, scratch_operands = 5 : i64, tpu.core_type = #tpu.core_type<sc_vector_subcore>, window_params = [{transform_indices = #map}, {transform_indices = #map1}, {transform_indices = #map1}, {transform_indices = #map}, {transform_indices = #map1}]} {
    %mul3A = arith.constant 16 : i32
    %mul3A_0 = arith.muli %arg0, %mul3A : i32
    %add3A = arith.addi %mul3A_0, %arg1 : i32
    %lt3A = arith.constant 10 : i32
    %lt3A_1 = arith.cmpi slt, %arg1, %lt3A : i32
    %convert_element_type3A = arith.extui %lt3A_1 : i1 to i32
    %cond3A = arith.constant 0 : i32
    %cond3A_2 = arith.cmpi ne, %convert_element_type3A, %cond3A : i32
    scf.if %cond3A_2 {
      "tpu.region"() ({
        %run_scoped3A = tpu.sem_alloc : memref<!tpu.dma_semaphore, #tpu.memory_space<semaphore_mem>>
        tpu.enqueue_dma source(%arg5 : memref<40x128xf32, #tpu.memory_space<hbm>>) target(%arg10 : memref<40x128xf32, #tpu.memory_space<vmem>>) target_semaphore(%run_scoped3A : memref<!tpu.dma_semaphore, #tpu.memory_space<semaphore_mem>>)
        tpu.wait_dma2 semaphore(%run_scoped3A : memref<!tpu.dma_semaphore, #tpu.memory_space<semaphore_mem>>) src(%arg5 : memref<40x128xf32, #tpu.memory_space<hbm>>) dst(%arg10 : memref<40x128xf32, #tpu.memory_space<vmem>>)
        tpu.yield
      }) : () -> ()
      %mul3A_14 = arith.constant 1000 : i32
      %mul3A_15 = arith.muli %arg1, %mul3A_14 : i32
      %add3A_16 = arith.constant 0 : i32
      %add3A_17 = arith.addi %mul3A_15, %add3A_16 : i32
      "tpu.region"() ({
        %run_scoped3A = tpu.sem_alloc : memref<!tpu.dma_semaphore, #tpu.memory_space<semaphore_mem>>
        %dma_start3A = arith.constant 0 : i32
        %dma_start3A_114 = tpu.memref_slice %arg11[%add3A_17, %dma_start3A] : memref<10000x128xf32, #tpu.memory_space<vmem_shared>> -> memref<40x128xf32, #tpu.memory_space<vmem_shared>>
        %dma_start3A_115 = arith.constant 0 : i32
        %dma_start3A_116 = tpu.memref_slice %arg11[%add3A_17, %dma_start3A_115] : memref<10000x128xf32, #tpu.memory_space<vmem_shared>> -> memref<40x128xf32, #tpu.memory_space<vmem_shared>>
        tpu.enqueue_dma source(%arg10 : memref<40x128xf32, #tpu.memory_space<vmem>>) target(%dma_start3A_116 : memref<40x128xf32, #tpu.memory_space<vmem_shared>>) target_semaphore(%run_scoped3A : memref<!tpu.dma_semaphore, #tpu.memory_space<semaphore_mem>>)
        %dma_wait3A = arith.constant 0 : i32
        %dma_wait3A_117 = tpu.memref_slice %arg11[%add3A_17, %dma_wait3A] : memref<10000x128xf32, #tpu.memory_space<vmem_shared>> -> memref<40x128xf32, #tpu.memory_space<vmem_shared>>
        %dma_wait3A_118 = arith.constant 0 : i32
        %dma_wait3A_119 = tpu.memref_slice %arg11[%add3A_17, %dma_wait3A_118] : memref<10000x128xf32, #tpu.memory_space<vmem_shared>> -> memref<40x128xf32, #tpu.memory_space<vmem_shared>>
        tpu.wait_dma2 semaphore(%run_scoped3A : memref<!tpu.dma_semaphore, #tpu.memory_space<semaphore_mem>>) src(%arg10 : memref<40x128xf32, #tpu.memory_space<vmem>>) dst(%dma_wait3A_119 : memref<40x128xf32, #tpu.memory_space<vmem_shared>>)
        tpu.yield
      }) : () -> ()
      %mul3A_18 = arith.constant 1000 : i32
      %mul3A_19 = arith.muli %arg1, %mul3A_18 : i32
      %add3A_20 = arith.constant 40 : i32
      %add3A_21 = arith.addi %mul3A_19, %add3A_20 : i32
      "tpu.region"() ({
        %run_scoped3A = tpu.sem_alloc : memref<!tpu.dma_semaphore, #tpu.memory_space<semaphore_mem>>
        %dma_start3A = arith.constant 0 : i32
        %dma_start3A_114 = tpu.memref_slice %arg11[%add3A_21, %dma_start3A] : memref<10000x128xf32, #tpu.memory_space<vmem_shared>> -> memref<40x128xf32, #tpu.memory_space<vmem_shared>>
        %dma_start3A_115 = arith.constant 0 : i32
        %dma_start3A_116 = tpu.memref_slice %arg11[%add3A_21, %dma_start3A_115] : memref<10000x128xf32, #tpu.memory_space<vmem_shared>> -> memref<40x128xf32, #tpu.memory_space<vmem_shared>>
        tpu.enqueue_dma source(%arg10 : memref<40x128xf32, #tpu.memory_space<vmem>>) target(%dma_start3A_116 : memref<40x128xf32, #tpu.memory_space<vmem_shared>>) target_semaphore(%run_scoped3A : memref<!tpu.dma_semaphore, #tpu.memory_space<semaphore_mem>>)
        %dma_wait3A = arith.constant 0 : i32
        %dma_wait3A_117 = tpu.memref_slice %arg11[%add3A_21, %dma_wait3A] : memref<10000x128xf32, #tpu.memory_space<vmem_shared>> -> memref<40x128xf32, #tpu.memory_space<vmem_shared>>
        %dma_wait3A_118 = arith.constant 0 : i32
        %dma_wait3A_119 = tpu.memref_slice %arg11[%add3A_21, %dma_wait3A_118] : memref<10000x128xf32, #tpu.memory_space<vmem_shared>> -> memref<40x128xf32, #tpu.memory_space<vmem_shared>>
        tpu.wait_dma2 semaphore(%run_scoped3A : memref<!tpu.dma_semaphore, #tpu.memory_space<semaphore_mem>>) src(%arg10 : memref<40x128xf32, #tpu.memory_space<vmem>>) dst(%dma_wait3A_119 : memref<40x128xf32, #tpu.memory_space<vmem_shared>>)
        tpu.yield
      }) : () -> ()
      %mul3A_22 = arith.constant 1000 : i32
      %mul3A_23 = arith.muli %arg1, %mul3A_22 : i32
      %add3A_24 = arith.constant 80 : i32
      %add3A_25 = arith.addi %mul3A_23, %add3A_24 : i32
      "tpu.region"() ({
        %run_scoped3A = tpu.sem_alloc : memref<!tpu.dma_semaphore, #tpu.memory_space<semaphore_mem>>
        %dma_start3A = arith.constant 0 : i32
        %dma_start3A_114 = tpu.memref_slice %arg11[%add3A_25, %dma_start3A] : memref<10000x128xf32, #tpu.memory_space<vmem_shared>> -> memref<40x128xf32, #tpu.memory_space<vmem_shared>>
        %dma_start3A_115 = arith.constant 0 : i32
        %dma_start3A_116 = tpu.memref_slice %arg11[%add3A_25, %dma_start3A_115] : memref<10000x128xf32, #tpu.memory_space<vmem_shared>> -> memref<40x128xf32, #tpu.memory_space<vmem_shared>>
        tpu.enqueue_dma source(%arg10 : memref<40x128xf32, #tpu.memory_space<vmem>>) target(%dma_start3A_116 : memref<40x128xf32, #tpu.memory_space<vmem_shared>>) target_semaphore(%run_scoped3A : memref<!tpu.dma_semaphore, #tpu.memory_space<semaphore_mem>>)
        %dma_wait3A = arith.constant 0 : i32
        %dma_wait3A_117 = tpu.memref_slice %arg11[%add3A_25, %dma_wait3A] : memref<10000x128xf32, #tpu.memory_space<vmem_shared>> -> memref<40x128xf32, #tpu.memory_space<vmem_shared>>
        %dma_wait3A_118 = arith.constant 0 : i32
        %dma_wait3A_119 = tpu.memref_slice %arg11[%add3A_25, %dma_wait3A_118] : memref<10000x128xf32, #tpu.memory_space<vmem_shared>> -> memref<40x128xf32, #tpu.memory_space<vmem_shared>>
        tpu.wait_dma2 semaphore(%run_scoped3A : memref<!tpu.dma_semaphore, #tpu.memory_space<semaphore_mem>>) src(%arg10 : memref<40x128xf32, #tpu.memory_space<vmem>>) dst(%dma_wait3A_119 : memref<40x128xf32, #tpu.memory_space<vmem_shared>>)
        tpu.yield
      }) : () -> ()
      %mul3A_26 = arith.constant 1000 : i32
      %mul3A_27 = arith.muli %arg1, %mul3A_26 : i32
      %add3A_28 = arith.constant 120 : i32
      %add3A_29 = arith.addi %mul3A_27, %add3A_28 : i32
      "tpu.region"() ({
        %run_scoped3A = tpu.sem_alloc : memref<!tpu.dma_semaphore, #tpu.memory_space<semaphore_mem>>
        %dma_start3A = arith.constant 0 : i32
        %dma_start3A_114 = tpu.memref_slice %arg11[%add3A_29, %dma_start3A] : memref<10000x128xf32, #tpu.memory_space<vmem_shared>> -> memref<40x128xf32, #tpu.memory_space<vmem_shared>>
        %dma_start3A_115 = arith.constant 0 : i32
        %dma_start3A_116 = tpu.memref_slice %arg11[%add3A_29, %dma_start3A_115] : memref<10000x128xf32, #tpu.memory_space<vmem_shared>> -> memref<40x128xf32, #tpu.memory_space<vmem_shared>>
        tpu.enqueue_dma source(%arg10 : memref<40x128xf32, #tpu.memory_space<vmem>>) target(%dma_start3A_116 : memref<40x128xf32, #tpu.memory_space<vmem_shared>>) target_semaphore(%run_scoped3A : memref<!tpu.dma_semaphore, #tpu.memory_space<semaphore_mem>>)
        %dma_wait3A = arith.constant 0 : i32
        %dma_wait3A_117 = tpu.memref_slice %arg11[%add3A_29, %dma_wait3A] : memref<10000x128xf32, #tpu.memory_space<vmem_shared>> -> memref<40x128xf32, #tpu.memory_space<vmem_shared>>
        %dma_wait3A_118 = arith.constant 0 : i32
        %dma_wait3A_119 = tpu.memref_slice %arg11[%add3A_29, %dma_wait3A_118] : memref<10000x128xf32, #tpu.memory_space<vmem_shared>> -> memref<40x128xf32, #tpu.memory_space<vmem_shared>>
        tpu.wait_dma2 semaphore(%run_scoped3A : memref<!tpu.dma_semaphore, #tpu.memory_space<semaphore_mem>>) src(%arg10 : memref<40x128xf32, #tpu.memory_space<vmem>>) dst(%dma_wait3A_119 : memref<40x128xf32, #tpu.memory_space<vmem_shared>>)
        tpu.yield
      }) : () -> ()
      %mul3A_30 = arith.constant 1000 : i32
      %mul3A_31 = arith.muli %arg1, %mul3A_30 : i32
      %add3A_32 = arith.constant 160 : i32
      %add3A_33 = arith.addi %mul3A_31, %add3A_32 : i32
      "tpu.region"() ({
        %run_scoped3A = tpu.sem_alloc : memref<!tpu.dma_semaphore, #tpu.memory_space<semaphore_mem>>
        %dma_start3A = arith.constant 0 : i32
        %dma_start3A_114 = tpu.memref_slice %arg11[%add3A_33, %dma_start3A] : memref<10000x128xf32, #tpu.memory_space<vmem_shared>> -> memref<40x128xf32, #tpu.memory_space<vmem_shared>>
        %dma_start3A_115 = arith.constant 0 : i32
        %dma_start3A_116 = tpu.memref_slice %arg11[%add3A_33, %dma_start3A_115] : memref<10000x128xf32, #tpu.memory_space<vmem_shared>> -> memref<40x128xf32, #tpu.memory_space<vmem_shared>>
        tpu.enqueue_dma source(%arg10 : memref<40x128xf32, #tpu.memory_space<vmem>>) target(%dma_start3A_116 : memref<40x128xf32, #tpu.memory_space<vmem_shared>>) target_semaphore(%run_scoped3A : memref<!tpu.dma_semaphore, #tpu.memory_space<semaphore_mem>>)
        %dma_wait3A = arith.constant 0 : i32
        %dma_wait3A_117 = tpu.memref_slice %arg11[%add3A_33, %dma_wait3A] : memref<10000x128xf32, #tpu.memory_space<vmem_shared>> -> memref<40x128xf32, #tpu.memory_space<vmem_shared>>
        %dma_wait3A_118 = arith.constant 0 : i32
        %dma_wait3A_119 = tpu.memref_slice %arg11[%add3A_33, %dma_wait3A_118] : memref<10000x128xf32, #tpu.memory_space<vmem_shared>> -> memref<40x128xf32, #tpu.memory_space<vmem_shared>>
        tpu.wait_dma2 semaphore(%run_scoped3A : memref<!tpu.dma_semaphore, #tpu.memory_space<semaphore_mem>>) src(%arg10 : memref<40x128xf32, #tpu.memory_space<vmem>>) dst(%dma_wait3A_119 : memref<40x128xf32, #tpu.memory_space<vmem_shared>>)
        tpu.yield
      }) : () -> ()
      %mul3A_34 = arith.constant 1000 : i32
      %mul3A_35 = arith.muli %arg1, %mul3A_34 : i32
      %add3A_36 = arith.constant 200 : i32
      %add3A_37 = arith.addi %mul3A_35, %add3A_36 : i32
      "tpu.region"() ({
        %run_scoped3A = tpu.sem_alloc : memref<!tpu.dma_semaphore, #tpu.memory_space<semaphore_mem>>
        %dma_start3A = arith.constant 0 : i32
        %dma_start3A_114 = tpu.memref_slice %arg11[%add3A_37, %dma_start3A] : memref<10000x128xf32, #tpu.memory_space<vmem_shared>> -> memref<40x128xf32, #tpu.memory_space<vmem_shared>>
        %dma_start3A_115 = arith.constant 0 : i32
        %dma_start3A_116 = tpu.memref_slice %arg11[%add3A_37, %dma_start3A_115] : memref<10000x128xf32, #tpu.memory_space<vmem_shared>> -> memref<40x128xf32, #tpu.memory_space<vmem_shared>>
        tpu.enqueue_dma source(%arg10 : memref<40x128xf32, #tpu.memory_space<vmem>>) target(%dma_start3A_116 : memref<40x128xf32, #tpu.memory_space<vmem_shared>>) target_semaphore(%run_scoped3A : memref<!tpu.dma_semaphore, #tpu.memory_space<semaphore_mem>>)
        %dma_wait3A = arith.constant 0 : i32
        %dma_wait3A_117 = tpu.memref_slice %arg11[%add3A_37, %dma_wait3A] : memref<10000x128xf32, #tpu.memory_space<vmem_shared>> -> memref<40x128xf32, #tpu.memory_space<vmem_shared>>
        %dma_wait3A_118 = arith.constant 0 : i32
        %dma_wait3A_119 = tpu.memref_slice %arg11[%add3A_37, %dma_wait3A_118] : memref<10000x128xf32, #tpu.memory_space<vmem_shared>> -> memref<40x128xf32, #tpu.memory_space<vmem_shared>>
        tpu.wait_dma2 semaphore(%run_scoped3A : memref<!tpu.dma_semaphore, #tpu.memory_space<semaphore_mem>>) src(%arg10 : memref<40x128xf32, #tpu.memory_space<vmem>>) dst(%dma_wait3A_119 : memref<40x128xf32, #tpu.memory_space<vmem_shared>>)
        tpu.yield
      }) : () -> ()
      %mul3A_38 = arith.constant 1000 : i32
      %mul3A_39 = arith.muli %arg1, %mul3A_38 : i32
      %add3A_40 = arith.constant 240 : i32
      %add3A_41 = arith.addi %mul3A_39, %add3A_40 : i32
      "tpu.region"() ({
        %run_scoped3A = tpu.sem_alloc : memref<!tpu.dma_semaphore, #tpu.memory_space<semaphore_mem>>
        %dma_start3A = arith.constant 0 : i32
        %dma_start3A_114 = tpu.memref_slice %arg11[%add3A_41, %dma_start3A] : memref<10000x128xf32, #tpu.memory_space<vmem_shared>> -> memref<40x128xf32, #tpu.memory_space<vmem_shared>>
        %dma_start3A_115 = arith.constant 0 : i32
        %dma_start3A_116 = tpu.memref_slice %arg11[%add3A_41, %dma_start3A_115] : memref<10000x128xf32, #tpu.memory_space<vmem_shared>> -> memref<40x128xf32, #tpu.memory_space<vmem_shared>>
        tpu.enqueue_dma source(%arg10 : memref<40x128xf32, #tpu.memory_space<vmem>>) target(%dma_start3A_116 : memref<40x128xf32, #tpu.memory_space<vmem_shared>>) target_semaphore(%run_scoped3A : memref<!tpu.dma_semaphore, #tpu.memory_space<semaphore_mem>>)
        %dma_wait3A = arith.constant 0 : i32
        %dma_wait3A_117 = tpu.memref_slice %arg11[%add3A_41, %dma_wait3A] : memref<10000x128xf32, #tpu.memory_space<vmem_shared>> -> memref<40x128xf32, #tpu.memory_space<vmem_shared>>
        %dma_wait3A_118 = arith.constant 0 : i32
        %dma_wait3A_119 = tpu.memref_slice %arg11[%add3A_41, %dma_wait3A_118] : memref<10000x128xf32, #tpu.memory_space<vmem_shared>> -> memref<40x128xf32, #tpu.memory_space<vmem_shared>>
        tpu.wait_dma2 semaphore(%run_scoped3A : memref<!tpu.dma_semaphore, #tpu.memory_space<semaphore_mem>>) src(%arg10 : memref<40x128xf32, #tpu.memory_space<vmem>>) dst(%dma_wait3A_119 : memref<40x128xf32, #tpu.memory_space<vmem_shared>>)
        tpu.yield
      }) : () -> ()
      %mul3A_42 = arith.constant 1000 : i32
      %mul3A_43 = arith.muli %arg1, %mul3A_42 : i32
      %add3A_44 = arith.constant 280 : i32
      %add3A_45 = arith.addi %mul3A_43, %add3A_44 : i32
      "tpu.region"() ({
        %run_scoped3A = tpu.sem_alloc : memref<!tpu.dma_semaphore, #tpu.memory_space<semaphore_mem>>
        %dma_start3A = arith.constant 0 : i32
        %dma_start3A_114 = tpu.memref_slice %arg11[%add3A_45, %dma_start3A] : memref<10000x128xf32, #tpu.memory_space<vmem_shared>> -> memref<40x128xf32, #tpu.memory_space<vmem_shared>>
        %dma_start3A_115 = arith.constant 0 : i32
        %dma_start3A_116 = tpu.memref_slice %arg11[%add3A_45, %dma_start3A_115] : memref<10000x128xf32, #tpu.memory_space<vmem_shared>> -> memref<40x128xf32, #tpu.memory_space<vmem_shared>>
        tpu.enqueue_dma source(%arg10 : memref<40x128xf32, #tpu.memory_space<vmem>>) target(%dma_start3A_116 : memref<40x128xf32, #tpu.memory_space<vmem_shared>>) target_semaphore(%run_scoped3A : memref<!tpu.dma_semaphore, #tpu.memory_space<semaphore_mem>>)
        %dma_wait3A = arith.constant 0 : i32
        %dma_wait3A_117 = tpu.memref_slice %arg11[%add3A_45, %dma_wait3A] : memref<10000x128xf32, #tpu.memory_space<vmem_shared>> -> memref<40x128xf32, #tpu.memory_space<vmem_shared>>
        %dma_wait3A_118 = arith.constant 0 : i32
        %dma_wait3A_119 = tpu.memref_slice %arg11[%add3A_45, %dma_wait3A_118] : memref<10000x128xf32, #tpu.memory_space<vmem_shared>> -> memref<40x128xf32, #tpu.memory_space<vmem_shared>>
        tpu.wait_dma2 semaphore(%run_scoped3A : memref<!tpu.dma_semaphore, #tpu.memory_space<semaphore_mem>>) src(%arg10 : memref<40x128xf32, #tpu.memory_space<vmem>>) dst(%dma_wait3A_119 : memref<40x128xf32, #tpu.memory_space<vmem_shared>>)
        tpu.yield
      }) : () -> ()
      %mul3A_46 = arith.constant 1000 : i32
      %mul3A_47 = arith.muli %arg1, %mul3A_46 : i32
      %add3A_48 = arith.constant 320 : i32
      %add3A_49 = arith.addi %mul3A_47, %add3A_48 : i32
      "tpu.region"() ({
        %run_scoped3A = tpu.sem_alloc : memref<!tpu.dma_semaphore, #tpu.memory_space<semaphore_mem>>
        %dma_start3A = arith.constant 0 : i32
        %dma_start3A_114 = tpu.memref_slice %arg11[%add3A_49, %dma_start3A] : memref<10000x128xf32, #tpu.memory_space<vmem_shared>> -> memref<40x128xf32, #tpu.memory_space<vmem_shared>>
        %dma_start3A_115 = arith.constant 0 : i32
        %dma_start3A_116 = tpu.memref_slice %arg11[%add3A_49, %dma_start3A_115] : memref<10000x128xf32, #tpu.memory_space<vmem_shared>> -> memref<40x128xf32, #tpu.memory_space<vmem_shared>>
        tpu.enqueue_dma source(%arg10 : memref<40x128xf32, #tpu.memory_space<vmem>>) target(%dma_start3A_116 : memref<40x128xf32, #tpu.memory_space<vmem_shared>>) target_semaphore(%run_scoped3A : memref<!tpu.dma_semaphore, #tpu.memory_space<semaphore_mem>>)
        %dma_wait3A = arith.constant 0 : i32
        %dma_wait3A_117 = tpu.memref_slice %arg11[%add3A_49, %dma_wait3A] : memref<10000x128xf32, #tpu.memory_space<vmem_shared>> -> memref<40x128xf32, #tpu.memory_space<vmem_shared>>
        %dma_wait3A_118 = arith.constant 0 : i32
        %dma_wait3A_119 = tpu.memref_slice %arg11[%add3A_49, %dma_wait3A_118] : memref<10000x128xf32, #tpu.memory_space<vmem_shared>> -> memref<40x128xf32, #tpu.memory_space<vmem_shared>>
        tpu.wait_dma2 semaphore(%run_scoped3A : memref<!tpu.dma_semaphore, #tpu.memory_space<semaphore_mem>>) src(%arg10 : memref<40x128xf32, #tpu.memory_space<vmem>>) dst(%dma_wait3A_119 : memref<40x128xf32, #tpu.memory_space<vmem_shared>>)
        tpu.yield
      }) : () -> ()
      %mul3A_50 = arith.constant 1000 : i32
      %mul3A_51 = arith.muli %arg1, %mul3A_50 : i32
      %add3A_52 = arith.constant 360 : i32
      %add3A_53 = arith.addi %mul3A_51, %add3A_52 : i32
      "tpu.region"() ({
        %run_scoped3A = tpu.sem_alloc : memref<!tpu.dma_semaphore, #tpu.memory_space<semaphore_mem>>
        %dma_start3A = arith.constant 0 : i32
        %dma_start3A_114 = tpu.memref_slice %arg11[%add3A_53, %dma_start3A] : memref<10000x128xf32, #tpu.memory_space<vmem_shared>> -> memref<40x128xf32, #tpu.memory_space<vmem_shared>>
        %dma_start3A_115 = arith.constant 0 : i32
        %dma_start3A_116 = tpu.memref_slice %arg11[%add3A_53, %dma_start3A_115] : memref<10000x128xf32, #tpu.memory_space<vmem_shared>> -> memref<40x128xf32, #tpu.memory_space<vmem_shared>>
        tpu.enqueue_dma source(%arg10 : memref<40x128xf32, #tpu.memory_space<vmem>>) target(%dma_start3A_116 : memref<40x128xf32, #tpu.memory_space<vmem_shared>>) target_semaphore(%run_scoped3A : memref<!tpu.dma_semaphore, #tpu.memory_space<semaphore_mem>>)
        %dma_wait3A = arith.constant 0 : i32
        %dma_wait3A_117 = tpu.memref_slice %arg11[%add3A_53, %dma_wait3A] : memref<10000x128xf32, #tpu.memory_space<vmem_shared>> -> memref<40x128xf32, #tpu.memory_space<vmem_shared>>
        %dma_wait3A_118 = arith.constant 0 : i32
        %dma_wait3A_119 = tpu.memref_slice %arg11[%add3A_53, %dma_wait3A_118] : memref<10000x128xf32, #tpu.memory_space<vmem_shared>> -> memref<40x128xf32, #tpu.memory_space<vmem_shared>>
        tpu.wait_dma2 semaphore(%run_scoped3A : memref<!tpu.dma_semaphore, #tpu.memory_space<semaphore_mem>>) src(%arg10 : memref<40x128xf32, #tpu.memory_space<vmem>>) dst(%dma_wait3A_119 : memref<40x128xf32, #tpu.memory_space<vmem_shared>>)
        tpu.yield
      }) : () -> ()
      %mul3A_54 = arith.constant 1000 : i32
      %mul3A_55 = arith.muli %arg1, %mul3A_54 : i32
      %add3A_56 = arith.constant 400 : i32
      %add3A_57 = arith.addi %mul3A_55, %add3A_56 : i32
      "tpu.region"() ({
        %run_scoped3A = tpu.sem_alloc : memref<!tpu.dma_semaphore, #tpu.memory_space<semaphore_mem>>
        %dma_start3A = arith.constant 0 : i32
        %dma_start3A_114 = tpu.memref_slice %arg11[%add3A_57, %dma_start3A] : memref<10000x128xf32, #tpu.memory_space<vmem_shared>> -> memref<40x128xf32, #tpu.memory_space<vmem_shared>>
        %dma_start3A_115 = arith.constant 0 : i32
        %dma_start3A_116 = tpu.memref_slice %arg11[%add3A_57, %dma_start3A_115] : memref<10000x128xf32, #tpu.memory_space<vmem_shared>> -> memref<40x128xf32, #tpu.memory_space<vmem_shared>>
        tpu.enqueue_dma source(%arg10 : memref<40x128xf32, #tpu.memory_space<vmem>>) target(%dma_start3A_116 : memref<40x128xf32, #tpu.memory_space<vmem_shared>>) target_semaphore(%run_scoped3A : memref<!tpu.dma_semaphore, #tpu.memory_space<semaphore_mem>>)
        %dma_wait3A = arith.constant 0 : i32
        %dma_wait3A_117 = tpu.memref_slice %arg11[%add3A_57, %dma_wait3A] : memref<10000x128xf32, #tpu.memory_space<vmem_shared>> -> memref<40x128xf32, #tpu.memory_space<vmem_shared>>
        %dma_wait3A_118 = arith.constant 0 : i32
        %dma_wait3A_119 = tpu.memref_slice %arg11[%add3A_57, %dma_wait3A_118] : memref<10000x128xf32, #tpu.memory_space<vmem_shared>> -> memref<40x128xf32, #tpu.memory_space<vmem_shared>>
        tpu.wait_dma2 semaphore(%run_scoped3A : memref<!tpu.dma_semaphore, #tpu.memory_space<semaphore_mem>>) src(%arg10 : memref<40x128xf32, #tpu.memory_space<vmem>>) dst(%dma_wait3A_119 : memref<40x128xf32, #tpu.memory_space<vmem_shared>>)
        tpu.yield
      }) : () -> ()
      %mul3A_58 = arith.constant 1000 : i32
      %mul3A_59 = arith.muli %arg1, %mul3A_58 : i32
      %add3A_60 = arith.constant 440 : i32
      %add3A_61 = arith.addi %mul3A_59, %add3A_60 : i32
      "tpu.region"() ({
        %run_scoped3A = tpu.sem_alloc : memref<!tpu.dma_semaphore, #tpu.memory_space<semaphore_mem>>
        %dma_start3A = arith.constant 0 : i32
        %dma_start3A_114 = tpu.memref_slice %arg11[%add3A_61, %dma_start3A] : memref<10000x128xf32, #tpu.memory_space<vmem_shared>> -> memref<40x128xf32, #tpu.memory_space<vmem_shared>>
        %dma_start3A_115 = arith.constant 0 : i32
        %dma_start3A_116 = tpu.memref_slice %arg11[%add3A_61, %dma_start3A_115] : memref<10000x128xf32, #tpu.memory_space<vmem_shared>> -> memref<40x128xf32, #tpu.memory_space<vmem_shared>>
        tpu.enqueue_dma source(%arg10 : memref<40x128xf32, #tpu.memory_space<vmem>>) target(%dma_start3A_116 : memref<40x128xf32, #tpu.memory_space<vmem_shared>>) target_semaphore(%run_scoped3A : memref<!tpu.dma_semaphore, #tpu.memory_space<semaphore_mem>>)
        %dma_wait3A = arith.constant 0 : i32
        %dma_wait3A_117 = tpu.memref_slice %arg11[%add3A_61, %dma_wait3A] : memref<10000x128xf32, #tpu.memory_space<vmem_shared>> -> memref<40x128xf32, #tpu.memory_space<vmem_shared>>
        %dma_wait3A_118 = arith.constant 0 : i32
        %dma_wait3A_119 = tpu.memref_slice %arg11[%add3A_61, %dma_wait3A_118] : memref<10000x128xf32, #tpu.memory_space<vmem_shared>> -> memref<40x128xf32, #tpu.memory_space<vmem_shared>>
        tpu.wait_dma2 semaphore(%run_scoped3A : memref<!tpu.dma_semaphore, #tpu.memory_space<semaphore_mem>>) src(%arg10 : memref<40x128xf32, #tpu.memory_space<vmem>>) dst(%dma_wait3A_119 : memref<40x128xf32, #tpu.memory_space<vmem_shared>>)
        tpu.yield
      }) : () -> ()
      %mul3A_62 = arith.constant 1000 : i32
      %mul3A_63 = arith.muli %arg1, %mul3A_62 : i32
      %add3A_64 = arith.constant 480 : i32
      %add3A_65 = arith.addi %mul3A_63, %add3A_64 : i32
      "tpu.region"() ({
        %run_scoped3A = tpu.sem_alloc : memref<!tpu.dma_semaphore, #tpu.memory_space<semaphore_mem>>
        %dma_start3A = arith.constant 0 : i32
        %dma_start3A_114 = tpu.memref_slice %arg11[%add3A_65, %dma_start3A] : memref<10000x128xf32, #tpu.memory_space<vmem_shared>> -> memref<40x128xf32, #tpu.memory_space<vmem_shared>>
        %dma_start3A_115 = arith.constant 0 : i32
        %dma_start3A_116 = tpu.memref_slice %arg11[%add3A_65, %dma_start3A_115] : memref<10000x128xf32, #tpu.memory_space<vmem_shared>> -> memref<40x128xf32, #tpu.memory_space<vmem_shared>>
        tpu.enqueue_dma source(%arg10 : memref<40x128xf32, #tpu.memory_space<vmem>>) target(%dma_start3A_116 : memref<40x128xf32, #tpu.memory_space<vmem_shared>>) target_semaphore(%run_scoped3A : memref<!tpu.dma_semaphore, #tpu.memory_space<semaphore_mem>>)
        %dma_wait3A = arith.constant 0 : i32
        %dma_wait3A_117 = tpu.memref_slice %arg11[%add3A_65, %dma_wait3A] : memref<10000x128xf32, #tpu.memory_space<vmem_shared>> -> memref<40x128xf32, #tpu.memory_space<vmem_shared>>
        %dma_wait3A_118 = arith.constant 0 : i32
        %dma_wait3A_119 = tpu.memref_slice %arg11[%add3A_65, %dma_wait3A_118] : memref<10000x128xf32, #tpu.memory_space<vmem_shared>> -> memref<40x128xf32, #tpu.memory_space<vmem_shared>>
        tpu.wait_dma2 semaphore(%run_scoped3A : memref<!tpu.dma_semaphore, #tpu.memory_space<semaphore_mem>>) src(%arg10 : memref<40x128xf32, #tpu.memory_space<vmem>>) dst(%dma_wait3A_119 : memref<40x128xf32, #tpu.memory_space<vmem_shared>>)
        tpu.yield
      }) : () -> ()
      %mul3A_66 = arith.constant 1000 : i32
      %mul3A_67 = arith.muli %arg1, %mul3A_66 : i32
      %add3A_68 = arith.constant 520 : i32
      %add3A_69 = arith.addi %mul3A_67, %add3A_68 : i32
      "tpu.region"() ({
        %run_scoped3A = tpu.sem_alloc : memref<!tpu.dma_semaphore, #tpu.memory_space<semaphore_mem>>
        %dma_start3A = arith.constant 0 : i32
        %dma_start3A_114 = tpu.memref_slice %arg11[%add3A_69, %dma_start3A] : memref<10000x128xf32, #tpu.memory_space<vmem_shared>> -> memref<40x128xf32, #tpu.memory_space<vmem_shared>>
        %dma_start3A_115 = arith.constant 0 : i32
        %dma_start3A_116 = tpu.memref_slice %arg11[%add3A_69, %dma_start3A_115] : memref<10000x128xf32, #tpu.memory_space<vmem_shared>> -> memref<40x128xf32, #tpu.memory_space<vmem_shared>>
        tpu.enqueue_dma source(%arg10 : memref<40x128xf32, #tpu.memory_space<vmem>>) target(%dma_start3A_116 : memref<40x128xf32, #tpu.memory_space<vmem_shared>>) target_semaphore(%run_scoped3A : memref<!tpu.dma_semaphore, #tpu.memory_space<semaphore_mem>>)
        %dma_wait3A = arith.constant 0 : i32
        %dma_wait3A_117 = tpu.memref_slice %arg11[%add3A_69, %dma_wait3A] : memref<10000x128xf32, #tpu.memory_space<vmem_shared>> -> memref<40x128xf32, #tpu.memory_space<vmem_shared>>
        %dma_wait3A_118 = arith.constant 0 : i32
        %dma_wait3A_119 = tpu.memref_slice %arg11[%add3A_69, %dma_wait3A_118] : memref<10000x128xf32, #tpu.memory_space<vmem_shared>> -> memref<40x128xf32, #tpu.memory_space<vmem_shared>>
        tpu.wait_dma2 semaphore(%run_scoped3A : memref<!tpu.dma_semaphore, #tpu.memory_space<semaphore_mem>>) src(%arg10 : memref<40x128xf32, #tpu.memory_space<vmem>>) dst(%dma_wait3A_119 : memref<40x128xf32, #tpu.memory_space<vmem_shared>>)
        tpu.yield
      }) : () -> ()
      %mul3A_70 = arith.constant 1000 : i32
      %mul3A_71 = arith.muli %arg1, %mul3A_70 : i32
      %add3A_72 = arith.constant 560 : i32
      %add3A_73 = arith.addi %mul3A_71, %add3A_72 : i32
      "tpu.region"() ({
        %run_scoped3A = tpu.sem_alloc : memref<!tpu.dma_semaphore, #tpu.memory_space<semaphore_mem>>
        %dma_start3A = arith.constant 0 : i32
        %dma_start3A_114 = tpu.memref_slice %arg11[%add3A_73, %dma_start3A] : memref<10000x128xf32, #tpu.memory_space<vmem_shared>> -> memref<40x128xf32, #tpu.memory_space<vmem_shared>>
        %dma_start3A_115 = arith.constant 0 : i32
        %dma_start3A_116 = tpu.memref_slice %arg11[%add3A_73, %dma_start3A_115] : memref<10000x128xf32, #tpu.memory_space<vmem_shared>> -> memref<40x128xf32, #tpu.memory_space<vmem_shared>>
        tpu.enqueue_dma source(%arg10 : memref<40x128xf32, #tpu.memory_space<vmem>>) target(%dma_start3A_116 : memref<40x128xf32, #tpu.memory_space<vmem_shared>>) target_semaphore(%run_scoped3A : memref<!tpu.dma_semaphore, #tpu.memory_space<semaphore_mem>>)
        %dma_wait3A = arith.constant 0 : i32
        %dma_wait3A_117 = tpu.memref_slice %arg11[%add3A_73, %dma_wait3A] : memref<10000x128xf32, #tpu.memory_space<vmem_shared>> -> memref<40x128xf32, #tpu.memory_space<vmem_shared>>
        %dma_wait3A_118 = arith.constant 0 : i32
        %dma_wait3A_119 = tpu.memref_slice %arg11[%add3A_73, %dma_wait3A_118] : memref<10000x128xf32, #tpu.memory_space<vmem_shared>> -> memref<40x128xf32, #tpu.memory_space<vmem_shared>>
        tpu.wait_dma2 semaphore(%run_scoped3A : memref<!tpu.dma_semaphore, #tpu.memory_space<semaphore_mem>>) src(%arg10 : memref<40x128xf32, #tpu.memory_space<vmem>>) dst(%dma_wait3A_119 : memref<40x128xf32, #tpu.memory_space<vmem_shared>>)
        tpu.yield
      }) : () -> ()
      %mul3A_74 = arith.constant 1000 : i32
      %mul3A_75 = arith.muli %arg1, %mul3A_74 : i32
      %add3A_76 = arith.constant 600 : i32
      %add3A_77 = arith.addi %mul3A_75, %add3A_76 : i32
      "tpu.region"() ({
        %run_scoped3A = tpu.sem_alloc : memref<!tpu.dma_semaphore, #tpu.memory_space<semaphore_mem>>
        %dma_start3A = arith.constant 0 : i32
        %dma_start3A_114 = tpu.memref_slice %arg11[%add3A_77, %dma_start3A] : memref<10000x128xf32, #tpu.memory_space<vmem_shared>> -> memref<40x128xf32, #tpu.memory_space<vmem_shared>>
        %dma_start3A_115 = arith.constant 0 : i32
        %dma_start3A_116 = tpu.memref_slice %arg11[%add3A_77, %dma_start3A_115] : memref<10000x128xf32, #tpu.memory_space<vmem_shared>> -> memref<40x128xf32, #tpu.memory_space<vmem_shared>>
        tpu.enqueue_dma source(%arg10 : memref<40x128xf32, #tpu.memory_space<vmem>>) target(%dma_start3A_116 : memref<40x128xf32, #tpu.memory_space<vmem_shared>>) target_semaphore(%run_scoped3A : memref<!tpu.dma_semaphore, #tpu.memory_space<semaphore_mem>>)
        %dma_wait3A = arith.constant 0 : i32
        %dma_wait3A_117 = tpu.memref_slice %arg11[%add3A_77, %dma_wait3A] : memref<10000x128xf32, #tpu.memory_space<vmem_shared>> -> memref<40x128xf32, #tpu.memory_space<vmem_shared>>
        %dma_wait3A_118 = arith.constant 0 : i32
        %dma_wait3A_119 = tpu.memref_slice %arg11[%add3A_77, %dma_wait3A_118] : memref<10000x128xf32, #tpu.memory_space<vmem_shared>> -> memref<40x128xf32, #tpu.memory_space<vmem_shared>>
        tpu.wait_dma2 semaphore(%run_scoped3A : memref<!tpu.dma_semaphore, #tpu.memory_space<semaphore_mem>>) src(%arg10 : memref<40x128xf32, #tpu.memory_space<vmem>>) dst(%dma_wait3A_119 : memref<40x128xf32, #tpu.memory_space<vmem_shared>>)
        tpu.yield
      }) : () -> ()
      %mul3A_78 = arith.constant 1000 : i32
      %mul3A_79 = arith.muli %arg1, %mul3A_78 : i32
      %add3A_80 = arith.constant 640 : i32
      %add3A_81 = arith.addi %mul3A_79, %add3A_80 : i32
      "tpu.region"() ({
        %run_scoped3A = tpu.sem_alloc : memref<!tpu.dma_semaphore, #tpu.memory_space<semaphore_mem>>
        %dma_start3A = arith.constant 0 : i32
        %dma_start3A_114 = tpu.memref_slice %arg11[%add3A_81, %dma_start3A] : memref<10000x128xf32, #tpu.memory_space<vmem_shared>> -> memref<40x128xf32, #tpu.memory_space<vmem_shared>>
        %dma_start3A_115 = arith.constant 0 : i32
        %dma_start3A_116 = tpu.memref_slice %arg11[%add3A_81, %dma_start3A_115] : memref<10000x128xf32, #tpu.memory_space<vmem_shared>> -> memref<40x128xf32, #tpu.memory_space<vmem_shared>>
        tpu.enqueue_dma source(%arg10 : memref<40x128xf32, #tpu.memory_space<vmem>>) target(%dma_start3A_116 : memref<40x128xf32, #tpu.memory_space<vmem_shared>>) target_semaphore(%run_scoped3A : memref<!tpu.dma_semaphore, #tpu.memory_space<semaphore_mem>>)
        %dma_wait3A = arith.constant 0 : i32
        %dma_wait3A_117 = tpu.memref_slice %arg11[%add3A_81, %dma_wait3A] : memref<10000x128xf32, #tpu.memory_space<vmem_shared>> -> memref<40x128xf32, #tpu.memory_space<vmem_shared>>
        %dma_wait3A_118 = arith.constant 0 : i32
        %dma_wait3A_119 = tpu.memref_slice %arg11[%add3A_81, %dma_wait3A_118] : memref<10000x128xf32, #tpu.memory_space<vmem_shared>> -> memref<40x128xf32, #tpu.memory_space<vmem_shared>>
        tpu.wait_dma2 semaphore(%run_scoped3A : memref<!tpu.dma_semaphore, #tpu.memory_space<semaphore_mem>>) src(%arg10 : memref<40x128xf32, #tpu.memory_space<vmem>>) dst(%dma_wait3A_119 : memref<40x128xf32, #tpu.memory_space<vmem_shared>>)
        tpu.yield
      }) : () -> ()
      %mul3A_82 = arith.constant 1000 : i32
      %mul3A_83 = arith.muli %arg1, %mul3A_82 : i32
      %add3A_84 = arith.constant 680 : i32
      %add3A_85 = arith.addi %mul3A_83, %add3A_84 : i32
      "tpu.region"() ({
        %run_scoped3A = tpu.sem_alloc : memref<!tpu.dma_semaphore, #tpu.memory_space<semaphore_mem>>
        %dma_start3A = arith.constant 0 : i32
        %dma_start3A_114 = tpu.memref_slice %arg11[%add3A_85, %dma_start3A] : memref<10000x128xf32, #tpu.memory_space<vmem_shared>> -> memref<40x128xf32, #tpu.memory_space<vmem_shared>>
        %dma_start3A_115 = arith.constant 0 : i32
        %dma_start3A_116 = tpu.memref_slice %arg11[%add3A_85, %dma_start3A_115] : memref<10000x128xf32, #tpu.memory_space<vmem_shared>> -> memref<40x128xf32, #tpu.memory_space<vmem_shared>>
        tpu.enqueue_dma source(%arg10 : memref<40x128xf32, #tpu.memory_space<vmem>>) target(%dma_start3A_116 : memref<40x128xf32, #tpu.memory_space<vmem_shared>>) target_semaphore(%run_scoped3A : memref<!tpu.dma_semaphore, #tpu.memory_space<semaphore_mem>>)
        %dma_wait3A = arith.constant 0 : i32
        %dma_wait3A_117 = tpu.memref_slice %arg11[%add3A_85, %dma_wait3A] : memref<10000x128xf32, #tpu.memory_space<vmem_shared>> -> memref<40x128xf32, #tpu.memory_space<vmem_shared>>
        %dma_wait3A_118 = arith.constant 0 : i32
        %dma_wait3A_119 = tpu.memref_slice %arg11[%add3A_85, %dma_wait3A_118] : memref<10000x128xf32, #tpu.memory_space<vmem_shared>> -> memref<40x128xf32, #tpu.memory_space<vmem_shared>>
        tpu.wait_dma2 semaphore(%run_scoped3A : memref<!tpu.dma_semaphore, #tpu.memory_space<semaphore_mem>>) src(%arg10 : memref<40x128xf32, #tpu.memory_space<vmem>>) dst(%dma_wait3A_119 : memref<40x128xf32, #tpu.memory_space<vmem_shared>>)
        tpu.yield
      }) : () -> ()
      %mul3A_86 = arith.constant 1000 : i32
      %mul3A_87 = arith.muli %arg1, %mul3A_86 : i32
      %add3A_88 = arith.constant 720 : i32
      %add3A_89 = arith.addi %mul3A_87, %add3A_88 : i32
      "tpu.region"() ({
        %run_scoped3A = tpu.sem_alloc : memref<!tpu.dma_semaphore, #tpu.memory_space<semaphore_mem>>
        %dma_start3A = arith.constant 0 : i32
        %dma_start3A_114 = tpu.memref_slice %arg11[%add3A_89, %dma_start3A] : memref<10000x128xf32, #tpu.memory_space<vmem_shared>> -> memref<40x128xf32, #tpu.memory_space<vmem_shared>>
        %dma_start3A_115 = arith.constant 0 : i32
        %dma_start3A_116 = tpu.memref_slice %arg11[%add3A_89, %dma_start3A_115] : memref<10000x128xf32, #tpu.memory_space<vmem_shared>> -> memref<40x128xf32, #tpu.memory_space<vmem_shared>>
        tpu.enqueue_dma source(%arg10 : memref<40x128xf32, #tpu.memory_space<vmem>>) target(%dma_start3A_116 : memref<40x128xf32, #tpu.memory_space<vmem_shared>>) target_semaphore(%run_scoped3A : memref<!tpu.dma_semaphore, #tpu.memory_space<semaphore_mem>>)
        %dma_wait3A = arith.constant 0 : i32
        %dma_wait3A_117 = tpu.memref_slice %arg11[%add3A_89, %dma_wait3A] : memref<10000x128xf32, #tpu.memory_space<vmem_shared>> -> memref<40x128xf32, #tpu.memory_space<vmem_shared>>
        %dma_wait3A_118 = arith.constant 0 : i32
        %dma_wait3A_119 = tpu.memref_slice %arg11[%add3A_89, %dma_wait3A_118] : memref<10000x128xf32, #tpu.memory_space<vmem_shared>> -> memref<40x128xf32, #tpu.memory_space<vmem_shared>>
        tpu.wait_dma2 semaphore(%run_scoped3A : memref<!tpu.dma_semaphore, #tpu.memory_space<semaphore_mem>>) src(%arg10 : memref<40x128xf32, #tpu.memory_space<vmem>>) dst(%dma_wait3A_119 : memref<40x128xf32, #tpu.memory_space<vmem_shared>>)
        tpu.yield
      }) : () -> ()
      %mul3A_90 = arith.constant 1000 : i32
      %mul3A_91 = arith.muli %arg1, %mul3A_90 : i32
      %add3A_92 = arith.constant 760 : i32
      %add3A_93 = arith.addi %mul3A_91, %add3A_92 : i32
      "tpu.region"() ({
        %run_scoped3A = tpu.sem_alloc : memref<!tpu.dma_semaphore, #tpu.memory_space<semaphore_mem>>
        %dma_start3A = arith.constant 0 : i32
        %dma_start3A_114 = tpu.memref_slice %arg11[%add3A_93, %dma_start3A] : memref<10000x128xf32, #tpu.memory_space<vmem_shared>> -> memref<40x128xf32, #tpu.memory_space<vmem_shared>>
        %dma_start3A_115 = arith.constant 0 : i32
        %dma_start3A_116 = tpu.memref_slice %arg11[%add3A_93, %dma_start3A_115] : memref<10000x128xf32, #tpu.memory_space<vmem_shared>> -> memref<40x128xf32, #tpu.memory_space<vmem_shared>>
        tpu.enqueue_dma source(%arg10 : memref<40x128xf32, #tpu.memory_space<vmem>>) target(%dma_start3A_116 : memref<40x128xf32, #tpu.memory_space<vmem_shared>>) target_semaphore(%run_scoped3A : memref<!tpu.dma_semaphore, #tpu.memory_space<semaphore_mem>>)
        %dma_wait3A = arith.constant 0 : i32
        %dma_wait3A_117 = tpu.memref_slice %arg11[%add3A_93, %dma_wait3A] : memref<10000x128xf32, #tpu.memory_space<vmem_shared>> -> memref<40x128xf32, #tpu.memory_space<vmem_shared>>
        %dma_wait3A_118 = arith.constant 0 : i32
        %dma_wait3A_119 = tpu.memref_slice %arg11[%add3A_93, %dma_wait3A_118] : memref<10000x128xf32, #tpu.memory_space<vmem_shared>> -> memref<40x128xf32, #tpu.memory_space<vmem_shared>>
        tpu.wait_dma2 semaphore(%run_scoped3A : memref<!tpu.dma_semaphore, #tpu.memory_space<semaphore_mem>>) src(%arg10 : memref<40x128xf32, #tpu.memory_space<vmem>>) dst(%dma_wait3A_119 : memref<40x128xf32, #tpu.memory_space<vmem_shared>>)
        tpu.yield
      }) : () -> ()
      %mul3A_94 = arith.constant 1000 : i32
      %mul3A_95 = arith.muli %arg1, %mul3A_94 : i32
      %add3A_96 = arith.constant 800 : i32
      %add3A_97 = arith.addi %mul3A_95, %add3A_96 : i32
      "tpu.region"() ({
        %run_scoped3A = tpu.sem_alloc : memref<!tpu.dma_semaphore, #tpu.memory_space<semaphore_mem>>
        %dma_start3A = arith.constant 0 : i32
        %dma_start3A_114 = tpu.memref_slice %arg11[%add3A_97, %dma_start3A] : memref<10000x128xf32, #tpu.memory_space<vmem_shared>> -> memref<40x128xf32, #tpu.memory_space<vmem_shared>>
        %dma_start3A_115 = arith.constant 0 : i32
        %dma_start3A_116 = tpu.memref_slice %arg11[%add3A_97, %dma_start3A_115] : memref<10000x128xf32, #tpu.memory_space<vmem_shared>> -> memref<40x128xf32, #tpu.memory_space<vmem_shared>>
        tpu.enqueue_dma source(%arg10 : memref<40x128xf32, #tpu.memory_space<vmem>>) target(%dma_start3A_116 : memref<40x128xf32, #tpu.memory_space<vmem_shared>>) target_semaphore(%run_scoped3A : memref<!tpu.dma_semaphore, #tpu.memory_space<semaphore_mem>>)
        %dma_wait3A = arith.constant 0 : i32
        %dma_wait3A_117 = tpu.memref_slice %arg11[%add3A_97, %dma_wait3A] : memref<10000x128xf32, #tpu.memory_space<vmem_shared>> -> memref<40x128xf32, #tpu.memory_space<vmem_shared>>
        %dma_wait3A_118 = arith.constant 0 : i32
        %dma_wait3A_119 = tpu.memref_slice %arg11[%add3A_97, %dma_wait3A_118] : memref<10000x128xf32, #tpu.memory_space<vmem_shared>> -> memref<40x128xf32, #tpu.memory_space<vmem_shared>>
        tpu.wait_dma2 semaphore(%run_scoped3A : memref<!tpu.dma_semaphore, #tpu.memory_space<semaphore_mem>>) src(%arg10 : memref<40x128xf32, #tpu.memory_space<vmem>>) dst(%dma_wait3A_119 : memref<40x128xf32, #tpu.memory_space<vmem_shared>>)
        tpu.yield
      }) : () -> ()
      %mul3A_98 = arith.constant 1000 : i32
      %mul3A_99 = arith.muli %arg1, %mul3A_98 : i32
      %add3A_100 = arith.constant 840 : i32
      %add3A_101 = arith.addi %mul3A_99, %add3A_100 : i32
      "tpu.region"() ({
        %run_scoped3A = tpu.sem_alloc : memref<!tpu.dma_semaphore, #tpu.memory_space<semaphore_mem>>
        %dma_start3A = arith.constant 0 : i32
        %dma_start3A_114 = tpu.memref_slice %arg11[%add3A_101, %dma_start3A] : memref<10000x128xf32, #tpu.memory_space<vmem_shared>> -> memref<40x128xf32, #tpu.memory_space<vmem_shared>>
        %dma_start3A_115 = arith.constant 0 : i32
        %dma_start3A_116 = tpu.memref_slice %arg11[%add3A_101, %dma_start3A_115] : memref<10000x128xf32, #tpu.memory_space<vmem_shared>> -> memref<40x128xf32, #tpu.memory_space<vmem_shared>>
        tpu.enqueue_dma source(%arg10 : memref<40x128xf32, #tpu.memory_space<vmem>>) target(%dma_start3A_116 : memref<40x128xf32, #tpu.memory_space<vmem_shared>>) target_semaphore(%run_scoped3A : memref<!tpu.dma_semaphore, #tpu.memory_space<semaphore_mem>>)
        %dma_wait3A = arith.constant 0 : i32
        %dma_wait3A_117 = tpu.memref_slice %arg11[%add3A_101, %dma_wait3A] : memref<10000x128xf32, #tpu.memory_space<vmem_shared>> -> memref<40x128xf32, #tpu.memory_space<vmem_shared>>
        %dma_wait3A_118 = arith.constant 0 : i32
        %dma_wait3A_119 = tpu.memref_slice %arg11[%add3A_101, %dma_wait3A_118] : memref<10000x128xf32, #tpu.memory_space<vmem_shared>> -> memref<40x128xf32, #tpu.memory_space<vmem_shared>>
        tpu.wait_dma2 semaphore(%run_scoped3A : memref<!tpu.dma_semaphore, #tpu.memory_space<semaphore_mem>>) src(%arg10 : memref<40x128xf32, #tpu.memory_space<vmem>>) dst(%dma_wait3A_119 : memref<40x128xf32, #tpu.memory_space<vmem_shared>>)
        tpu.yield
      }) : () -> ()
      %mul3A_102 = arith.constant 1000 : i32
      %mul3A_103 = arith.muli %arg1, %mul3A_102 : i32
      %add3A_104 = arith.constant 880 : i32
      %add3A_105 = arith.addi %mul3A_103, %add3A_104 : i32
      "tpu.region"() ({
        %run_scoped3A = tpu.sem_alloc : memref<!tpu.dma_semaphore, #tpu.memory_space<semaphore_mem>>
        %dma_start3A = arith.constant 0 : i32
        %dma_start3A_114 = tpu.memref_slice %arg11[%add3A_105, %dma_start3A] : memref<10000x128xf32, #tpu.memory_space<vmem_shared>> -> memref<40x128xf32, #tpu.memory_space<vmem_shared>>
        %dma_start3A_115 = arith.constant 0 : i32
        %dma_start3A_116 = tpu.memref_slice %arg11[%add3A_105, %dma_start3A_115] : memref<10000x128xf32, #tpu.memory_space<vmem_shared>> -> memref<40x128xf32, #tpu.memory_space<vmem_shared>>
        tpu.enqueue_dma source(%arg10 : memref<40x128xf32, #tpu.memory_space<vmem>>) target(%dma_start3A_116 : memref<40x128xf32, #tpu.memory_space<vmem_shared>>) target_semaphore(%run_scoped3A : memref<!tpu.dma_semaphore, #tpu.memory_space<semaphore_mem>>)
        %dma_wait3A = arith.constant 0 : i32
        %dma_wait3A_117 = tpu.memref_slice %arg11[%add3A_105, %dma_wait3A] : memref<10000x128xf32, #tpu.memory_space<vmem_shared>> -> memref<40x128xf32, #tpu.memory_space<vmem_shared>>
        %dma_wait3A_118 = arith.constant 0 : i32
        %dma_wait3A_119 = tpu.memref_slice %arg11[%add3A_105, %dma_wait3A_118] : memref<10000x128xf32, #tpu.memory_space<vmem_shared>> -> memref<40x128xf32, #tpu.memory_space<vmem_shared>>
        tpu.wait_dma2 semaphore(%run_scoped3A : memref<!tpu.dma_semaphore, #tpu.memory_space<semaphore_mem>>) src(%arg10 : memref<40x128xf32, #tpu.memory_space<vmem>>) dst(%dma_wait3A_119 : memref<40x128xf32, #tpu.memory_space<vmem_shared>>)
        tpu.yield
      }) : () -> ()
      %mul3A_106 = arith.constant 1000 : i32
      %mul3A_107 = arith.muli %arg1, %mul3A_106 : i32
      %add3A_108 = arith.constant 920 : i32
      %add3A_109 = arith.addi %mul3A_107, %add3A_108 : i32
      "tpu.region"() ({
        %run_scoped3A = tpu.sem_alloc : memref<!tpu.dma_semaphore, #tpu.memory_space<semaphore_mem>>
        %dma_start3A = arith.constant 0 : i32
        %dma_start3A_114 = tpu.memref_slice %arg11[%add3A_109, %dma_start3A] : memref<10000x128xf32, #tpu.memory_space<vmem_shared>> -> memref<40x128xf32, #tpu.memory_space<vmem_shared>>
        %dma_start3A_115 = arith.constant 0 : i32
        %dma_start3A_116 = tpu.memref_slice %arg11[%add3A_109, %dma_start3A_115] : memref<10000x128xf32, #tpu.memory_space<vmem_shared>> -> memref<40x128xf32, #tpu.memory_space<vmem_shared>>
        tpu.enqueue_dma source(%arg10 : memref<40x128xf32, #tpu.memory_space<vmem>>) target(%dma_start3A_116 : memref<40x128xf32, #tpu.memory_space<vmem_shared>>) target_semaphore(%run_scoped3A : memref<!tpu.dma_semaphore, #tpu.memory_space<semaphore_mem>>)
        %dma_wait3A = arith.constant 0 : i32
        %dma_wait3A_117 = tpu.memref_slice %arg11[%add3A_109, %dma_wait3A] : memref<10000x128xf32, #tpu.memory_space<vmem_shared>> -> memref<40x128xf32, #tpu.memory_space<vmem_shared>>
        %dma_wait3A_118 = arith.constant 0 : i32
        %dma_wait3A_119 = tpu.memref_slice %arg11[%add3A_109, %dma_wait3A_118] : memref<10000x128xf32, #tpu.memory_space<vmem_shared>> -> memref<40x128xf32, #tpu.memory_space<vmem_shared>>
        tpu.wait_dma2 semaphore(%run_scoped3A : memref<!tpu.dma_semaphore, #tpu.memory_space<semaphore_mem>>) src(%arg10 : memref<40x128xf32, #tpu.memory_space<vmem>>) dst(%dma_wait3A_119 : memref<40x128xf32, #tpu.memory_space<vmem_shared>>)
        tpu.yield
      }) : () -> ()
      %mul3A_110 = arith.constant 1000 : i32
      %mul3A_111 = arith.muli %arg1, %mul3A_110 : i32
      %add3A_112 = arith.constant 960 : i32
      %add3A_113 = arith.addi %mul3A_111, %add3A_112 : i32
      "tpu.region"() ({
        %run_scoped3A = tpu.sem_alloc : memref<!tpu.dma_semaphore, #tpu.memory_space<semaphore_mem>>
        %dma_start3A = arith.constant 0 : i32
        %dma_start3A_114 = tpu.memref_slice %arg11[%add3A_113, %dma_start3A] : memref<10000x128xf32, #tpu.memory_space<vmem_shared>> -> memref<40x128xf32, #tpu.memory_space<vmem_shared>>
        %dma_start3A_115 = arith.constant 0 : i32
        %dma_start3A_116 = tpu.memref_slice %arg11[%add3A_113, %dma_start3A_115] : memref<10000x128xf32, #tpu.memory_space<vmem_shared>> -> memref<40x128xf32, #tpu.memory_space<vmem_shared>>
        tpu.enqueue_dma source(%arg10 : memref<40x128xf32, #tpu.memory_space<vmem>>) target(%dma_start3A_116 : memref<40x128xf32, #tpu.memory_space<vmem_shared>>) target_semaphore(%run_scoped3A : memref<!tpu.dma_semaphore, #tpu.memory_space<semaphore_mem>>)
        %dma_wait3A = arith.constant 0 : i32
        %dma_wait3A_117 = tpu.memref_slice %arg11[%add3A_113, %dma_wait3A] : memref<10000x128xf32, #tpu.memory_space<vmem_shared>> -> memref<40x128xf32, #tpu.memory_space<vmem_shared>>
        %dma_wait3A_118 = arith.constant 0 : i32
        %dma_wait3A_119 = tpu.memref_slice %arg11[%add3A_113, %dma_wait3A_118] : memref<10000x128xf32, #tpu.memory_space<vmem_shared>> -> memref<40x128xf32, #tpu.memory_space<vmem_shared>>
        tpu.wait_dma2 semaphore(%run_scoped3A : memref<!tpu.dma_semaphore, #tpu.memory_space<semaphore_mem>>) src(%arg10 : memref<40x128xf32, #tpu.memory_space<vmem>>) dst(%dma_wait3A_119 : memref<40x128xf32, #tpu.memory_space<vmem_shared>>)
        tpu.yield
      }) : () -> ()
    } else {
    }
    "tpu.region"() ({
      %run_scoped3A = tpu.sem_alloc : memref<!tpu.dma_semaphore, #tpu.memory_space<semaphore_mem>>
      %dma_start3A = arith.constant 0 : i32
      %dma_start3A_14 = arith.constant 0 : i32
      %dma_start3A_15 = tpu.memref_slice %arg3[%add3A, %dma_start3A, %dma_start3A_14] : memref<32x80x125xi32, #tpu.memory_space<hbm>> -> memref<1x80x125xi32, #tpu.memory_space<hbm>>
      %dma_start3A_16 = tpu.memref_squeeze %dma_start3A_15 : memref<1x80x125xi32, #tpu.memory_space<hbm>> -> memref<80x125xi32, #tpu.memory_space<hbm>>
      %dma_start3A_17 = arith.constant 0 : i32
      %dma_start3A_18 = arith.constant 0 : i32
      %dma_start3A_19 = tpu.memref_slice %arg3[%add3A, %dma_start3A_17, %dma_start3A_18] : memref<32x80x125xi32, #tpu.memory_space<hbm>> -> memref<1x80x125xi32, #tpu.memory_space<hbm>>
      %dma_start3A_20 = tpu.memref_squeeze %dma_start3A_19 : memref<1x80x125xi32, #tpu.memory_space<hbm>> -> memref<80x125xi32, #tpu.memory_space<hbm>>
      tpu.enqueue_dma source(%dma_start3A_20 : memref<80x125xi32, #tpu.memory_space<hbm>>) target(%arg7 : memref<80x125xi32, #tpu.memory_space<vmem>>) target_semaphore(%run_scoped3A : memref<!tpu.dma_semaphore, #tpu.memory_space<semaphore_mem>>)
      %dma_wait3A = arith.constant 0 : i32
      %dma_wait3A_21 = arith.constant 0 : i32
      %dma_wait3A_22 = tpu.memref_slice %arg3[%add3A, %dma_wait3A, %dma_wait3A_21] : memref<32x80x125xi32, #tpu.memory_space<hbm>> -> memref<1x80x125xi32, #tpu.memory_space<hbm>>
      %dma_wait3A_23 = tpu.memref_squeeze %dma_wait3A_22 : memref<1x80x125xi32, #tpu.memory_space<hbm>> -> memref<80x125xi32, #tpu.memory_space<hbm>>
      %dma_wait3A_24 = arith.constant 0 : i32
      %dma_wait3A_25 = arith.constant 0 : i32
      %dma_wait3A_26 = tpu.memref_slice %arg3[%add3A, %dma_wait3A_24, %dma_wait3A_25] : memref<32x80x125xi32, #tpu.memory_space<hbm>> -> memref<1x80x125xi32, #tpu.memory_space<hbm>>
      %dma_wait3A_27 = tpu.memref_squeeze %dma_wait3A_26 : memref<1x80x125xi32, #tpu.memory_space<hbm>> -> memref<80x125xi32, #tpu.memory_space<hbm>>
      tpu.wait_dma2 semaphore(%run_scoped3A : memref<!tpu.dma_semaphore, #tpu.memory_space<semaphore_mem>>) src(%dma_wait3A_27 : memref<80x125xi32, #tpu.memory_space<hbm>>) dst(%arg7 : memref<80x125xi32, #tpu.memory_space<vmem>>)
      tpu.yield
    }) : () -> ()
    "tpu.region"() ({
      %run_scoped3A = tpu.sem_alloc : memref<!tpu.dma_semaphore, #tpu.memory_space<semaphore_mem>>
      %dma_start3A = arith.constant 0 : i32
      %dma_start3A_14 = arith.constant 0 : i32
      %dma_start3A_15 = tpu.memref_slice %arg4[%add3A, %dma_start3A, %dma_start3A_14] : memref<32x80x125xi32, #tpu.memory_space<hbm>> -> memref<1x80x125xi32, #tpu.memory_space<hbm>>
      %dma_start3A_16 = tpu.memref_squeeze %dma_start3A_15 : memref<1x80x125xi32, #tpu.memory_space<hbm>> -> memref<80x125xi32, #tpu.memory_space<hbm>>
      %dma_start3A_17 = arith.constant 0 : i32
      %dma_start3A_18 = arith.constant 0 : i32
      %dma_start3A_19 = tpu.memref_slice %arg4[%add3A, %dma_start3A_17, %dma_start3A_18] : memref<32x80x125xi32, #tpu.memory_space<hbm>> -> memref<1x80x125xi32, #tpu.memory_space<hbm>>
      %dma_start3A_20 = tpu.memref_squeeze %dma_start3A_19 : memref<1x80x125xi32, #tpu.memory_space<hbm>> -> memref<80x125xi32, #tpu.memory_space<hbm>>
      tpu.enqueue_dma source(%dma_start3A_20 : memref<80x125xi32, #tpu.memory_space<hbm>>) target(%arg8 : memref<80x125xi32, #tpu.memory_space<vmem>>) target_semaphore(%run_scoped3A : memref<!tpu.dma_semaphore, #tpu.memory_space<semaphore_mem>>)
      %dma_wait3A = arith.constant 0 : i32
      %dma_wait3A_21 = arith.constant 0 : i32
      %dma_wait3A_22 = tpu.memref_slice %arg4[%add3A, %dma_wait3A, %dma_wait3A_21] : memref<32x80x125xi32, #tpu.memory_space<hbm>> -> memref<1x80x125xi32, #tpu.memory_space<hbm>>
      %dma_wait3A_23 = tpu.memref_squeeze %dma_wait3A_22 : memref<1x80x125xi32, #tpu.memory_space<hbm>> -> memref<80x125xi32, #tpu.memory_space<hbm>>
      %dma_wait3A_24 = arith.constant 0 : i32
      %dma_wait3A_25 = arith.constant 0 : i32
      %dma_wait3A_26 = tpu.memref_slice %arg4[%add3A, %dma_wait3A_24, %dma_wait3A_25] : memref<32x80x125xi32, #tpu.memory_space<hbm>> -> memref<1x80x125xi32, #tpu.memory_space<hbm>>
      %dma_wait3A_27 = tpu.memref_squeeze %dma_wait3A_26 : memref<1x80x125xi32, #tpu.memory_space<hbm>> -> memref<80x125xi32, #tpu.memory_space<hbm>>
      tpu.wait_dma2 semaphore(%run_scoped3A : memref<!tpu.dma_semaphore, #tpu.memory_space<semaphore_mem>>) src(%dma_wait3A_27 : memref<80x125xi32, #tpu.memory_space<hbm>>) dst(%arg8 : memref<80x125xi32, #tpu.memory_space<vmem>>)
      tpu.yield
    }) : () -> ()
    %barrier3A = arith.constant 0 : index
    tpu.barrier barrier_id(%barrier3A)
    %scan3A = arith.constant 0 : i32
    %scan3A_3 = arith.constant 0 : i32
    %scan3A_4 = arith.constant 80 : i32
    %scan3A_5 = arith.addi %scan3A_3, %scan3A_4 : i32
    %scan3A_6 = arith.constant 1 : i32
    scf.for %scan3A_14 = %scan3A_3 to %scan3A_5 step %scan3A_6  : i32 {
      "tpu.region"() ({
        %run_scoped3A = tpu.sem_alloc : memref<!tpu.dma_semaphore, #tpu.memory_space<semaphore_mem>>
        %dma_start3A = arith.constant 0 : i32
        %dma_start3A_15 = tpu.memref_slice %arg7[%scan3A_14, %dma_start3A] : memref<80x125xi32, #tpu.memory_space<vmem>> -> memref<1x125xi32, #tpu.memory_space<vmem>>
        %dma_start3A_16 = tpu.memref_squeeze %dma_start3A_15 : memref<1x125xi32, #tpu.memory_space<vmem>> -> memref<125xi32, #tpu.memory_space<vmem>>
        %dma_start3A_17 = arith.constant 0 : i32
        %dma_start3A_18 = arith.constant 0 : i32
        %dma_start3A_19 = tpu.memref_slice %arg2[%dma_start3A_17, %dma_start3A_18] : memref<10000x128xf32, #tpu.memory_space<hbm>> -> memref<10000x128xf32, #tpu.memory_space<hbm>>
        tpu.enqueue_indirect_dma source(%dma_start3A_19 : memref<10000x128xf32, #tpu.memory_space<hbm>>) target(%arg9 : memref<125x128xf32, #tpu.memory_space<vmem>>) offsets(%dma_start3A_16 : memref<125xi32, #tpu.memory_space<vmem>>) semaphore(%run_scoped3A : memref<!tpu.dma_semaphore, #tpu.memory_space<semaphore_mem>>)
        %dma_wait3A = arith.constant 0 : i32
        %dma_wait3A_20 = tpu.memref_slice %arg7[%scan3A_14, %dma_wait3A] : memref<80x125xi32, #tpu.memory_space<vmem>> -> memref<1x125xi32, #tpu.memory_space<vmem>>
        %dma_wait3A_21 = tpu.memref_squeeze %dma_wait3A_20 : memref<1x125xi32, #tpu.memory_space<vmem>> -> memref<125xi32, #tpu.memory_space<vmem>>
        %dma_wait3A_22 = arith.constant 0 : i32
        %dma_wait3A_23 = arith.constant 0 : i32
        %dma_wait3A_24 = tpu.memref_slice %arg2[%dma_wait3A_22, %dma_wait3A_23] : memref<10000x128xf32, #tpu.memory_space<hbm>> -> memref<10000x128xf32, #tpu.memory_space<hbm>>
        tpu.wait_indirect_dma semaphore(%run_scoped3A : memref<!tpu.dma_semaphore, #tpu.memory_space<semaphore_mem>>) src(%dma_wait3A_24 : memref<10000x128xf32, #tpu.memory_space<hbm>>) dst(%arg9 : memref<125x128xf32, #tpu.memory_space<vmem>>)
        tpu.yield
      }) : () -> ()
      "tpu.region"() ({
        %run_scoped3A = tpu.sem_alloc : memref<!tpu.dma_semaphore, #tpu.memory_space<semaphore_mem>>
        %dma_start3A = arith.constant 0 : i32
        %dma_start3A_15 = tpu.memref_slice %arg8[%scan3A_14, %dma_start3A] : memref<80x125xi32, #tpu.memory_space<vmem>> -> memref<1x125xi32, #tpu.memory_space<vmem>>
        %dma_start3A_16 = tpu.memref_squeeze %dma_start3A_15 : memref<1x125xi32, #tpu.memory_space<vmem>> -> memref<125xi32, #tpu.memory_space<vmem>>
        %dma_start3A_17 = arith.constant 0 : i32
        %dma_start3A_18 = arith.constant 0 : i32
        %dma_start3A_19 = tpu.memref_slice %arg11[%dma_start3A_17, %dma_start3A_18] : memref<10000x128xf32, #tpu.memory_space<vmem_shared>> -> memref<10000x128xf32, #tpu.memory_space<vmem_shared>>
        tpu.enqueue_indirect_dma source(%arg9 : memref<125x128xf32, #tpu.memory_space<vmem>>) target(%dma_start3A_19 : memref<10000x128xf32, #tpu.memory_space<vmem_shared>>) offsets(%dma_start3A_16 : memref<125xi32, #tpu.memory_space<vmem>>) semaphore(%run_scoped3A : memref<!tpu.dma_semaphore, #tpu.memory_space<semaphore_mem>>) {add = true}
        %dma_wait3A = arith.constant 0 : i32
        %dma_wait3A_20 = tpu.memref_slice %arg8[%scan3A_14, %dma_wait3A] : memref<80x125xi32, #tpu.memory_space<vmem>> -> memref<1x125xi32, #tpu.memory_space<vmem>>
        %dma_wait3A_21 = tpu.memref_squeeze %dma_wait3A_20 : memref<1x125xi32, #tpu.memory_space<vmem>> -> memref<125xi32, #tpu.memory_space<vmem>>
        %dma_wait3A_22 = arith.constant 0 : i32
        %dma_wait3A_23 = arith.constant 0 : i32
        %dma_wait3A_24 = tpu.memref_slice %arg11[%dma_wait3A_22, %dma_wait3A_23] : memref<10000x128xf32, #tpu.memory_space<vmem_shared>> -> memref<10000x128xf32, #tpu.memory_space<vmem_shared>>
        tpu.wait_indirect_dma semaphore(%run_scoped3A : memref<!tpu.dma_semaphore, #tpu.memory_space<semaphore_mem>>) src(%arg9 : memref<125x128xf32, #tpu.memory_space<vmem>>) dst(%dma_wait3A_24 : memref<10000x128xf32, #tpu.memory_space<vmem_shared>>)
        tpu.yield
      }) : () -> ()
    }
    %scan3A_7 = arith.constant 80 : i32
    %barrier3A_8 = arith.constant 0 : index
    tpu.barrier barrier_id(%barrier3A_8)
    %lt3A_9 = arith.constant 10 : i32
    %lt3A_10 = arith.cmpi slt, %arg1, %lt3A_9 : i32
    %convert_element_type3A_11 = arith.extui %lt3A_10 : i1 to i32
    %cond3A_12 = arith.constant 0 : i32
    %cond3A_13 = arith.cmpi ne, %convert_element_type3A_11, %cond3A_12 : i32
    scf.if %cond3A_13 {
      %mul3A_14 = arith.constant 1000 : i32
      %mul3A_15 = arith.muli %arg1, %mul3A_14 : i32
      "tpu.region"() ({
        %run_scoped3A = tpu.sem_alloc : memref<!tpu.dma_semaphore, #tpu.memory_space<semaphore_mem>>
        %dma_start3A = arith.constant 0 : i32
        %dma_start3A_16 = tpu.memref_slice %arg6[%arg0, %mul3A_15, %dma_start3A] : memref<2x10000x128xf32, #tpu.memory_space<hbm>> -> memref<1x1000x128xf32, #tpu.memory_space<hbm>>
        %dma_start3A_17 = tpu.memref_squeeze %dma_start3A_16 : memref<1x1000x128xf32, #tpu.memory_space<hbm>> -> memref<1000x128xf32, #tpu.memory_space<hbm>>
        %dma_start3A_18 = arith.constant 0 : i32
        %dma_start3A_19 = tpu.memref_slice %arg11[%mul3A_15, %dma_start3A_18] : memref<10000x128xf32, #tpu.memory_space<vmem_shared>> -> memref<1000x128xf32, #tpu.memory_space<vmem_shared>>
        tpu.enqueue_dma source(%dma_start3A_19 : memref<1000x128xf32, #tpu.memory_space<vmem_shared>>) target(%dma_start3A_17 : memref<1000x128xf32, #tpu.memory_space<hbm>>) target_semaphore(%run_scoped3A : memref<!tpu.dma_semaphore, #tpu.memory_space<semaphore_mem>>)
        %dma_wait3A = arith.constant 0 : i32
        %dma_wait3A_20 = tpu.memref_slice %arg6[%arg0, %mul3A_15, %dma_wait3A] : memref<2x10000x128xf32, #tpu.memory_space<hbm>> -> memref<1x1000x128xf32, #tpu.memory_space<hbm>>
        %dma_wait3A_21 = tpu.memref_squeeze %dma_wait3A_20 : memref<1x1000x128xf32, #tpu.memory_space<hbm>> -> memref<1000x128xf32, #tpu.memory_space<hbm>>
        %dma_wait3A_22 = arith.constant 0 : i32
        %dma_wait3A_23 = tpu.memref_slice %arg11[%mul3A_15, %dma_wait3A_22] : memref<10000x128xf32, #tpu.memory_space<vmem_shared>> -> memref<1000x128xf32, #tpu.memory_space<vmem_shared>>
        tpu.wait_dma2 semaphore(%run_scoped3A : memref<!tpu.dma_semaphore, #tpu.memory_space<semaphore_mem>>) src(%dma_wait3A_23 : memref<1000x128xf32, #tpu.memory_space<vmem_shared>>) dst(%dma_wait3A_21 : memref<1000x128xf32, #tpu.memory_space<hbm>>)
        tpu.yield
      }) : () -> ()
    } else {
    }
    return
  }
}

module attributes {stable_mosaic.version = 14 : i64} {
  func.func @_y1_body(%arg0: i32, %arg1: memref<2x1000x16xf32, #tpu.memory_space<vmem>>, %arg2: memref<1000x128xf32, #tpu.memory_space<vmem>>, %arg3: memref<128x128xf32, #tpu.memory_space<vmem>>, %arg4: memref<1000x128xf32, #tpu.memory_space<vmem>>) attributes {dimension_semantics = [#tpu.dimension_semantics<arbitrary>], iteration_bounds = array<i64: 10>, scalar_prefetch = 0 : i64, scratch_operands = 0 : i64, tpu.core_type = #tpu.core_type<tc>, window_params = [{transform_indices = @transform_0, window_bounds = array<i64: 2, 1000, 16>}, {transform_indices = @transform_1, window_bounds = array<i64: 1000, 128>}, {pipeline_mode = #tpu.pipeline_mode<synchronous>, transform_indices = @transform_2, window_bounds = array<i64: 128, 128>}, {transform_indices = @transform_3, window_bounds = array<i64: 1000, 128>}]} {
    %get3A = arith.constant 0 : index
    %get3A_0 = arith.constant 0 : index
    %get3A_1 = vector.load %arg2[%get3A, %get3A_0] : memref<1000x128xf32, #tpu.memory_space<vmem>>, vector<1000x128xf32>
    %get3A_2 = arith.constant 0 : index
    %get3A_3 = arith.constant 0 : index
    %get3A_4 = vector.load %arg3[%get3A_2, %get3A_3] : memref<128x128xf32, #tpu.memory_space<vmem>>, vector<128x128xf32>
    %dot_general3A = arith.constant dense<0.000000e+00> : vector<1000x128xf32>
    %dot_general3A_5 = tpu.matmul %get3A_1, %get3A_4, %dot_general3A {dimension_numbers = #tpu.dot_dimension_numbers<[1], [0], [0], [1], [0, 0, 1, 1], [], []>, transpose_lhs_hint = false} : vector<1000x128xf32>, vector<128x128xf32>, vector<1000x128xf32> -> vector<1000x128xf32>
    %get3A_6 = arith.constant 0 : index
    %get3A_7 = arith.constant 0 : index
    %get3A_8 = arith.constant 0 : index
    %get3A_9 = vector.load %arg1[%get3A_6, %get3A_7, %get3A_8] : memref<2x1000x16xf32, #tpu.memory_space<vmem>>, vector<2x1000x16xf32>
    %reduce_sum3A = arith.constant dense<0.000000e+00> : vector<1000xf32>
    %reduce_sum3A_10 = vector.multi_reduction <add>, %get3A_9, %reduce_sum3A [0, 2] : vector<2x1000x16xf32> to vector<1000xf32>
    %add3A = arith.constant 1.000000e+00 : f32
    %add3A_11 = vector.broadcast %add3A : f32 to vector<1000xf32>
    %add3A_12 = arith.addf %reduce_sum3A_10, %add3A_11 : vector<1000xf32>
    %rsqrt3A = math.rsqrt %add3A_12 : vector<1000xf32>
    %broadcast_in_dim3A = vector.shape_cast %rsqrt3A : vector<1000xf32> to vector<1000x1xf32>
    %mul3A = vector.broadcast %broadcast_in_dim3A : vector<1000x1xf32> to vector<1000x128xf32>
    %mul3A_13 = arith.mulf %dot_general3A_5, %mul3A : vector<1000x128xf32>
    %swap3A = arith.constant 0 : index
    %swap3A_14 = arith.constant 0 : index
    %swap3A_15 = vector.load %arg4[%swap3A, %swap3A_14] : memref<1000x128xf32, #tpu.memory_space<vmem>>, vector<1000x128xf32>
    tpu.vector_store %arg4[%swap3A, %swap3A_14], %mul3A_13 {strides = array<i32>} : memref<1000x128xf32, #tpu.memory_space<vmem>>, vector<1000x128xf32>,
    return
  }
  func.func @transform_0(%arg0: i32) -> (i32, i32, i32) {
    %c0_i32 = arith.constant 0 : i32
    %c0_i32_0 = arith.constant 0 : i32
    %c0_i32_1 = arith.constant 0 : i32
    return %c0_i32, %arg0, %c0_i32_0 : i32, i32, i32
  }
  func.func @transform_1(%arg0: i32) -> (i32, i32) {
    %c0_i32 = arith.constant 0 : i32
    %c0_i32_0 = arith.constant 0 : i32
    return %arg0, %c0_i32 : i32, i32
  }
  func.func @transform_2(%arg0: i32) -> (i32, i32) {
    %c0_i32 = arith.constant 0 : i32
    %c0_i32_0 = arith.constant 0 : i32
    %c0_i32_1 = arith.constant 0 : i32
    return %c0_i32, %c0_i32_0 : i32, i32
  }
  func.func @transform_3(%arg0: i32) -> (i32, i32) {
    %c0_i32 = arith.constant 0 : i32
    %c0_i32_0 = arith.constant 0 : i32
    return %arg0, %c0_i32 : i32, i32
  }
}

module attributes {stable_mosaic.version = 14 : i64} {
  func.func @_y2_body(%arg0: i32, %arg1: memref<2x1000x128xf32, #tpu.memory_space<vmem>>, %arg2: memref<1000x128xf32, #tpu.memory_space<vmem>>, %arg3: memref<2x1000x16xf32, #tpu.memory_space<vmem>>, %arg4: memref<128xf32, #tpu.memory_space<vmem>>, %arg5: memref<128x128xf32, #tpu.memory_space<vmem>>, %arg6: memref<1000x128xf32, #tpu.memory_space<vmem>>) attributes {dimension_semantics = [#tpu.dimension_semantics<arbitrary>], iteration_bounds = array<i64: 10>, scalar_prefetch = 0 : i64, scratch_operands = 0 : i64, tpu.core_type = #tpu.core_type<tc>, window_params = [{transform_indices = @transform_0, window_bounds = array<i64: 2, 1000, 128>}, {transform_indices = @transform_1, window_bounds = array<i64: 1000, 128>}, {transform_indices = @transform_2, window_bounds = array<i64: 2, 1000, 16>}, {pipeline_mode = #tpu.pipeline_mode<synchronous>, transform_indices = @transform_3, window_bounds = array<i64: 128>}, {pipeline_mode = #tpu.pipeline_mode<synchronous>, transform_indices = @transform_4, window_bounds = array<i64: 128, 128>}, {transform_indices = @transform_5, window_bounds = array<i64: 1000, 128>}]} {
    %get3A = arith.constant 0 : index
    %get3A_0 = arith.constant 0 : index
    %get3A_1 = arith.constant 0 : index
    %get3A_2 = vector.load %arg3[%get3A, %get3A_0, %get3A_1] : memref<2x1000x16xf32, #tpu.memory_space<vmem>>, vector<2x1000x16xf32>
    %reduce_sum3A = arith.constant dense<0.000000e+00> : vector<1000xf32>
    %reduce_sum3A_3 = vector.multi_reduction <add>, %get3A_2, %reduce_sum3A [0, 2] : vector<2x1000x16xf32> to vector<1000xf32>
    %add3A = arith.constant 1.000000e+00 : f32
    %add3A_4 = vector.broadcast %add3A : f32 to vector<1000xf32>
    %add3A_5 = arith.addf %reduce_sum3A_3, %add3A_4 : vector<1000xf32>
    %rsqrt3A = math.rsqrt %add3A_5 : vector<1000xf32>
    %broadcast_in_dim3A = vector.shape_cast %rsqrt3A : vector<1000xf32> to vector<1000x1xf32>
    %get3A_6 = arith.constant 0 : index
    %get3A_7 = arith.constant 0 : index
    %get3A_8 = arith.constant 0 : index
    %get3A_9 = vector.load %arg1[%get3A_6, %get3A_7, %get3A_8] : memref<2x1000x128xf32, #tpu.memory_space<vmem>>, vector<1x1000x128xf32>
    %get3A_10 = vector.shape_cast %get3A_9 : vector<1x1000x128xf32> to vector<1000x128xf32>
    %get3A_11 = arith.constant 1 : index
    %get3A_12 = arith.constant 0 : index
    %get3A_13 = arith.constant 0 : index
    %get3A_14 = vector.load %arg1[%get3A_11, %get3A_12, %get3A_13] : memref<2x1000x128xf32, #tpu.memory_space<vmem>>, vector<1x1000x128xf32>
    %get3A_15 = vector.shape_cast %get3A_14 : vector<1x1000x128xf32> to vector<1000x128xf32>
    %add3A_16 = arith.addf %get3A_10, %get3A_15 : vector<1000x128xf32>
    %get3A_17 = arith.constant 0 : index
    %get3A_18 = arith.constant 0 : index
    %get3A_19 = vector.load %arg2[%get3A_17, %get3A_18] : memref<1000x128xf32, #tpu.memory_space<vmem>>, vector<1000x128xf32>
    %add3A_20 = arith.addf %add3A_16, %get3A_19 : vector<1000x128xf32>
    %mul3A = vector.broadcast %broadcast_in_dim3A : vector<1000x1xf32> to vector<1000x128xf32>
    %mul3A_21 = arith.mulf %add3A_20, %mul3A : vector<1000x128xf32>
    %get3A_22 = arith.constant 0 : index
    %get3A_23 = vector.load %arg4[%get3A_22] : memref<128xf32, #tpu.memory_space<vmem>>, vector<128xf32>
    %broadcast_in_dim3A_24 = vector.shape_cast %get3A_23 : vector<128xf32> to vector<1x128xf32>
    %add3A_25 = vector.broadcast %broadcast_in_dim3A_24 : vector<1x128xf32> to vector<1000x128xf32>
    %add3A_26 = arith.addf %mul3A_21, %add3A_25 : vector<1000x128xf32>
    %max3A = arith.constant 0.000000e+00 : f32
    %max3A_27 = vector.broadcast %max3A : f32 to vector<1000x128xf32>
    %max3A_28 = arith.maximumf %add3A_26, %max3A_27 : vector<1000x128xf32>
    %get3A_29 = arith.constant 0 : index
    %get3A_30 = arith.constant 0 : index
    %get3A_31 = vector.load %arg5[%get3A_29, %get3A_30] : memref<128x128xf32, #tpu.memory_space<vmem>>, vector<128x128xf32>
    %dot_general3A = arith.constant dense<0.000000e+00> : vector<1000x128xf32>
    %dot_general3A_32 = tpu.matmul %max3A_28, %get3A_31, %dot_general3A {dimension_numbers = #tpu.dot_dimension_numbers<[1], [0], [0], [1], [0, 0, 1, 1], [], []>, transpose_lhs_hint = false} : vector<1000x128xf32>, vector<128x128xf32>, vector<1000x128xf32> -> vector<1000x128xf32>
    %mul3A_33 = vector.broadcast %broadcast_in_dim3A : vector<1000x1xf32> to vector<1000x128xf32>
    %mul3A_34 = arith.mulf %dot_general3A_32, %mul3A_33 : vector<1000x128xf32>
    %swap3A = arith.constant 0 : index
    %swap3A_35 = arith.constant 0 : index
    %swap3A_36 = vector.load %arg6[%swap3A, %swap3A_35] : memref<1000x128xf32, #tpu.memory_space<vmem>>, vector<1000x128xf32>
    tpu.vector_store %arg6[%swap3A, %swap3A_35], %mul3A_34 {strides = array<i32>} : memref<1000x128xf32, #tpu.memory_space<vmem>>, vector<1000x128xf32>,
    return
  }
  func.func @transform_0(%arg0: i32) -> (i32, i32, i32) {
    %c0_i32 = arith.constant 0 : i32
    %c0_i32_0 = arith.constant 0 : i32
    %c0_i32_1 = arith.constant 0 : i32
    return %c0_i32, %arg0, %c0_i32_0 : i32, i32, i32
  }
  func.func @transform_1(%arg0: i32) -> (i32, i32) {
    %c0_i32 = arith.constant 0 : i32
    %c0_i32_0 = arith.constant 0 : i32
    return %arg0, %c0_i32 : i32, i32
  }
  func.func @transform_2(%arg0: i32) -> (i32, i32, i32) {
    %c0_i32 = arith.constant 0 : i32
    %c0_i32_0 = arith.constant 0 : i32
    %c0_i32_1 = arith.constant 0 : i32
    return %c0_i32, %arg0, %c0_i32_0 : i32, i32, i32
  }
  func.func @transform_3(%arg0: i32) -> i32 {
    %c0_i32 = arith.constant 0 : i32
    %c0_i32_0 = arith.constant 0 : i32
    return %c0_i32 : i32
  }
  func.func @transform_4(%arg0: i32) -> (i32, i32) {
    %c0_i32 = arith.constant 0 : i32
    %c0_i32_0 = arith.constant 0 : i32
    %c0_i32_1 = arith.constant 0 : i32
    return %c0_i32, %c0_i32_0 : i32, i32
  }
  func.func @transform_5(%arg0: i32) -> (i32, i32) {
    %c0_i32 = arith.constant 0 : i32
    %c0_i32_0 = arith.constant 0 : i32
    return %arg0, %c0_i32 : i32, i32
  }
}

module attributes {stable_mosaic.version = 14 : i64} {
  func.func @_final_body(%arg0: i32, %arg1: memref<2x1000x128xf32, #tpu.memory_space<vmem>>, %arg2: memref<1000x128xf32, #tpu.memory_space<vmem>>, %arg3: memref<2x1000x16xf32, #tpu.memory_space<vmem>>, %arg4: memref<128xf32, #tpu.memory_space<vmem>>, %arg5: memref<1x1x1000xi32, #tpu.memory_space<vmem>>, %arg6: memref<128x128xf32, #tpu.memory_space<vmem>>, %arg7: memref<128xf32, #tpu.memory_space<vmem>>, %arg8: memref<128x128xf32, #tpu.memory_space<vmem>>, %arg9: memref<128xf32, #tpu.memory_space<vmem>>, %arg10: memref<64x128xf32, #tpu.memory_space<vmem>>, %arg11: memref<64x128xf32, #tpu.memory_space<vmem>>, %arg12: memref<1x64xf32, #tpu.memory_space<vmem>>) attributes {dimension_semantics = [#tpu.dimension_semantics<arbitrary>], iteration_bounds = array<i64: 10>, scalar_prefetch = 0 : i64, scratch_operands = 2 : i64, tpu.core_type = #tpu.core_type<tc>, window_params = [{transform_indices = @transform_0, window_bounds = array<i64: 2, 1000, 128>}, {transform_indices = @transform_1, window_bounds = array<i64: 1000, 128>}, {transform_indices = @transform_2, window_bounds = array<i64: 2, 1000, 16>}, {pipeline_mode = #tpu.pipeline_mode<synchronous>, transform_indices = @transform_3, window_bounds = array<i64: 128>}, {transform_indices = @transform_4, window_bounds = array<i64: 1, 1, 1000>}, {pipeline_mode = #tpu.pipeline_mode<synchronous>, transform_indices = @transform_5, window_bounds = array<i64: 128, 128>}, {pipeline_mode = #tpu.pipeline_mode<synchronous>, transform_indices = @transform_6, window_bounds = array<i64: 128>}, {pipeline_mode = #tpu.pipeline_mode<synchronous>, transform_indices = @transform_7, window_bounds = array<i64: 128, 128>}, {pipeline_mode = #tpu.pipeline_mode<synchronous>, transform_indices = @transform_8, window_bounds = array<i64: 128>}, {pipeline_mode = #tpu.pipeline_mode<synchronous>, transform_indices = @transform_9, window_bounds = array<i64: 64, 128>}]} {
    %eq3A = arith.constant 0 : i32
    %eq3A_0 = arith.cmpi eq, %arg0, %eq3A : i32
    %convert_element_type3A = arith.extui %eq3A_0 : i1 to i32
    %cond3A = arith.constant 0 : i32
    %cond3A_1 = arith.cmpi ne, %convert_element_type3A, %cond3A : i32
    scf.if %cond3A_1 {
      %broadcast_in_dim3A_64 = arith.constant 0.000000e+00 : f32
      %broadcast_in_dim3A_65 = vector.broadcast %broadcast_in_dim3A_64 : f32 to vector<64x128xf32>
      %swap3A_66 = arith.constant 0 : index
      %swap3A_67 = arith.constant 0 : index
      %swap3A_68 = vector.load %arg11[%swap3A_66, %swap3A_67] : memref<64x128xf32, #tpu.memory_space<vmem>>, vector<64x128xf32>
      tpu.vector_store %arg11[%swap3A_66, %swap3A_67], %broadcast_in_dim3A_65 {strides = array<i32>} : memref<64x128xf32, #tpu.memory_space<vmem>>, vector<64x128xf32>,
      %broadcast_in_dim3A_69 = arith.constant 0.000000e+00 : f32
      %broadcast_in_dim3A_70 = vector.broadcast %broadcast_in_dim3A_69 : f32 to vector<1x64xf32>
      %swap3A_71 = arith.constant 0 : index
      %swap3A_72 = arith.constant 0 : index
      %swap3A_73 = vector.load %arg12[%swap3A_71, %swap3A_72] : memref<1x64xf32, #tpu.memory_space<vmem>>, vector<1x64xf32>
      tpu.vector_store %arg12[%swap3A_71, %swap3A_72], %broadcast_in_dim3A_70 {strides = array<i32>} : memref<1x64xf32, #tpu.memory_space<vmem>>, vector<1x64xf32>,
    } else {
    }
    %get3A = arith.constant 0 : index
    %get3A_2 = arith.constant 0 : index
    %get3A_3 = arith.constant 0 : index
    %get3A_4 = vector.load %arg3[%get3A, %get3A_2, %get3A_3] : memref<2x1000x16xf32, #tpu.memory_space<vmem>>, vector<2x1000x16xf32>
    %reduce_sum3A = arith.constant dense<0.000000e+00> : vector<1000xf32>
    %reduce_sum3A_5 = vector.multi_reduction <add>, %get3A_4, %reduce_sum3A [0, 2] : vector<2x1000x16xf32> to vector<1000xf32>
    %add3A = arith.constant 1.000000e+00 : f32
    %add3A_6 = vector.broadcast %add3A : f32 to vector<1000xf32>
    %add3A_7 = arith.addf %reduce_sum3A_5, %add3A_6 : vector<1000xf32>
    %rsqrt3A = math.rsqrt %add3A_7 : vector<1000xf32>
    %broadcast_in_dim3A = vector.shape_cast %rsqrt3A : vector<1000xf32> to vector<1000x1xf32>
    %get3A_8 = arith.constant 0 : index
    %get3A_9 = arith.constant 0 : index
    %get3A_10 = arith.constant 0 : index
    %get3A_11 = vector.load %arg1[%get3A_8, %get3A_9, %get3A_10] : memref<2x1000x128xf32, #tpu.memory_space<vmem>>, vector<1x1000x128xf32>
    %get3A_12 = vector.shape_cast %get3A_11 : vector<1x1000x128xf32> to vector<1000x128xf32>
    %get3A_13 = arith.constant 1 : index
    %get3A_14 = arith.constant 0 : index
    %get3A_15 = arith.constant 0 : index
    %get3A_16 = vector.load %arg1[%get3A_13, %get3A_14, %get3A_15] : memref<2x1000x128xf32, #tpu.memory_space<vmem>>, vector<1x1000x128xf32>
    %get3A_17 = vector.shape_cast %get3A_16 : vector<1x1000x128xf32> to vector<1000x128xf32>
    %add3A_18 = arith.addf %get3A_12, %get3A_17 : vector<1000x128xf32>
    %get3A_19 = arith.constant 0 : index
    %get3A_20 = arith.constant 0 : index
    %get3A_21 = vector.load %arg2[%get3A_19, %get3A_20] : memref<1000x128xf32, #tpu.memory_space<vmem>>, vector<1000x128xf32>
    %add3A_22 = arith.addf %add3A_18, %get3A_21 : vector<1000x128xf32>
    %mul3A = vector.broadcast %broadcast_in_dim3A : vector<1000x1xf32> to vector<1000x128xf32>
    %mul3A_23 = arith.mulf %add3A_22, %mul3A : vector<1000x128xf32>
    %get3A_24 = arith.constant 0 : index
    %get3A_25 = vector.load %arg4[%get3A_24] : memref<128xf32, #tpu.memory_space<vmem>>, vector<128xf32>
    %broadcast_in_dim3A_26 = vector.shape_cast %get3A_25 : vector<128xf32> to vector<1x128xf32>
    %add3A_27 = vector.broadcast %broadcast_in_dim3A_26 : vector<1x128xf32> to vector<1000x128xf32>
    %add3A_28 = arith.addf %mul3A_23, %add3A_27 : vector<1000x128xf32>
    %max3A = arith.constant 0.000000e+00 : f32
    %max3A_29 = vector.broadcast %max3A : f32 to vector<1000x128xf32>
    %max3A_30 = arith.maximumf %add3A_28, %max3A_29 : vector<1000x128xf32>
    %get3A_31 = arith.constant 0 : index
    %get3A_32 = arith.constant 0 : index
    %get3A_33 = arith.constant 0 : index
    %get3A_34 = vector.load %arg5[%get3A_31, %get3A_32, %get3A_33] : memref<1x1x1000xi32, #tpu.memory_space<vmem>>, vector<1x1x1000xi32>
    %get3A_35 = vector.shape_cast %get3A_34 : vector<1x1x1000xi32> to vector<1000xi32>
    %broadcast_in_dim3A_36 = vector.shape_cast %get3A_35 : vector<1000xi32> to vector<1000x1xi32>
    %iota3A = tpu.iota {dimensions = array<i32: 1>} : vector<1x64xi32>
    %eq3A_37 = vector.broadcast %broadcast_in_dim3A_36 : vector<1000x1xi32> to vector<1000x64xi32>
    %eq3A_38 = vector.broadcast %iota3A : vector<1x64xi32> to vector<1000x64xi32>
    %eq3A_39 = arith.cmpi eq, %eq3A_37, %eq3A_38 : vector<1000x64xi32>
    %convert_element_type3A_40 = arith.extui %eq3A_39 : vector<1000x64xi1> to vector<1000x64xi32>
    %convert_element_type3A_41 = arith.sitofp %convert_element_type3A_40 : vector<1000x64xi32> to vector<1000x64xf32>
    %get3A_42 = arith.constant 0 : index
    %get3A_43 = arith.constant 0 : index
    %get3A_44 = vector.load %arg11[%get3A_42, %get3A_43] : memref<64x128xf32, #tpu.memory_space<vmem>>, vector<64x128xf32>
    %dot_general3A = arith.constant dense<0.000000e+00> : vector<64x128xf32>
    %dot_general3A_45 = tpu.matmul %convert_element_type3A_41, %max3A_30, %dot_general3A {dimension_numbers = #tpu.dot_dimension_numbers<[0], [0], [1], [1], [0, 1, 1, 1], [], []>, transpose_lhs_hint = false} : vector<1000x64xf32>, vector<1000x128xf32>, vector<64x128xf32> -> vector<64x128xf32>
    %add3A_46 = arith.addf %get3A_44, %dot_general3A_45 : vector<64x128xf32>
    %swap3A = arith.constant 0 : index
    %swap3A_47 = arith.constant 0 : index
    %swap3A_48 = vector.load %arg11[%swap3A, %swap3A_47] : memref<64x128xf32, #tpu.memory_space<vmem>>, vector<64x128xf32>
    tpu.vector_store %arg11[%swap3A, %swap3A_47], %add3A_46 {strides = array<i32>} : memref<64x128xf32, #tpu.memory_space<vmem>>, vector<64x128xf32>,
    %get3A_49 = arith.constant 0 : index
    %get3A_50 = arith.constant 0 : index
    %get3A_51 = vector.load %arg12[%get3A_49, %get3A_50] : memref<1x64xf32, #tpu.memory_space<vmem>>, vector<1x64xf32>
    %reduce_sum3A_52 = arith.constant dense<0.000000e+00> : vector<64xf32>
    %reduce_sum3A_53 = vector.multi_reduction <add>, %convert_element_type3A_41, %reduce_sum3A_52 [0] : vector<1000x64xf32> to vector<64xf32>
    %broadcast_in_dim3A_54 = vector.shape_cast %reduce_sum3A_53 : vector<64xf32> to vector<1x64xf32>
    %add3A_55 = arith.addf %get3A_51, %broadcast_in_dim3A_54 : vector<1x64xf32>
    %swap3A_56 = arith.constant 0 : index
    %swap3A_57 = arith.constant 0 : index
    %swap3A_58 = vector.load %arg12[%swap3A_56, %swap3A_57] : memref<1x64xf32, #tpu.memory_space<vmem>>, vector<1x64xf32>
    tpu.vector_store %arg12[%swap3A_56, %swap3A_57], %add3A_55 {strides = array<i32>} : memref<1x64xf32, #tpu.memory_space<vmem>>, vector<1x64xf32>,
    %eq3A_59 = arith.constant 9 : i32
    %eq3A_60 = arith.cmpi eq, %arg0, %eq3A_59 : i32
    %convert_element_type3A_61 = arith.extui %eq3A_60 : i1 to i32
    %cond3A_62 = arith.constant 0 : i32
    %cond3A_63 = arith.cmpi ne, %convert_element_type3A_61, %cond3A_62 : i32
    scf.if %cond3A_63 {
      %get3A_64 = arith.constant 0 : index
      %get3A_65 = arith.constant 0 : index
      %get3A_66 = vector.load %arg11[%get3A_64, %get3A_65] : memref<64x128xf32, #tpu.memory_space<vmem>>, vector<64x128xf32>
      %get3A_67 = arith.constant 0 : index
      %get3A_68 = arith.constant 0 : index
      %get3A_69 = vector.load %arg12[%get3A_67, %get3A_68] : memref<1x64xf32, #tpu.memory_space<vmem>>, vector<1x64xf32>
      %max3A_70 = arith.constant 1.000000e+00 : f32
      %max3A_71 = vector.broadcast %max3A_70 : f32 to vector<1x64xf32>
      %max3A_72 = arith.maximumf %get3A_69, %max3A_71 : vector<1x64xf32>
      %squeeze3A = vector.shape_cast %max3A_72 : vector<1x64xf32> to vector<64xf32>
      %broadcast_in_dim3A_73 = vector.shape_cast %squeeze3A : vector<64xf32> to vector<64x1xf32>
      %div3A = vector.broadcast %broadcast_in_dim3A_73 : vector<64x1xf32> to vector<64x128xf32>
      %div3A_74 = arith.divf %get3A_66, %div3A : vector<64x128xf32>
      %get3A_75 = arith.constant 0 : index
      %get3A_76 = arith.constant 0 : index
      %get3A_77 = vector.load %arg6[%get3A_75, %get3A_76] : memref<128x128xf32, #tpu.memory_space<vmem>>, vector<128x128xf32>
      %dot_general3A_78 = arith.constant dense<0.000000e+00> : vector<64x128xf32>
      %dot_general3A_79 = tpu.matmul %div3A_74, %get3A_77, %dot_general3A_78 {dimension_numbers = #tpu.dot_dimension_numbers<[1], [0], [0], [1], [0, 0, 1, 1], [], []>, transpose_lhs_hint = false} : vector<64x128xf32>, vector<128x128xf32>, vector<64x128xf32> -> vector<64x128xf32>
      %get3A_80 = arith.constant 0 : index
      %get3A_81 = vector.load %arg7[%get3A_80] : memref<128xf32, #tpu.memory_space<vmem>>, vector<128xf32>
      %broadcast_in_dim3A_82 = vector.shape_cast %get3A_81 : vector<128xf32> to vector<1x128xf32>
      %add3A_83 = vector.broadcast %broadcast_in_dim3A_82 : vector<1x128xf32> to vector<64x128xf32>
      %add3A_84 = arith.addf %dot_general3A_79, %add3A_83 : vector<64x128xf32>
      %max3A_85 = arith.constant 0.000000e+00 : f32
      %max3A_86 = vector.broadcast %max3A_85 : f32 to vector<64x128xf32>
      %max3A_87 = arith.maximumf %add3A_84, %max3A_86 : vector<64x128xf32>
      %get3A_88 = arith.constant 0 : index
      %get3A_89 = arith.constant 0 : index
      %get3A_90 = vector.load %arg8[%get3A_88, %get3A_89] : memref<128x128xf32, #tpu.memory_space<vmem>>, vector<128x128xf32>
      %dot_general3A_91 = arith.constant dense<0.000000e+00> : vector<64x128xf32>
      %dot_general3A_92 = tpu.matmul %max3A_87, %get3A_90, %dot_general3A_91 {dimension_numbers = #tpu.dot_dimension_numbers<[1], [0], [0], [1], [0, 0, 1, 1], [], []>, transpose_lhs_hint = false} : vector<64x128xf32>, vector<128x128xf32>, vector<64x128xf32> -> vector<64x128xf32>
      %get3A_93 = arith.constant 0 : index
      %get3A_94 = vector.load %arg9[%get3A_93] : memref<128xf32, #tpu.memory_space<vmem>>, vector<128xf32>
      %broadcast_in_dim3A_95 = vector.shape_cast %get3A_94 : vector<128xf32> to vector<1x128xf32>
      %add3A_96 = vector.broadcast %broadcast_in_dim3A_95 : vector<1x128xf32> to vector<64x128xf32>
      %add3A_97 = arith.addf %dot_general3A_92, %add3A_96 : vector<64x128xf32>
      %swap3A_98 = arith.constant 0 : index
      %swap3A_99 = arith.constant 0 : index
      %swap3A_100 = vector.load %arg10[%swap3A_98, %swap3A_99] : memref<64x128xf32, #tpu.memory_space<vmem>>, vector<64x128xf32>
      tpu.vector_store %arg10[%swap3A_98, %swap3A_99], %add3A_97 {strides = array<i32>} : memref<64x128xf32, #tpu.memory_space<vmem>>, vector<64x128xf32>,
    } else {
    }
    return
  }
  func.func @transform_0(%arg0: i32) -> (i32, i32, i32) {
    %c0_i32 = arith.constant 0 : i32
    %c0_i32_0 = arith.constant 0 : i32
    %c0_i32_1 = arith.constant 0 : i32
    return %c0_i32, %arg0, %c0_i32_0 : i32, i32, i32
  }
  func.func @transform_1(%arg0: i32) -> (i32, i32) {
    %c0_i32 = arith.constant 0 : i32
    %c0_i32_0 = arith.constant 0 : i32
    return %arg0, %c0_i32 : i32, i32
  }
  func.func @transform_2(%arg0: i32) -> (i32, i32, i32) {
    %c0_i32 = arith.constant 0 : i32
    %c0_i32_0 = arith.constant 0 : i32
    %c0_i32_1 = arith.constant 0 : i32
    return %c0_i32, %arg0, %c0_i32_0 : i32, i32, i32
  }
  func.func @transform_3(%arg0: i32) -> i32 {
    %c0_i32 = arith.constant 0 : i32
    %c0_i32_0 = arith.constant 0 : i32
    return %c0_i32 : i32
  }
  func.func @transform_4(%arg0: i32) -> (i32, i32, i32) {
    %c0_i32 = arith.constant 0 : i32
    %c0_i32_0 = arith.constant 0 : i32
    %c0_i32_1 = arith.constant 0 : i32
    return %arg0, %c0_i32, %c0_i32_0 : i32, i32, i32
  }
  func.func @transform_5(%arg0: i32) -> (i32, i32) {
    %c0_i32 = arith.constant 0 : i32
    %c0_i32_0 = arith.constant 0 : i32
    %c0_i32_1 = arith.constant 0 : i32
    return %c0_i32, %c0_i32_0 : i32, i32
  }
  func.func @transform_6(%arg0: i32) -> i32 {
    %c0_i32 = arith.constant 0 : i32
    %c0_i32_0 = arith.constant 0 : i32
    return %c0_i32 : i32
  }
  func.func @transform_7(%arg0: i32) -> (i32, i32) {
    %c0_i32 = arith.constant 0 : i32
    %c0_i32_0 = arith.constant 0 : i32
    %c0_i32_1 = arith.constant 0 : i32
    return %c0_i32, %c0_i32_0 : i32, i32
  }
  func.func @transform_8(%arg0: i32) -> i32 {
    %c0_i32 = arith.constant 0 : i32
    %c0_i32_0 = arith.constant 0 : i32
    return %c0_i32 : i32
  }
  func.func @transform_9(%arg0: i32) -> (i32, i32) {
    %c0_i32 = arith.constant 0 : i32
    %c0_i32_0 = arith.constant 0 : i32
    %c0_i32_1 = arith.constant 0 : i32
    return %c0_i32, %c0_i32_0 : i32, i32
  }
}

</mosaic_0001>

<sc_bundles>
// kernel: kernel.11.cloned.1.call-start
scs
__scs_entry_jumppad:
0x0: {  	(pc) =	sbr.rel $0x88, $3  }
0x1: {  	(tag) =	ssettag $0x0;
	lr =	simm.s32 $0x1  }
0x2: {  	[smem:$0x3F96] =	sst lr;
	_ =	strace $0xD0000000  }
0x3: {  	_ = 	snop  }
0x4: {  	_ = 	snop  }
0x5: {  	_ = 	snop  }
0x6: {  	_ = 	snop  }
0x7: {  	_ = 	snop  }
__scs_overlays_trampoline_lowered:
0x8: {  	[smem:$0x3FA5] =	sst s0  }
0x9: {  	[smem:$0x3FA6] =	sst s1  }
0xa: {  	[smem:$0x3FA7] =	sst s2  }
0xb: {  	[smem:$0x3FA8] =	sst s3  }
0xc: {  	[smem:$0x3FA9] =	sst s4  }
0xd: {  	[smem:$0x3FAA] =	sst s5  }
0xe: {  	[smem:$0x3FAB] =	sst s6  }
0xf: {  	[smem:$0x3FAC] =	sst s7  }
0x10: {  	[smem:$0x3FAD] =	sst s8  }
0x11: {  	[smem:$0x3FAE] =	sst s9;
	s0 =	simm.s32 @!p0 $0x0  }
0x12: {  	s1 =	sld [smem:$0x3F94];
	s0 =	simm.s32 @p0 $0x1  }
0x13: {  	[smem:$0x3FAF] =	sst s0;
	s0 =	simm.s32 @!p1 $0x0  }
0x14: {  	s2 =	sld [smem:$0x3F93];
	s0 =	simm.s32 @p1 $0x1  }
0x15: {  	[smem:$0x3FB0] =	sst s0;
	s0 =	simm.s32 @!p2 $0x0  }
0x16: {  	s3 =	sld [smem:$0x3FDB];
	s0 =	simm.s32 @p2 $0x1  }
0x17: {  	s4 =	simm.s32 $0x1BF5;
	[smem:$0x3FB2] =	sst s0  }
0x18: {  	s0 =	sld [smem:$0x3F95];
	_ =	swait.ge [sflag:s4], $0x0  }
0x19: {  	s7 =	sld [smem:$0x3F96]  }
0x1a: {  	s8 =	sadd.s32 $0xFFFFE003, lr  }
0x1b: {  	s9 =	sadd.s32 $0xFFFFFEF7, lr;
	s5 =	simm.s32 $0xFFFFFFFF;
	p2 =	slt.u32 s8, $0xFFFFF086  }
0x1c: {  	p1 =	slt.u32 s9, $0xF7A;
	s5 =	simm.s32 @!p2 $0x0  }
0x1d: {  	s5 =	simm.s32 @p1 $0x1;
	p0 =	seq.s32 s7, s2  }
0x1e: {  	s7 =	smul.u32 @!p0 $0xF7A, s2;
	p2 =	seq.s32 @!p0 s5, $0x0  }
0x1f: {  	s9 =	smul.u32 $0xF7A, s1;
	s8 =	simm.s32 @!p0 $0x1BF5;
	p2 =	por !p2, p0  }
0x20: {  	[sflag:s8] =	ssyncset.s32 @!p0 $0xFFFFF086;
	s6 =	sadd.s32 @!p0 s3, s7;
	s7 =	simm.s32 @!p0 $0x108  }
0x21: {  	s3 =	sadd.s32 s3, s9;
	s6 =	sadd.s32 @!p0 $0x88, s6;
	s7 =	simm.s32 @p2 $0x1082  }
0x22: {  	[simem:s7], [sflag:s8] =	dma.local @!p0 [hbm:s6], $0xF7A  }
0x23: {  	s9 =	sor.u32 $0xD0000000, s2;
	s6 =	simm.s32 $0x108;
	_ =	swait.ge @!p0 [sflag:s8], $0x0  }
0x24: {  	s3 =	sadd.s32 $0x88, s3;
	s6 =	simm.s32 @!p1 $0x1082;
	[sflag:s4] =	ssyncset.s32 $0xFFFFF086  }
0x25: {  	[simem:s6], [sflag:s4] =	dma.local [hbm:s3], $0xF7A  }
0x26: {  	[smem:$0x3F96] =	sst s1;
	(tag) =	ssettag s2;
	_ =	strace s9  }
0x27: {  	s1 =	sld [smem:$0x3FA6]  }
0x28: {  	s2 =	sld [smem:$0x3FA7]  }
0x29: {  	s4 =	sld [smem:$0x3FA9]  }
0x2a: {  	p0 =	seq.s32 s5, $0x0;
	s5 =	sld [smem:$0x3FAA]  }
0x2b: {  	s6 =	sld [smem:$0x3FAB]  }
0x2c: {  	s7 =	sld [smem:$0x3FAC]  }
0x2d: {  	s3 =	simm.s32 $0x108;
	s8 =	sld [smem:$0x3FAD]  }
0x2e: {  	s3 =	simm.s32 @!p0 $0x1082;
	s9 =	sld [smem:$0x3FAE]  }
0x2f: {  	lr =	sadd.s32 s0, s3;
	s0 =	sld [smem:$0x3FA5]  }
0x30: {  	s3 =	sld [smem:$0x3FA8]  }
0x31: {  	[smem:$0x3FB1] =	sst s10  }
0x32: {  	s10 =	sld [smem:$0x3FAF];
	_ =	sdelay $0x3  }
0x33: {  	p0 =	seq.s32 s10, $0x1;
	s10 =	sld [smem:$0x3FB1];
	_ =	sdelay $0x3  }
0x34: {  	[smem:$0x3FB1] =	sst s10  }
0x35: {  	s10 =	sld [smem:$0x3FB0];
	_ =	sdelay $0x3  }
0x36: {  	p1 =	seq.s32 s10, $0x1;
	s10 =	sld [smem:$0x3FB1];
	_ =	sdelay $0x3  }
0x37: {  	[smem:$0x3FB1] =	sst s10  }
0x38: {  	s10 =	sld [smem:$0x3FB2]  }
0x39: {  	_ = 	snop;
	(pc) =	sbr.ind lr, $3  }
0x3a: {  	_ = 	snop  }
0x3b: {  	_ = 	snop  }
0x3c: {  	p2 =	seq.s32 s10, $0x1;
	s10 =	sld [smem:$0x3FB1]  }
0x3d: {  	_ =	shalt  }
0x3e: {  	_ =	shalt  }
0x3f: {  	_ =	shalt  }
0x40: {  	_ =	shalt  }
0x41: {  	_ =	shalt  }
0x42: {  	_ =	shalt  }
0x43: {  	_ =	shalt  }
0x44: {  	_ =	shalt  }
0x45: {  	_ =	shalt  }
0x46: {  	_ =	shalt  }
0x47: {  	_ =	shalt  }
0x48: {  	_ =	shalt  }
0x49: {  	_ =	shalt  }
0x4a: {  	_ =	shalt  }
0x4b: {  	_ =	shalt  }
0x4c: {  	_ =	shalt  }
0x4d: {  	_ =	shalt  }
0x4e: {  	_ =	shalt  }
0x4f: {  	_ =	shalt  }
0x50: {  	_ =	shalt  }
0x51: {  	_ =	shalt  }
0x52: {  	_ =	shalt  }
0x53: {  	_ =	shalt  }
0x54: {  	_ =	shalt  }
0x55: {  	_ =	shalt  }
0x56: {  	_ =	shalt  }
0x57: {  	_ =	shalt  }
0x58: {  	_ =	shalt  }
0x59: {  	_ =	shalt  }
0x5a: {  	_ =	shalt  }
0x5b: {  	_ =	shalt  }
0x5c: {  	_ =	shalt  }
0x5d: {  	_ =	shalt  }
0x5e: {  	_ =	shalt  }
0x5f: {  	_ =	shalt  }
0x60: {  	_ =	shalt  }
0x61: {  	_ =	shalt  }
0x62: {  	_ =	shalt  }
0x63: {  	_ =	shalt  }
0x64: {  	_ =	shalt  }
0x65: {  	_ =	shalt  }
0x66: {  	_ =	shalt  }
0x67: {  	_ =	shalt  }
0x68: {  	_ =	shalt  }
0x69: {  	_ =	shalt  }
0x6a: {  	_ =	shalt  }
0x6b: {  	_ =	shalt  }
0x6c: {  	_ =	shalt  }
0x6d: {  	_ =	shalt  }
0x6e: {  	_ =	shalt  }
0x6f: {  	_ =	shalt  }
0x70: {  	_ =	shalt  }
0x71: {  	_ =	shalt  }
0x72: {  	_ =	shalt  }
0x73: {  	_ =	shalt  }
0x74: {  	_ =	shalt  }
0x75: {  	_ =	shalt  }
0x76: {  	_ =	shalt  }
0x77: {  	_ =	shalt  }
0x78: {  	_ =	shalt  }
0x79: {  	_ =	shalt  }
0x7a: {  	_ =	shalt  }
0x7b: {  	_ =	shalt  }
0x7c: {  	_ =	shalt  }
0x7d: {  	_ =	shalt  }
0x7e: {  	_ =	shalt  }
0x7f: {  	_ =	shalt  }
0x80: {  	_ =	shalt  }
0x81: {  	_ =	shalt  }
0x82: {  	_ =	shalt  }
0x83: {  	_ =	shalt  }
0x84: {  	_ =	shalt  }
0x85: {  	_ =	shalt  }
0x86: {  	_ =	shalt  }
0x87: {  	_ =	shalt  }
.Lfunc_end0:
.L_simem_size_0:
called_computation.1_lowered:
.L_overlay_start_0:
0x88: {  	s2 =	sld [smem:$0x3FD9]  }
0x89: {  	s3 =	sld [smem:$0x3FFE];
	_ =	sdelay $0x1  }
0x8a: {  	s1 =	srdreg.scid  }
0x8b: {  	s0 =	sand.u32 $0x1, s1  }
0x8c: {  	s17 =	sshll.u32 s0, $0xA;
	s2 =	sadd.s32 s3, s2  }
0x8d: {  	s2 =	sadd.s32 s2, s17  }
0x8e: {  	[smem:$0x3FBD] =	sst s2  }
0x8f: {  	_ = 	snop  }
0x90: {  	s2 =	sld [smem:$0x3FD0];
	(tm) =	ssettm $0x1  }
0x91: {  	s18 =	sld [smem:$0x3FFB];
	_ =	sdelay $0x3  }
0x92: {  	_ =	strace s18  }
0x93: {  	s3 =	sld [smem:$0x3FFC];
	_ =	sdelay $0x3  }
0x94: {  	_ =	strace s3  }
0x95: {  	s3 =	sld [smem:$0x3FFD];
	_ =	sdelay $0x3  }
0x96: {  	_ =	strace s3  }
0x97: {  	_ =	strace $0x8FFFFFFF  }
0x98: {  	s19 =	sld [smem:$0x3FDB];
	_ =	sdelay $0x1  }
0x99: {  	s4 =	simm.s32 $_scs_section_size  }
0x9a: {  	s5 =	simm.s32 $_size__tile_overlayer_lowered;
	s6 =	simm.s32 $_tile_overlayer_lowered  }
0x9b: {  	s22 =	simm.s32 $0x1BFF;
	s21 =	sshll.u32 s6, $0x1;
	s3 =	sadd.s32 s4, s19  }
0x9c: {  	s7 =	simm.s32 $0x0;
	s20 =	sshll.u32 s5, $0x1;
	s5 =	sadd.s32 s21, s3  }
0x9d: {  	[timem:s7], [sflag:s22] =	dma.local [hbm:s5], s20  }
0x9e: {  	_ =	swait.ge [sflag:s22], s20  }
0x9f: {  	s4 =	ssub.s32 $0x0, s20;
	[sflag:s22] =	ssyncset.done $0x0  }
0xa0: {  	[sflag:s22] =	ssyncadd.s32 s4;
	_ =	sdelay $0x1  }
0xa1: {  	s23 =	simm.s32 $0x1B8B  }
0xa2: {  	_ =	swait.ge [sflag:s23], $0x1  }
0xa3: {  	[sflag:s23] =	ssyncset.done $0x0  }
0xa4: {  	s25 =	simm.s32 $0x1B8E;
	s24 =	sld [smem:$0x3FFE];
	[sflag:s23] =	ssyncadd.s32 $0xFFFFFFFF  }
0xa5: {  	s26 =	simm.s32 $execute0_lowered;
	[smem:$0x3FD2] =	sst s25  }
0xa6: {  	s5 =	sshll.u32 s26, $0x1;
	_ =	strace $0x80000049;
	[dreg:$0x1] =	wrdreg $0xFFFFFFFF  }
0xa7: {  	s28 =	simm.s32 $_size_execute0_lowered;
	s3 =	sadd.s32 s3, s5;
	[dreg:$0x0] =	wrdreg $0x0  }
0xa8: {  	s5 =	sshll.u32 s28, $0x1;
	[dreg:$0x2] =	wrdreg s3  }
0xa9: {  	[dreg:$0x3] =	wrdreg s5  }
0xaa: {  	[dreg:$0x4] =	wrdreg $0xC0  }
0xab: {  	_ =	task [dreg:s7], $0x5FFFF  }
0xac: {  	[dreg:$0x1] =	wrdreg $0xFFFFFFFF  }
0xad: {  	[dreg:$0x0] =	wrdreg $0x60  }
0xae: {  	[dreg:$0x2] =	wrdreg s24  }
0xaf: {  	[dreg:$0x3] =	wrdreg s2  }
0xb0: {  	[dreg:$0x4] =	wrdreg $0xA4000  }
0xb1: {  	[dreg:$0x5] =	wrdreg $0x9  }
0xb2: {  	_ =	task.clear_ibuf [dreg:s7], $0x6FFFF;
	_ =	strace $0x90000049  }
0xb3: {  	s29 =	simm.s32 $0x9;
	_ =	strace $0x8000004B  }
0xb4: {  	_ =	swait.ge [sflag:s29], $0x1  }
0xb5: {  	[sflag:s29] =	ssyncadd.s32 $0xFFFFFFFF  }
0xb6: {  	_ =	strace $0x9000004B  }
0xb7: {  	_ =	sfence  }
0xb8: {  	s30 =	sld [smem:$0x0];
	_ =	sdelay $0x2  }
0xb9: {  	s31 =	sshll.u32 s1, $0xD;
	s1 =	sshrl.u32 s1, $0x2  }
0xba: {  	s3 =	sand.u32 $0x4000, s31;
	s1 =	sadd.s32 s1, s30  }
0xbb: {  	s0 =	sor.u32 s3, s0;
	s1 =	sshll.u32 s1, $0x11  }
0xbc: {  	s0 =	sor.u32 s1, s0  }
0xbd: {  	s0 =	sadd.s32 $0x8F2B, s0  }
0xbe: {  	[sflag:s0] =	ssyncadd.remote.s32 $0x1  }
0xbf: {  	_ =	sfence.sel $0xFFFF  }
0xc0: {  	[dreg:$0x0] =	wrdreg $0xFFFFFFFF;
	(pc) =	sbr.abs _section_cstart, $3  }
0xc1: {  	[dreg:$0x1] =	wrdreg $0xFFFFFFFF  }
0xc2: {  	_ =	task.clear_ibuf [dreg:s7], $0x2FFFF;
	_ =	strace $0x9FFFFFFF  }
0xc3: {  	(tm) =	ssettm $0x7FFFFFFF  }
tec
execute0_lowered:
.L_overlay_start_1:
0x0: {  	(tag) =	ssettag $0x1  }
0x1: {  	s0 =	srdreg.scid;
	s1 =	rddreg [dreg:$0x0]  }
0x2: {  	s8 =	stileid.u32;
	s3 =	rddreg [dreg:$0x2];
	s5 =	simm.s32 $0x0  }
0x3: {  	s9 =	simm.s32 $0x2800;
	s10 =	simm.s32 $0x7D;
	s11 =	simm.s32 $0x5000  }
0x4: {  	s12 =	simm.s32 $0x0;
	s0 =	sand.u32 $0x1, s0;
	s6 =	smul.u32 $0x1F400, s8  }
0x5: {  	[smem:$0x7FF] =	sst s5;
	s7 =	smul.u32 $0x7D000, s8;
	s5 =	sadd.s32 $0x69C00, s1  }
0x6: {  	p0 =	sgt.u32 s8, $0x9;
	s2 =	sshll.u32 s0, $0x4;
	s4 =	smul.u32 $0x138800, s0  }
0x7: {  	_ =	strace $0x8000004A;
	s0 =	ssub.s32 $0x2, s0;
	s14 =	sshrl.u32 s7, $0x2  }
0x8: {  	s2 =	sor.u32 s8, s2;
	s4 =	sadd.s32 s6, s4;
	s6 =	sadd.s32 s14, s3  }
0x9: {  	s15 =	sshrl.u32 s0, $0x1;
	s8 =	simm.s32 $0x1;
	s16 =	sadd.s32 $0x1400, s6  }
0xa: {  	s2 =	smul.u32 $0x500, s2;
	s17 =	sadd.s32 $0x2800, s6;
	[dreg:$0x4] =	wrdreg s16  }
0xb: {  	s0 =	ssub.s32 s0, s15;
	s18 =	sadd.s32 $0x3C00, s6;
	[dreg:$0x5] =	wrdreg s17  }
0xc: {  	s4 =	sshrl.u32 s4, $0x3;
	s19 =	sadd.s32 $0x5000, s6;
	[dreg:$0x6] =	wrdreg s18  }
0xd: {  	s20 =	sadd.s32 $0x6400, s6;
	s21 =	sadd.s32 $0x7800, s6;
	[dreg:$0x7] =	wrdreg s19  }
0xe: {  	s22 =	sadd.s32 $0x8C00, s6;
	s23 =	sadd.s32 $0xA000, s6;
	[dreg:$0x8] =	wrdreg s20  }
0xf: {  	s24 =	sadd.s32 $0xB400, s6;
	s25 =	sadd.s32 $0xC800, s6;
	[dreg:$0x9] =	wrdreg s21  }
0x10: {  	s26 =	sadd.s32 $0xDC00, s6;
	s28 =	sadd.s32 $0x15400, s6;
	[dreg:$0xa] =	wrdreg s22  }
0x11: {  	s29 =	sadd.s32 $0x16800, s6;
	s30 =	sadd.s32 $0x17C00, s6;
	[dreg:$0xb] =	wrdreg s23  }
0x12: {  	s31 =	sadd.s32 $0x19000, s6;
	s7 =	sadd.s32 $0x1E000, s6;
	[dreg:$0xc] =	wrdreg s24  }
0x13: {  	s2 =	sadd.s32 s2, s1;
	s1 =	sadd.s32 s4, s1;
	[dreg:$0xd] =	wrdreg s25  }
0x14: {  	[dreg:$0xe] =	wrdreg s26;
	s18 =	sadd.s32 $0xF000, s6;
	s19 =	sadd.s32 $0x10400, s6  }
0x15: {  	s20 =	sadd.s32 $0x11800, s6;
	s21 =	sadd.s32 $0x12C00, s6;
	s25 =	smax.u32 s0, $0x1  }
0x16: {  	s17 =	stileid.u32;
	s26 =	sadd.s32 $0x14000, s6;
	s4 =	sadd.s32 $0x1CC00, s6  }
0x17: {  	s0 =	simm.s32 $0x9000;
	s22 =	sadd.s32 $0x5FC00, s2;
	s23 =	sadd.s32 $0x3200, s2  }
0x18: {  	s24 =	sadd.s32 $0x90E00, s1;
	s1 =	sadd.s32 $0x1A400, s6;
	s2 =	sadd.s32 $0x1B800, s6  }
.LBB2_1:
.Ltmp0:
0x19: {  	(pc) =	sbr.rel @p0 .LBB2_3-.Ltmp0, $1  }
0x1a: {  	_ =	sdelay $0x3  }
0x1b: {  	s13 =	rddreg [dreg:$0x1];
	s14 =	simm.s32 $0x0  }
0x1c: {  	[tilespmem:s0], [sflag:$0x1] =	stream.linear.gather [hbm4b:s13+s14], $0x1400, $0x38;
	[tilespmem:$0x1DC80] =	vst v63  }
0x1d: {  	_ =	swait.ge [sflag:s8], $0x1400  }
0x1e: {  	[sflag:s8] =	ssyncset.done $0x0  }
0x1f: {  	[sflag:s8] =	ssyncadd.s32 $0xFFFFEC00  }
0x20: {  	[spmem:s6] =	stream.linear.scatter [tilespmem:s0], [sflag:$0x1], $0x1400, $0x38;
	[tilespmem:$0x1DC80] =	vst v63  }
0x21: {  	_ =	swait.ge [sflag:s8], $0x1400  }
0x22: {  	[sflag:s8] =	ssyncset.done $0x0  }
0x23: {  	s15 =	rddreg [dreg:$0x4];
	[sflag:s8] =	ssyncadd.s32 $0xFFFFEC00  }
0x24: {  	[spmem:s15] =	stream.linear.scatter [tilespmem:s0], [sflag:$0x1], $0x1400, $0x38;
	[tilespmem:$0x1DC80] =	vst v63  }
0x25: {  	_ =	swait.ge [sflag:s8], $0x1400  }
0x26: {  	[sflag:s8] =	ssyncset.done $0x0  }
0x27: {  	s16 =	rddreg [dreg:$0x5];
	[sflag:s8] =	ssyncadd.s32 $0xFFFFEC00  }
0x28: {  	[spmem:s16] =	stream.linear.scatter [tilespmem:s0], [sflag:$0x1], $0x1400, $0x38;
	[tilespmem:$0x1DC80] =	vst v63  }
0x29: {  	_ =	swait.ge [sflag:s8], $0x1400  }
0x2a: {  	[sflag:s8] =	ssyncset.done $0x0  }
0x2b: {  	s14 =	rddreg [dreg:$0x6];
	[sflag:s8] =	ssyncadd.s32 $0xFFFFEC00  }
0x2c: {  	[spmem:s14] =	stream.linear.scatter [tilespmem:s0], [sflag:$0x1], $0x1400, $0x38;
	[tilespmem:$0x1DC80] =	vst v63  }
0x2d: {  	_ =	swait.ge [sflag:s8], $0x1400  }
0x2e: {  	[sflag:s8] =	ssyncset.done $0x0  }
0x2f: {  	s15 =	rddreg [dreg:$0x7];
	[sflag:s8] =	ssyncadd.s32 $0xFFFFEC00  }
0x30: {  	[spmem:s15] =	stream.linear.scatter [tilespmem:s0], [sflag:$0x1], $0x1400, $0x38;
	[tilespmem:$0x1DC80] =	vst v63  }
0x31: {  	_ =	swait.ge [sflag:s8], $0x1400  }
0x32: {  	[sflag:s8] =	ssyncset.done $0x0  }
0x33: {  	s16 =	rddreg [dreg:$0x8];
	[sflag:s8] =	ssyncadd.s32 $0xFFFFEC00  }
0x34: {  	[spmem:s16] =	stream.linear.scatter [tilespmem:s0], [sflag:$0x1], $0x1400, $0x38;
	[tilespmem:$0x1DC80] =	vst v63  }
0x35: {  	_ =	swait.ge [sflag:s8], $0x1400  }
0x36: {  	[sflag:s8] =	ssyncset.done $0x0  }
0x37: {  	s14 =	rddreg [dreg:$0x9];
	[sflag:s8] =	ssyncadd.s32 $0xFFFFEC00  }
0x38: {  	[spmem:s14] =	stream.linear.scatter [tilespmem:s0], [sflag:$0x1], $0x1400, $0x38;
	[tilespmem:$0x1DC80] =	vst v63  }
0x39: {  	_ =	swait.ge [sflag:s8], $0x1400  }
0x3a: {  	[sflag:s8] =	ssyncset.done $0x0  }
0x3b: {  	s15 =	rddreg [dreg:$0xa];
	[sflag:s8] =	ssyncadd.s32 $0xFFFFEC00  }
0x3c: {  	[spmem:s15] =	stream.linear.scatter [tilespmem:s0], [sflag:$0x1], $0x1400, $0x38;
	[tilespmem:$0x1DC80] =	vst v63  }
0x3d: {  	_ =	swait.ge [sflag:s8], $0x1400  }
0x3e: {  	[sflag:s8] =	ssyncset.done $0x0  }
0x3f: {  	s16 =	rddreg [dreg:$0xb];
	[sflag:s8] =	ssyncadd.s32 $0xFFFFEC00  }
0x40: {  	[spmem:s16] =	stream.linear.scatter [tilespmem:s0], [sflag:$0x1], $0x1400, $0x38;
	[tilespmem:$0x1DC80] =	vst v63  }
0x41: {  	_ =	swait.ge [sflag:s8], $0x1400  }
0x42: {  	[sflag:s8] =	ssyncset.done $0x0  }
0x43: {  	s14 =	rddreg [dreg:$0xc];
	[sflag:s8] =	ssyncadd.s32 $0xFFFFEC00  }
0x44: {  	[spmem:s14] =	stream.linear.scatter [tilespmem:s0], [sflag:$0x1], $0x1400, $0x38;
	[tilespmem:$0x1DC80] =	vst v63  }
0x45: {  	_ =	swait.ge [sflag:s8], $0x1400  }
0x46: {  	[sflag:s8] =	ssyncset.done $0x0  }
0x47: {  	s15 =	rddreg [dreg:$0xd];
	[sflag:s8] =	ssyncadd.s32 $0xFFFFEC00  }
0x48: {  	[spmem:s15] =	stream.linear.scatter [tilespmem:s0], [sflag:$0x1], $0x1400, $0x38;
	[tilespmem:$0x1DC80] =	vst v63  }
0x49: {  	_ =	swait.ge [sflag:s8], $0x1400  }
0x4a: {  	[sflag:s8] =	ssyncset.done $0x0  }
0x4b: {  	s16 =	rddreg [dreg:$0xe];
	[sflag:s8] =	ssyncadd.s32 $0xFFFFEC00  }
0x4c: {  	[spmem:s16] =	stream.linear.scatter [tilespmem:s0], [sflag:$0x1], $0x1400, $0x38;
	[tilespmem:$0x1DC80] =	vst v63  }
0x4d: {  	_ =	swait.ge [sflag:s8], $0x1400  }
0x4e: {  	[sflag:s8] =	ssyncset.done $0x0  }
0x4f: {  	[sflag:s8] =	ssyncadd.s32 $0xFFFFEC00  }
0x50: {  	[spmem:s18] =	stream.linear.scatter [tilespmem:s0], [sflag:$0x1], $0x1400, $0x38;
	[tilespmem:$0x1DC80] =	vst v63  }
0x51: {  	_ =	swait.ge [sflag:s8], $0x1400  }
0x52: {  	[sflag:s8] =	ssyncset.done $0x0  }
0x53: {  	[sflag:s8] =	ssyncadd.s32 $0xFFFFEC00  }
0x54: {  	[spmem:s19] =	stream.linear.scatter [tilespmem:s0], [sflag:$0x1], $0x1400, $0x38;
	[tilespmem:$0x1DC80] =	vst v63  }
0x55: {  	_ =	swait.ge [sflag:s8], $0x1400  }
0x56: {  	[sflag:s8] =	ssyncset.done $0x0  }
0x57: {  	[sflag:s8] =	ssyncadd.s32 $0xFFFFEC00  }
0x58: {  	[spmem:s20] =	stream.linear.scatter [tilespmem:s0], [sflag:$0x1], $0x1400, $0x38;
	[tilespmem:$0x1DC80] =	vst v63  }
0x59: {  	_ =	swait.ge [sflag:s8], $0x1400  }
0x5a: {  	[sflag:s8] =	ssyncset.done $0x0  }
0x5b: {  	[sflag:s8] =	ssyncadd.s32 $0xFFFFEC00  }
0x5c: {  	[spmem:s21] =	stream.linear.scatter [tilespmem:s0], [sflag:$0x1], $0x1400, $0x38;
	[tilespmem:$0x1DC80] =	vst v63  }
0x5d: {  	_ =	swait.ge [sflag:s8], $0x1400  }
0x5e: {  	[sflag:s8] =	ssyncset.done $0x0  }
0x5f: {  	[sflag:s8] =	ssyncadd.s32 $0xFFFFEC00  }
0x60: {  	[spmem:s26] =	stream.linear.scatter [tilespmem:s0], [sflag:$0x1], $0x1400, $0x38;
	[tilespmem:$0x1DC80] =	vst v63  }
0x61: {  	_ =	swait.ge [sflag:s8], $0x1400  }
0x62: {  	[sflag:s8] =	ssyncset.done $0x0  }
0x63: {  	[sflag:s8] =	ssyncadd.s32 $0xFFFFEC00  }
0x64: {  	[spmem:s28] =	stream.linear.scatter [tilespmem:s0], [sflag:$0x1], $0x1400, $0x38;
	[tilespmem:$0x1DC80] =	vst v63  }
0x65: {  	_ =	swait.ge [sflag:s8], $0x1400  }
0x66: {  	[sflag:s8] =	ssyncset.done $0x0  }
0x67: {  	[sflag:s8] =	ssyncadd.s32 $0xFFFFEC00  }
0x68: {  	[spmem:s29] =	stream.linear.scatter [tilespmem:s0], [sflag:$0x1], $0x1400, $0x38;
	[tilespmem:$0x1DC80] =	vst v63  }
0x69: {  	_ =	swait.ge [sflag:s8], $0x1400  }
0x6a: {  	[sflag:s8] =	ssyncset.done $0x0  }
0x6b: {  	[sflag:s8] =	ssyncadd.s32 $0xFFFFEC00  }
0x6c: {  	[spmem:s30] =	stream.linear.scatter [tilespmem:s0], [sflag:$0x1], $0x1400, $0x38;
	[tilespmem:$0x1DC80] =	vst v63  }
0x6d: {  	_ =	swait.ge [sflag:s8], $0x1400  }
0x6e: {  	[sflag:s8] =	ssyncset.done $0x0  }
0x6f: {  	[sflag:s8] =	ssyncadd.s32 $0xFFFFEC00  }
0x70: {  	[spmem:s31] =	stream.linear.scatter [tilespmem:s0], [sflag:$0x1], $0x1400, $0x38;
	[tilespmem:$0x1DC80] =	vst v63  }
0x71: {  	_ =	swait.ge [sflag:s8], $0x1400  }
0x72: {  	[sflag:s8] =	ssyncset.done $0x0  }
0x73: {  	[sflag:s8] =	ssyncadd.s32 $0xFFFFEC00  }
0x74: {  	[spmem:s1] =	stream.linear.scatter [tilespmem:s0], [sflag:$0x1], $0x1400, $0x38;
	[tilespmem:$0x1DC80] =	vst v63  }
0x75: {  	_ =	swait.ge [sflag:s8], $0x1400  }
0x76: {  	[sflag:s8] =	ssyncset.done $0x0  }
0x77: {  	[sflag:s8] =	ssyncadd.s32 $0xFFFFEC00  }
0x78: {  	[spmem:s2] =	stream.linear.scatter [tilespmem:s0], [sflag:$0x1], $0x1400, $0x38;
	[tilespmem:$0x1DC80] =	vst v63  }
0x79: {  	_ =	swait.ge [sflag:s8], $0x1400  }
0x7a: {  	[sflag:s8] =	ssyncset.done $0x0  }
0x7b: {  	[sflag:s8] =	ssyncadd.s32 $0xFFFFEC00  }
0x7c: {  	[spmem:s4] =	stream.linear.scatter [tilespmem:s0], [sflag:$0x1], $0x1400, $0x38;
	[tilespmem:$0x1DC80] =	vst v63  }
0x7d: {  	_ =	swait.ge [sflag:s8], $0x1400  }
0x7e: {  	[sflag:s8] =	ssyncset.done $0x0  }
0x7f: {  	[sflag:s8] =	ssyncadd.s32 $0xFFFFEC00  }
0x80: {  	[spmem:s7] =	stream.linear.scatter [tilespmem:s0], [sflag:$0x1], $0x1400, $0x38;
	[tilespmem:$0x1DC80] =	vst v63  }
0x81: {  	_ =	swait.ge [sflag:s8], $0x1400  }
0x82: {  	[sflag:s8] =	ssyncset.done $0x0  }
0x83: {  	[sflag:s8] =	ssyncadd.s32 $0xFFFFEC00  }
.LBB2_3:
0x84: {  	s13 =	simm.s32 $0x0  }
0x85: {  	[tilespmem:s13], [sflag:$0x1] =	stream.linear.gather [hbm4b:s22+s13], $0x2800, $0x38;
	[tilespmem:$0x1DC80] =	vst v63  }
0x86: {  	_ =	swait.ge [sflag:s8], $0x2800  }
0x87: {  	[sflag:s8] =	ssyncset.done $0x0  }
0x88: {  	[sflag:s8] =	ssyncadd.s32 $0xFFFFD800  }
0x89: {  	[tilespmem:s9], [sflag:$0x1] =	stream.linear.gather [hbm4b:s23+s13], $0x2800, $0x38;
	[tilespmem:$0x1DC80] =	vst v63  }
0x8a: {  	_ =	swait.ge [sflag:s8], $0x2800  }
0x8b: {  	[sflag:s8] =	ssyncset.done $0x0  }
0x8c: {  	[sflag:s8] =	ssyncadd.s32 $0xFFFFD800  }
0x8d: {  	s15 =	simm.s32 $0x0;
	[bflag:$0x0] =	sbarrier.arrive $0xFFFF  }
0x8e: {  	[tilespmem:s11], [sflag:$0x1] =	stream.indirect.gather [hbm4b:s5+s10], $0x80, s15, s10, $0xb8;
	[tilespmem:$0x1DC80] =	vst v63  }
0x8f: {  	_ =	swait.ge [sflag:s8], $0x3E80  }
0x90: {  	[sflag:s8] =	ssyncset.done $0x0  }
0x91: {  	s16 =	simm.s32 $0x2800;
	[sflag:s8] =	ssyncadd.s32 $0xFFFFC180  }
0x92: {  	[spmem:s3] =	stream.indirect.scatter.add.f32 [tilespmem:s11], [sflag:$0x1], $0x80, s16, s10, $0xb8;
	[tilespmem:$0x1DC80] =	vst v63  }
0x93: {  	_ =	swait.ge [sflag:s8], $0x3E80  }
0x94: {  	s14 =	simm.s32 $0x400;
	s13 =	simm.s32 $0x200;
	[sflag:s8] =	ssyncset.done $0x0  }
.LBB2_4:
0x95: {  	s15 =	sshra.s32 s13, $0x2  }
0x96: {  	[sflag:s8] =	ssyncadd.s32 $0xFFFFC180;
	s13 =	smov.u32 s14;
	s16 =	sadd.s32 $0x200, s14  }
0x97: {  	[tilespmem:s11], [sflag:$0x1] =	stream.indirect.gather [hbm4b:s5+s10], $0x80, s15, s10, $0xb8;
	[tilespmem:$0x1DC80] =	vst v63  }
0x98: {  	p1 =	sne.s32 s14, $0x9E00;
	_ =	swait.ge [sflag:s8], $0x3E80  }
.Ltmp1:
0x99: {  	[sflag:s8] =	ssyncset.done $0x0;
	(pc) =	sbr.rel @p1 .LBB2_4-.Ltmp1, $4  }
0x9a: {  	s14 =	sadd.s32 $0x2800, s15;
	[sflag:s8] =	ssyncadd.s32 $0xFFFFC180  }
0x9b: {  	[spmem:s3] =	stream.indirect.scatter.add.f32 [tilespmem:s11], [sflag:$0x1], $0x80, s14, s10, $0xb8;
	[tilespmem:$0x1DC80] =	vst v63  }
0x9c: {  	_ =	swait.ge [sflag:s8], $0x3E80  }
0x9d: {  	s14 =	smov.u32 s16;
	[sflag:s8] =	ssyncset.done $0x0  }
0x9e: {  	s13 =	sshra.s32 s13, $0x2;
	[sflag:s8] =	ssyncadd.s32 $0xFFFFC180  }
0x9f: {  	[tilespmem:s11], [sflag:$0x1] =	stream.indirect.gather [hbm4b:s5+s10], $0x80, s13, s10, $0xb8;
	[tilespmem:$0x1DC80] =	vst v63  }
0xa0: {  	_ =	swait.ge [sflag:s8], $0x3E80  }
0xa1: {  	[sflag:s8] =	ssyncset.done $0x0  }
0xa2: {  	s13 =	sadd.s32 $0x2800, s13;
	[sflag:s8] =	ssyncadd.s32 $0xFFFFC180  }
0xa3: {  	[spmem:s3] =	stream.indirect.scatter.add.f32 [tilespmem:s11], [sflag:$0x1], $0x80, s13, s10, $0xb8;
	[tilespmem:$0x1DC80] =	vst v63  }
0xa4: {  	_ =	swait.ge [sflag:s8], $0x3E80  }
0xa5: {  	s14 =	sshrl.u32 @!p0 s6, $0x3;
	[sflag:s8] =	ssyncset.done $0x0  }
0xa6: {  	s12 =	sadd.s32 $0x1, s12;
	s13 =	sshll.u32 @!p0 s17, $0x6;
	[sflag:s8] =	ssyncadd.s32 $0xFFFFC180  }
0xa7: {  	p1 =	sne.s32 s12, s25;
	s13 =	sor.u32 @!p0 $0x1C01, s13;
	[bflag:$0x0] =	sbarrier.arrive $0xFFFF  }
0xa8: {  	[hbm:s24], [sflag:s13] =	dma.local @!p0 [spmem:s14], $0x3E80  }
.Ltmp2:
0xa9: {  	_ = 	snop;
	(pc) =	sbr.rel @p1 .LBB2_1-.Ltmp2, $4  }
0xaa: {  	s13 =	simm.s32 @!p0 $0x1  }
0xab: {  	_ =	swait.ge @!p0 [sflag:s13], $0x3E80  }
0xac: {  	[sflag:s13] =	ssyncset.done @!p0 $0x0  }
0xad: {  	[sflag:s13] =	ssyncadd.s32 @!p0 $0xFFFFC180  }
0xae: {  	_ =	sfence.sel $0x180000  }
0xaf: {  	[bflag:$0x0] =	sbarrier.arrive $0xFFFF  }
0xb0: {  	_ =	strace $0x9000004A  }
0xb1: {  	[bflag:$0x2] =	sbarrier.arrive $0xFFFF  }
0xb2: {  	p0 =	sne.s32 s17, $0x0;
	s0 =	rddreg [dreg:$0x3]  }
0xb3: {  	s0 =	sadd.s32 @!p0 $0x100000, s0  }
0xb4: {  	[sflag:s0] =	ssyncadd.tile.s32 @!p0 $0x1;
	_ =	shalt  }
.Lfunc_end2:
_tile_overlayer_lowered:
.L_overlay_start_2:
0xb5: {  	(tag) =	ssettag $0x2  }
0xb6: {  	s0 =	rddreg [dreg:$0x0];
	s2 =	stileid.u32  }
0xb7: {  	s1 =	rddreg [dreg:$0x1];
	p0 =	sne.s32 s2, $0x0  }
0xb8: {  	s3 =	rddreg [dreg:$0x2];
	[bflag:$0x3] =	sbarrier.arrive $0xFFFF;
	s2 =	simm.s32 @!p0 $0x1C01  }
0xb9: {  	[timem:s3], [sflag:s2] =	dma.local @!p0 [hbm:s0], s1  }
0xba: {  	s0 =	simm.s32 @!p0 $0x1  }
0xbb: {  	_ =	swait.ge @!p0 [sflag:s0], s1  }
0xbc: {  	s1 =	ssub.s32 @!p0 $0x0, s1;
	[sflag:s0] =	ssyncset.done @!p0 $0x0  }
0xbd: {  	[sflag:s0] =	ssyncadd.s32 @!p0 s1  }
0xbe: {  	[bflag:$0x3] =	sbarrier.arrive $0xFFFF  }
0xbf: {  	_ =	shalt  }

// kernel: kernel.14.cloned.1.call-start
scs
__scs_entry_jumppad:
0x0: {  	(pc) =	sbr.rel $0x88, $3  }
0x1: {  	(tag) =	ssettag $0x0;
	lr =	simm.s32 $0x1  }
0x2: {  	[smem:$0x3F96] =	sst lr;
	_ =	strace $0xD0000000  }
0x3: {  	_ = 	snop  }
0x4: {  	_ = 	snop  }
0x5: {  	_ = 	snop  }
0x6: {  	_ = 	snop  }
0x7: {  	_ = 	snop  }
__scs_overlays_trampoline_lowered:
0x8: {  	[smem:$0x3FA5] =	sst s0  }
0x9: {  	[smem:$0x3FA6] =	sst s1  }
0xa: {  	[smem:$0x3FA7] =	sst s2  }
0xb: {  	[smem:$0x3FA8] =	sst s3  }
0xc: {  	[smem:$0x3FA9] =	sst s4  }
0xd: {  	[smem:$0x3FAA] =	sst s5  }
0xe: {  	[smem:$0x3FAB] =	sst s6  }
0xf: {  	[smem:$0x3FAC] =	sst s7  }
0x10: {  	[smem:$0x3FAD] =	sst s8  }
0x11: {  	[smem:$0x3FAE] =	sst s9;
	s0 =	simm.s32 @!p0 $0x0  }
0x12: {  	s1 =	sld [smem:$0x3F94];
	s0 =	simm.s32 @p0 $0x1  }
0x13: {  	[smem:$0x3FAF] =	sst s0;
	s0 =	simm.s32 @!p1 $0x0  }
0x14: {  	s2 =	sld [smem:$0x3F93];
	s0 =	simm.s32 @p1 $0x1  }
0x15: {  	[smem:$0x3FB0] =	sst s0;
	s0 =	simm.s32 @!p2 $0x0  }
0x16: {  	s3 =	sld [smem:$0x3FDB];
	s0 =	simm.s32 @p2 $0x1  }
0x17: {  	s4 =	simm.s32 $0x1BF5;
	[smem:$0x3FB2] =	sst s0  }
0x18: {  	s0 =	sld [smem:$0x3F95];
	_ =	swait.ge [sflag:s4], $0x0  }
0x19: {  	s7 =	sld [smem:$0x3F96]  }
0x1a: {  	s8 =	sadd.s32 $0xFFFFE003, lr  }
0x1b: {  	s9 =	sadd.s32 $0xFFFFFEF7, lr;
	s5 =	simm.s32 $0xFFFFFFFF;
	p2 =	slt.u32 s8, $0xFFFFF086  }
0x1c: {  	p1 =	slt.u32 s9, $0xF7A;
	s5 =	simm.s32 @!p2 $0x0  }
0x1d: {  	s5 =	simm.s32 @p1 $0x1;
	p0 =	seq.s32 s7, s2  }
0x1e: {  	s7 =	smul.u32 @!p0 $0xF7A, s2;
	p2 =	seq.s32 @!p0 s5, $0x0  }
0x1f: {  	s9 =	smul.u32 $0xF7A, s1;
	s8 =	simm.s32 @!p0 $0x1BF5;
	p2 =	por !p2, p0  }
0x20: {  	[sflag:s8] =	ssyncset.s32 @!p0 $0xFFFFF086;
	s6 =	sadd.s32 @!p0 s3, s7;
	s7 =	simm.s32 @!p0 $0x108  }
0x21: {  	s3 =	sadd.s32 s3, s9;
	s6 =	sadd.s32 @!p0 $0x88, s6;
	s7 =	simm.s32 @p2 $0x1082  }
0x22: {  	[simem:s7], [sflag:s8] =	dma.local @!p0 [hbm:s6], $0xF7A  }
0x23: {  	s9 =	sor.u32 $0xD0000000, s2;
	s6 =	simm.s32 $0x108;
	_ =	swait.ge @!p0 [sflag:s8], $0x0  }
0x24: {  	s3 =	sadd.s32 $0x88, s3;
	s6 =	simm.s32 @!p1 $0x1082;
	[sflag:s4] =	ssyncset.s32 $0xFFFFF086  }
0x25: {  	[simem:s6], [sflag:s4] =	dma.local [hbm:s3], $0xF7A  }
0x26: {  	[smem:$0x3F96] =	sst s1;
	(tag) =	ssettag s2;
	_ =	strace s9  }
0x27: {  	s1 =	sld [smem:$0x3FA6]  }
0x28: {  	s2 =	sld [smem:$0x3FA7]  }
0x29: {  	s4 =	sld [smem:$0x3FA9]  }
0x2a: {  	p0 =	seq.s32 s5, $0x0;
	s5 =	sld [smem:$0x3FAA]  }
0x2b: {  	s6 =	sld [smem:$0x3FAB]  }
0x2c: {  	s7 =	sld [smem:$0x3FAC]  }
0x2d: {  	s3 =	simm.s32 $0x108;
	s8 =	sld [smem:$0x3FAD]  }
0x2e: {  	s3 =	simm.s32 @!p0 $0x1082;
	s9 =	sld [smem:$0x3FAE]  }
0x2f: {  	lr =	sadd.s32 s0, s3;
	s0 =	sld [smem:$0x3FA5]  }
0x30: {  	s3 =	sld [smem:$0x3FA8]  }
0x31: {  	[smem:$0x3FB1] =	sst s10  }
0x32: {  	s10 =	sld [smem:$0x3FAF];
	_ =	sdelay $0x3  }
0x33: {  	p0 =	seq.s32 s10, $0x1;
	s10 =	sld [smem:$0x3FB1];
	_ =	sdelay $0x3  }
0x34: {  	[smem:$0x3FB1] =	sst s10  }
0x35: {  	s10 =	sld [smem:$0x3FB0];
	_ =	sdelay $0x3  }
0x36: {  	p1 =	seq.s32 s10, $0x1;
	s10 =	sld [smem:$0x3FB1];
	_ =	sdelay $0x3  }
0x37: {  	[smem:$0x3FB1] =	sst s10  }
0x38: {  	s10 =	sld [smem:$0x3FB2]  }
0x39: {  	_ = 	snop;
	(pc) =	sbr.ind lr, $3  }
0x3a: {  	_ = 	snop  }
0x3b: {  	_ = 	snop  }
0x3c: {  	p2 =	seq.s32 s10, $0x1;
	s10 =	sld [smem:$0x3FB1]  }
0x3d: {  	_ =	shalt  }
0x3e: {  	_ =	shalt  }
0x3f: {  	_ =	shalt  }
0x40: {  	_ =	shalt  }
0x41: {  	_ =	shalt  }
0x42: {  	_ =	shalt  }
0x43: {  	_ =	shalt  }
0x44: {  	_ =	shalt  }
0x45: {  	_ =	shalt  }
0x46: {  	_ =	shalt  }
0x47: {  	_ =	shalt  }
0x48: {  	_ =	shalt  }
0x49: {  	_ =	shalt  }
0x4a: {  	_ =	shalt  }
0x4b: {  	_ =	shalt  }
0x4c: {  	_ =	shalt  }
0x4d: {  	_ =	shalt  }
0x4e: {  	_ =	shalt  }
0x4f: {  	_ =	shalt  }
0x50: {  	_ =	shalt  }
0x51: {  	_ =	shalt  }
0x52: {  	_ =	shalt  }
0x53: {  	_ =	shalt  }
0x54: {  	_ =	shalt  }
0x55: {  	_ =	shalt  }
0x56: {  	_ =	shalt  }
0x57: {  	_ =	shalt  }
0x58: {  	_ =	shalt  }
0x59: {  	_ =	shalt  }
0x5a: {  	_ =	shalt  }
0x5b: {  	_ =	shalt  }
0x5c: {  	_ =	shalt  }
0x5d: {  	_ =	shalt  }
0x5e: {  	_ =	shalt  }
0x5f: {  	_ =	shalt  }
0x60: {  	_ =	shalt  }
0x61: {  	_ =	shalt  }
0x62: {  	_ =	shalt  }
0x63: {  	_ =	shalt  }
0x64: {  	_ =	shalt  }
0x65: {  	_ =	shalt  }
0x66: {  	_ =	shalt  }
0x67: {  	_ =	shalt  }
0x68: {  	_ =	shalt  }
0x69: {  	_ =	shalt  }
0x6a: {  	_ =	shalt  }
0x6b: {  	_ =	shalt  }
0x6c: {  	_ =	shalt  }
0x6d: {  	_ =	shalt  }
0x6e: {  	_ =	shalt  }
0x6f: {  	_ =	shalt  }
0x70: {  	_ =	shalt  }
0x71: {  	_ =	shalt  }
0x72: {  	_ =	shalt  }
0x73: {  	_ =	shalt  }
0x74: {  	_ =	shalt  }
0x75: {  	_ =	shalt  }
0x76: {  	_ =	shalt  }
0x77: {  	_ =	shalt  }
0x78: {  	_ =	shalt  }
0x79: {  	_ =	shalt  }
0x7a: {  	_ =	shalt  }
0x7b: {  	_ =	shalt  }
0x7c: {  	_ =	shalt  }
0x7d: {  	_ =	shalt  }
0x7e: {  	_ =	shalt  }
0x7f: {  	_ =	shalt  }
0x80: {  	_ =	shalt  }
0x81: {  	_ =	shalt  }
0x82: {  	_ =	shalt  }
0x83: {  	_ =	shalt  }
0x84: {  	_ =	shalt  }
0x85: {  	_ =	shalt  }
0x86: {  	_ =	shalt  }
0x87: {  	_ =	shalt  }
.Lfunc_end0:
.L_simem_size_0:
called_computation.2_lowered:
.L_overlay_start_0:
0x88: {  	s2 =	sld [smem:$0x3FD9]  }
0x89: {  	s3 =	sld [smem:$0x3FFE];
	_ =	sdelay $0x1  }
0x8a: {  	s1 =	srdreg.scid  }
0x8b: {  	s0 =	sand.u32 $0x1, s1  }
0x8c: {  	s17 =	sshll.u32 s0, $0xA;
	s2 =	sadd.s32 s3, s2  }
0x8d: {  	s2 =	sadd.s32 s2, s17  }
0x8e: {  	[smem:$0x3FBD] =	sst s2  }
0x8f: {  	_ = 	snop  }
0x90: {  	s2 =	sld [smem:$0x3FD0];
	(tm) =	ssettm $0x1  }
0x91: {  	s18 =	sld [smem:$0x3FFB];
	_ =	sdelay $0x3  }
0x92: {  	_ =	strace s18  }
0x93: {  	s3 =	sld [smem:$0x3FFC];
	_ =	sdelay $0x3  }
0x94: {  	_ =	strace s3  }
0x95: {  	s3 =	sld [smem:$0x3FFD];
	_ =	sdelay $0x3  }
0x96: {  	_ =	strace s3  }
0x97: {  	_ =	strace $0x8FFFFFFF  }
0x98: {  	s19 =	sld [smem:$0x3FDB];
	_ =	sdelay $0x1  }
0x99: {  	s4 =	simm.s32 $_scs_section_size  }
0x9a: {  	s5 =	simm.s32 $_size__tile_overlayer_lowered;
	s6 =	simm.s32 $_tile_overlayer_lowered  }
0x9b: {  	s22 =	simm.s32 $0x1BFF;
	s21 =	sshll.u32 s6, $0x1;
	s3 =	sadd.s32 s4, s19  }
0x9c: {  	s7 =	simm.s32 $0x0;
	s20 =	sshll.u32 s5, $0x1;
	s5 =	sadd.s32 s21, s3  }
0x9d: {  	[timem:s7], [sflag:s22] =	dma.local [hbm:s5], s20  }
0x9e: {  	_ =	swait.ge [sflag:s22], s20  }
0x9f: {  	s4 =	ssub.s32 $0x0, s20;
	[sflag:s22] =	ssyncset.done $0x0  }
0xa0: {  	[sflag:s22] =	ssyncadd.s32 s4;
	_ =	sdelay $0x1  }
0xa1: {  	s23 =	simm.s32 $0x1B8B  }
0xa2: {  	_ =	swait.ge [sflag:s23], $0x1  }
0xa3: {  	[sflag:s23] =	ssyncset.done $0x0  }
0xa4: {  	s25 =	simm.s32 $0x1B8E;
	s24 =	sld [smem:$0x3FFE];
	[sflag:s23] =	ssyncadd.s32 $0xFFFFFFFF  }
0xa5: {  	s26 =	simm.s32 $execute0_lowered;
	[smem:$0x3FD2] =	sst s25  }
0xa6: {  	s5 =	sshll.u32 s26, $0x1;
	_ =	strace $0x8000004C;
	[dreg:$0x1] =	wrdreg $0xFFFFFFFF  }
0xa7: {  	s28 =	simm.s32 $_size_execute0_lowered;
	s3 =	sadd.s32 s3, s5;
	[dreg:$0x0] =	wrdreg $0x0  }
0xa8: {  	s5 =	sshll.u32 s28, $0x1;
	[dreg:$0x2] =	wrdreg s3  }
0xa9: {  	[dreg:$0x3] =	wrdreg s5  }
0xaa: {  	[dreg:$0x4] =	wrdreg $0xC0  }
0xab: {  	_ =	task [dreg:s7], $0x5FFFF  }
0xac: {  	[dreg:$0x1] =	wrdreg $0xFFFFFFFF  }
0xad: {  	[dreg:$0x0] =	wrdreg $0x60  }
0xae: {  	[dreg:$0x2] =	wrdreg s24  }
0xaf: {  	[dreg:$0x3] =	wrdreg s2  }
0xb0: {  	[dreg:$0x4] =	wrdreg $0xA4000  }
0xb1: {  	[dreg:$0x5] =	wrdreg $0x9  }
0xb2: {  	_ =	task.clear_ibuf [dreg:s7], $0x6FFFF;
	_ =	strace $0x9000004C  }
0xb3: {  	s29 =	simm.s32 $0x9;
	_ =	strace $0x8000004E  }
0xb4: {  	_ =	swait.ge [sflag:s29], $0x1  }
0xb5: {  	[sflag:s29] =	ssyncadd.s32 $0xFFFFFFFF  }
0xb6: {  	_ =	strace $0x9000004E  }
0xb7: {  	_ =	sfence  }
0xb8: {  	s30 =	sld [smem:$0x0];
	_ =	sdelay $0x2  }
0xb9: {  	s31 =	sshll.u32 s1, $0xD;
	s1 =	sshrl.u32 s1, $0x2  }
0xba: {  	s3 =	sand.u32 $0x4000, s31;
	s1 =	sadd.s32 s1, s30  }
0xbb: {  	s0 =	sor.u32 s3, s0;
	s1 =	sshll.u32 s1, $0x11  }
0xbc: {  	s0 =	sor.u32 s1, s0  }
0xbd: {  	s0 =	sadd.s32 $0x8F2B, s0  }
0xbe: {  	[sflag:s0] =	ssyncadd.remote.s32 $0x1  }
0xbf: {  	_ =	sfence.sel $0xFFFF  }
0xc0: {  	[dreg:$0x0] =	wrdreg $0xFFFFFFFF;
	(pc) =	sbr.abs _section_cstart, $3  }
0xc1: {  	[dreg:$0x1] =	wrdreg $0xFFFFFFFF  }
0xc2: {  	_ =	task.clear_ibuf [dreg:s7], $0x2FFFF;
	_ =	strace $0x9FFFFFFF  }
0xc3: {  	(tm) =	ssettm $0x7FFFFFFF  }
tec
execute0_lowered:
.L_overlay_start_1:
0x0: {  	(tag) =	ssettag $0x1  }
0x1: {  	s0 =	srdreg.scid;
	s1 =	rddreg [dreg:$0x0]  }
0x2: {  	s8 =	stileid.u32;
	s3 =	rddreg [dreg:$0x2];
	s5 =	simm.s32 $0x0  }
0x3: {  	s9 =	simm.s32 $0x2800;
	s10 =	simm.s32 $0x7D;
	s11 =	simm.s32 $0x5000  }
0x4: {  	s12 =	simm.s32 $0x0;
	s0 =	sand.u32 $0x1, s0;
	s6 =	smul.u32 $0x1F400, s8  }
0x5: {  	[smem:$0x7FF] =	sst s5;
	s7 =	smul.u32 $0x7D000, s8;
	s5 =	sadd.s32 $0x69C00, s1  }
0x6: {  	p0 =	sgt.u32 s8, $0x9;
	s2 =	sshll.u32 s0, $0x4;
	s4 =	smul.u32 $0x138800, s0  }
0x7: {  	_ =	strace $0x8000004D;
	s0 =	ssub.s32 $0x2, s0;
	s14 =	sshrl.u32 s7, $0x2  }
0x8: {  	s2 =	sor.u32 s8, s2;
	s4 =	sadd.s32 s6, s4;
	s6 =	sadd.s32 s14, s3  }
0x9: {  	s15 =	sshrl.u32 s0, $0x1;
	s8 =	simm.s32 $0x1;
	s16 =	sadd.s32 $0x1400, s6  }
0xa: {  	s2 =	smul.u32 $0x500, s2;
	s17 =	sadd.s32 $0x2800, s6;
	[dreg:$0x4] =	wrdreg s16  }
0xb: {  	s0 =	ssub.s32 s0, s15;
	s18 =	sadd.s32 $0x3C00, s6;
	[dreg:$0x5] =	wrdreg s17  }
0xc: {  	s4 =	sshrl.u32 s4, $0x3;
	s19 =	sadd.s32 $0x5000, s6;
	[dreg:$0x6] =	wrdreg s18  }
0xd: {  	s20 =	sadd.s32 $0x6400, s6;
	s21 =	sadd.s32 $0x7800, s6;
	[dreg:$0x7] =	wrdreg s19  }
0xe: {  	s22 =	sadd.s32 $0x8C00, s6;
	s23 =	sadd.s32 $0xA000, s6;
	[dreg:$0x8] =	wrdreg s20  }
0xf: {  	s24 =	sadd.s32 $0xB400, s6;
	s25 =	sadd.s32 $0xC800, s6;
	[dreg:$0x9] =	wrdreg s21  }
0x10: {  	s26 =	sadd.s32 $0xDC00, s6;
	s28 =	sadd.s32 $0x15400, s6;
	[dreg:$0xa] =	wrdreg s22  }
0x11: {  	s29 =	sadd.s32 $0x16800, s6;
	s30 =	sadd.s32 $0x17C00, s6;
	[dreg:$0xb] =	wrdreg s23  }
0x12: {  	s31 =	sadd.s32 $0x19000, s6;
	s7 =	sadd.s32 $0x1E000, s6;
	[dreg:$0xc] =	wrdreg s24  }
0x13: {  	s2 =	sadd.s32 s2, s1;
	s1 =	sadd.s32 s4, s1;
	[dreg:$0xd] =	wrdreg s25  }
0x14: {  	[dreg:$0xe] =	wrdreg s26;
	s18 =	sadd.s32 $0xF000, s6;
	s19 =	sadd.s32 $0x10400, s6  }
0x15: {  	s20 =	sadd.s32 $0x11800, s6;
	s21 =	sadd.s32 $0x12C00, s6;
	s25 =	smax.u32 s0, $0x1  }
0x16: {  	s17 =	stileid.u32;
	s26 =	sadd.s32 $0x14000, s6;
	s4 =	sadd.s32 $0x1CC00, s6  }
0x17: {  	s0 =	simm.s32 $0x9000;
	s22 =	sadd.s32 $0x5FC00, s2;
	s23 =	sadd.s32 $0x3200, s2  }
0x18: {  	s24 =	sadd.s32 $0x90E00, s1;
	s1 =	sadd.s32 $0x1A400, s6;
	s2 =	sadd.s32 $0x1B800, s6  }
.LBB2_1:
.Ltmp0:
0x19: {  	(pc) =	sbr.rel @p0 .LBB2_3-.Ltmp0, $1  }
0x1a: {  	_ =	sdelay $0x3  }
0x1b: {  	s13 =	rddreg [dreg:$0x1];
	s14 =	simm.s32 $0x0  }
0x1c: {  	[tilespmem:s0], [sflag:$0x1] =	stream.linear.gather [hbm4b:s13+s14], $0x1400, $0x38;
	[tilespmem:$0x1DC80] =	vst v63  }
0x1d: {  	_ =	swait.ge [sflag:s8], $0x1400  }
0x1e: {  	[sflag:s8] =	ssyncset.done $0x0  }
0x1f: {  	[sflag:s8] =	ssyncadd.s32 $0xFFFFEC00  }
0x20: {  	[spmem:s6] =	stream.linear.scatter [tilespmem:s0], [sflag:$0x1], $0x1400, $0x38;
	[tilespmem:$0x1DC80] =	vst v63  }
0x21: {  	_ =	swait.ge [sflag:s8], $0x1400  }
0x22: {  	[sflag:s8] =	ssyncset.done $0x0  }
0x23: {  	s15 =	rddreg [dreg:$0x4];
	[sflag:s8] =	ssyncadd.s32 $0xFFFFEC00  }
0x24: {  	[spmem:s15] =	stream.linear.scatter [tilespmem:s0], [sflag:$0x1], $0x1400, $0x38;
	[tilespmem:$0x1DC80] =	vst v63  }
0x25: {  	_ =	swait.ge [sflag:s8], $0x1400  }
0x26: {  	[sflag:s8] =	ssyncset.done $0x0  }
0x27: {  	s16 =	rddreg [dreg:$0x5];
	[sflag:s8] =	ssyncadd.s32 $0xFFFFEC00  }
0x28: {  	[spmem:s16] =	stream.linear.scatter [tilespmem:s0], [sflag:$0x1], $0x1400, $0x38;
	[tilespmem:$0x1DC80] =	vst v63  }
0x29: {  	_ =	swait.ge [sflag:s8], $0x1400  }
0x2a: {  	[sflag:s8] =	ssyncset.done $0x0  }
0x2b: {  	s14 =	rddreg [dreg:$0x6];
	[sflag:s8] =	ssyncadd.s32 $0xFFFFEC00  }
0x2c: {  	[spmem:s14] =	stream.linear.scatter [tilespmem:s0], [sflag:$0x1], $0x1400, $0x38;
	[tilespmem:$0x1DC80] =	vst v63  }
0x2d: {  	_ =	swait.ge [sflag:s8], $0x1400  }
0x2e: {  	[sflag:s8] =	ssyncset.done $0x0  }
0x2f: {  	s15 =	rddreg [dreg:$0x7];
	[sflag:s8] =	ssyncadd.s32 $0xFFFFEC00  }
0x30: {  	[spmem:s15] =	stream.linear.scatter [tilespmem:s0], [sflag:$0x1], $0x1400, $0x38;
	[tilespmem:$0x1DC80] =	vst v63  }
0x31: {  	_ =	swait.ge [sflag:s8], $0x1400  }
0x32: {  	[sflag:s8] =	ssyncset.done $0x0  }
0x33: {  	s16 =	rddreg [dreg:$0x8];
	[sflag:s8] =	ssyncadd.s32 $0xFFFFEC00  }
0x34: {  	[spmem:s16] =	stream.linear.scatter [tilespmem:s0], [sflag:$0x1], $0x1400, $0x38;
	[tilespmem:$0x1DC80] =	vst v63  }
0x35: {  	_ =	swait.ge [sflag:s8], $0x1400  }
0x36: {  	[sflag:s8] =	ssyncset.done $0x0  }
0x37: {  	s14 =	rddreg [dreg:$0x9];
	[sflag:s8] =	ssyncadd.s32 $0xFFFFEC00  }
0x38: {  	[spmem:s14] =	stream.linear.scatter [tilespmem:s0], [sflag:$0x1], $0x1400, $0x38;
	[tilespmem:$0x1DC80] =	vst v63  }
0x39: {  	_ =	swait.ge [sflag:s8], $0x1400  }
0x3a: {  	[sflag:s8] =	ssyncset.done $0x0  }
0x3b: {  	s15 =	rddreg [dreg:$0xa];
	[sflag:s8] =	ssyncadd.s32 $0xFFFFEC00  }
0x3c: {  	[spmem:s15] =	stream.linear.scatter [tilespmem:s0], [sflag:$0x1], $0x1400, $0x38;
	[tilespmem:$0x1DC80] =	vst v63  }
0x3d: {  	_ =	swait.ge [sflag:s8], $0x1400  }
0x3e: {  	[sflag:s8] =	ssyncset.done $0x0  }
0x3f: {  	s16 =	rddreg [dreg:$0xb];
	[sflag:s8] =	ssyncadd.s32 $0xFFFFEC00  }
0x40: {  	[spmem:s16] =	stream.linear.scatter [tilespmem:s0], [sflag:$0x1], $0x1400, $0x38;
	[tilespmem:$0x1DC80] =	vst v63  }
0x41: {  	_ =	swait.ge [sflag:s8], $0x1400  }
0x42: {  	[sflag:s8] =	ssyncset.done $0x0  }
0x43: {  	s14 =	rddreg [dreg:$0xc];
	[sflag:s8] =	ssyncadd.s32 $0xFFFFEC00  }
0x44: {  	[spmem:s14] =	stream.linear.scatter [tilespmem:s0], [sflag:$0x1], $0x1400, $0x38;
	[tilespmem:$0x1DC80] =	vst v63  }
0x45: {  	_ =	swait.ge [sflag:s8], $0x1400  }
0x46: {  	[sflag:s8] =	ssyncset.done $0x0  }
0x47: {  	s15 =	rddreg [dreg:$0xd];
	[sflag:s8] =	ssyncadd.s32 $0xFFFFEC00  }
0x48: {  	[spmem:s15] =	stream.linear.scatter [tilespmem:s0], [sflag:$0x1], $0x1400, $0x38;
	[tilespmem:$0x1DC80] =	vst v63  }
0x49: {  	_ =	swait.ge [sflag:s8], $0x1400  }
0x4a: {  	[sflag:s8] =	ssyncset.done $0x0  }
0x4b: {  	s16 =	rddreg [dreg:$0xe];
	[sflag:s8] =	ssyncadd.s32 $0xFFFFEC00  }
0x4c: {  	[spmem:s16] =	stream.linear.scatter [tilespmem:s0], [sflag:$0x1], $0x1400, $0x38;
	[tilespmem:$0x1DC80] =	vst v63  }
0x4d: {  	_ =	swait.ge [sflag:s8], $0x1400  }
0x4e: {  	[sflag:s8] =	ssyncset.done $0x0  }
0x4f: {  	[sflag:s8] =	ssyncadd.s32 $0xFFFFEC00  }
0x50: {  	[spmem:s18] =	stream.linear.scatter [tilespmem:s0], [sflag:$0x1], $0x1400, $0x38;
	[tilespmem:$0x1DC80] =	vst v63  }
0x51: {  	_ =	swait.ge [sflag:s8], $0x1400  }
0x52: {  	[sflag:s8] =	ssyncset.done $0x0  }
0x53: {  	[sflag:s8] =	ssyncadd.s32 $0xFFFFEC00  }
0x54: {  	[spmem:s19] =	stream.linear.scatter [tilespmem:s0], [sflag:$0x1], $0x1400, $0x38;
	[tilespmem:$0x1DC80] =	vst v63  }
0x55: {  	_ =	swait.ge [sflag:s8], $0x1400  }
0x56: {  	[sflag:s8] =	ssyncset.done $0x0  }
0x57: {  	[sflag:s8] =	ssyncadd.s32 $0xFFFFEC00  }
0x58: {  	[spmem:s20] =	stream.linear.scatter [tilespmem:s0], [sflag:$0x1], $0x1400, $0x38;
	[tilespmem:$0x1DC80] =	vst v63  }
0x59: {  	_ =	swait.ge [sflag:s8], $0x1400  }
0x5a: {  	[sflag:s8] =	ssyncset.done $0x0  }
0x5b: {  	[sflag:s8] =	ssyncadd.s32 $0xFFFFEC00  }
0x5c: {  	[spmem:s21] =	stream.linear.scatter [tilespmem:s0], [sflag:$0x1], $0x1400, $0x38;
	[tilespmem:$0x1DC80] =	vst v63  }
0x5d: {  	_ =	swait.ge [sflag:s8], $0x1400  }
0x5e: {  	[sflag:s8] =	ssyncset.done $0x0  }
0x5f: {  	[sflag:s8] =	ssyncadd.s32 $0xFFFFEC00  }
0x60: {  	[spmem:s26] =	stream.linear.scatter [tilespmem:s0], [sflag:$0x1], $0x1400, $0x38;
	[tilespmem:$0x1DC80] =	vst v63  }
0x61: {  	_ =	swait.ge [sflag:s8], $0x1400  }
0x62: {  	[sflag:s8] =	ssyncset.done $0x0  }
0x63: {  	[sflag:s8] =	ssyncadd.s32 $0xFFFFEC00  }
0x64: {  	[spmem:s28] =	stream.linear.scatter [tilespmem:s0], [sflag:$0x1], $0x1400, $0x38;
	[tilespmem:$0x1DC80] =	vst v63  }
0x65: {  	_ =	swait.ge [sflag:s8], $0x1400  }
0x66: {  	[sflag:s8] =	ssyncset.done $0x0  }
0x67: {  	[sflag:s8] =	ssyncadd.s32 $0xFFFFEC00  }
0x68: {  	[spmem:s29] =	stream.linear.scatter [tilespmem:s0], [sflag:$0x1], $0x1400, $0x38;
	[tilespmem:$0x1DC80] =	vst v63  }
0x69: {  	_ =	swait.ge [sflag:s8], $0x1400  }
0x6a: {  	[sflag:s8] =	ssyncset.done $0x0  }
0x6b: {  	[sflag:s8] =	ssyncadd.s32 $0xFFFFEC00  }
0x6c: {  	[spmem:s30] =	stream.linear.scatter [tilespmem:s0], [sflag:$0x1], $0x1400, $0x38;
	[tilespmem:$0x1DC80] =	vst v63  }
0x6d: {  	_ =	swait.ge [sflag:s8], $0x1400  }
0x6e: {  	[sflag:s8] =	ssyncset.done $0x0  }
0x6f: {  	[sflag:s8] =	ssyncadd.s32 $0xFFFFEC00  }
0x70: {  	[spmem:s31] =	stream.linear.scatter [tilespmem:s0], [sflag:$0x1], $0x1400, $0x38;
	[tilespmem:$0x1DC80] =	vst v63  }
0x71: {  	_ =	swait.ge [sflag:s8], $0x1400  }
0x72: {  	[sflag:s8] =	ssyncset.done $0x0  }
0x73: {  	[sflag:s8] =	ssyncadd.s32 $0xFFFFEC00  }
0x74: {  	[spmem:s1] =	stream.linear.scatter [tilespmem:s0], [sflag:$0x1], $0x1400, $0x38;
	[tilespmem:$0x1DC80] =	vst v63  }
0x75: {  	_ =	swait.ge [sflag:s8], $0x1400  }
0x76: {  	[sflag:s8] =	ssyncset.done $0x0  }
0x77: {  	[sflag:s8] =	ssyncadd.s32 $0xFFFFEC00  }
0x78: {  	[spmem:s2] =	stream.linear.scatter [tilespmem:s0], [sflag:$0x1], $0x1400, $0x38;
	[tilespmem:$0x1DC80] =	vst v63  }
0x79: {  	_ =	swait.ge [sflag:s8], $0x1400  }
0x7a: {  	[sflag:s8] =	ssyncset.done $0x0  }
0x7b: {  	[sflag:s8] =	ssyncadd.s32 $0xFFFFEC00  }
0x7c: {  	[spmem:s4] =	stream.linear.scatter [tilespmem:s0], [sflag:$0x1], $0x1400, $0x38;
	[tilespmem:$0x1DC80] =	vst v63  }
0x7d: {  	_ =	swait.ge [sflag:s8], $0x1400  }
0x7e: {  	[sflag:s8] =	ssyncset.done $0x0  }
0x7f: {  	[sflag:s8] =	ssyncadd.s32 $0xFFFFEC00  }
0x80: {  	[spmem:s7] =	stream.linear.scatter [tilespmem:s0], [sflag:$0x1], $0x1400, $0x38;
	[tilespmem:$0x1DC80] =	vst v63  }
0x81: {  	_ =	swait.ge [sflag:s8], $0x1400  }
0x82: {  	[sflag:s8] =	ssyncset.done $0x0  }
0x83: {  	[sflag:s8] =	ssyncadd.s32 $0xFFFFEC00  }
.LBB2_3:
0x84: {  	s13 =	simm.s32 $0x0  }
0x85: {  	[tilespmem:s13], [sflag:$0x1] =	stream.linear.gather [hbm4b:s22+s13], $0x2800, $0x38;
	[tilespmem:$0x1DC80] =	vst v63  }
0x86: {  	_ =	swait.ge [sflag:s8], $0x2800  }
0x87: {  	[sflag:s8] =	ssyncset.done $0x0  }
0x88: {  	[sflag:s8] =	ssyncadd.s32 $0xFFFFD800  }
0x89: {  	[tilespmem:s9], [sflag:$0x1] =	stream.linear.gather [hbm4b:s23+s13], $0x2800, $0x38;
	[tilespmem:$0x1DC80] =	vst v63  }
0x8a: {  	_ =	swait.ge [sflag:s8], $0x2800  }
0x8b: {  	[sflag:s8] =	ssyncset.done $0x0  }
0x8c: {  	[sflag:s8] =	ssyncadd.s32 $0xFFFFD800  }
0x8d: {  	s15 =	simm.s32 $0x0;
	[bflag:$0x0] =	sbarrier.arrive $0xFFFF  }
0x8e: {  	[tilespmem:s11], [sflag:$0x1] =	stream.indirect.gather [hbm4b:s5+s10], $0x80, s15, s10, $0xb8;
	[tilespmem:$0x1DC80] =	vst v63  }
0x8f: {  	_ =	swait.ge [sflag:s8], $0x3E80  }
0x90: {  	[sflag:s8] =	ssyncset.done $0x0  }
0x91: {  	s16 =	simm.s32 $0x2800;
	[sflag:s8] =	ssyncadd.s32 $0xFFFFC180  }
0x92: {  	[spmem:s3] =	stream.indirect.scatter.add.f32 [tilespmem:s11], [sflag:$0x1], $0x80, s16, s10, $0xb8;
	[tilespmem:$0x1DC80] =	vst v63  }
0x93: {  	_ =	swait.ge [sflag:s8], $0x3E80  }
0x94: {  	s14 =	simm.s32 $0x400;
	s13 =	simm.s32 $0x200;
	[sflag:s8] =	ssyncset.done $0x0  }
.LBB2_4:
0x95: {  	s15 =	sshra.s32 s13, $0x2  }
0x96: {  	[sflag:s8] =	ssyncadd.s32 $0xFFFFC180;
	s13 =	smov.u32 s14;
	s16 =	sadd.s32 $0x200, s14  }
0x97: {  	[tilespmem:s11], [sflag:$0x1] =	stream.indirect.gather [hbm4b:s5+s10], $0x80, s15, s10, $0xb8;
	[tilespmem:$0x1DC80] =	vst v63  }
0x98: {  	p1 =	sne.s32 s14, $0x9E00;
	_ =	swait.ge [sflag:s8], $0x3E80  }
.Ltmp1:
0x99: {  	[sflag:s8] =	ssyncset.done $0x0;
	(pc) =	sbr.rel @p1 .LBB2_4-.Ltmp1, $4  }
0x9a: {  	s14 =	sadd.s32 $0x2800, s15;
	[sflag:s8] =	ssyncadd.s32 $0xFFFFC180  }
0x9b: {  	[spmem:s3] =	stream.indirect.scatter.add.f32 [tilespmem:s11], [sflag:$0x1], $0x80, s14, s10, $0xb8;
	[tilespmem:$0x1DC80] =	vst v63  }
0x9c: {  	_ =	swait.ge [sflag:s8], $0x3E80  }
0x9d: {  	s14 =	smov.u32 s16;
	[sflag:s8] =	ssyncset.done $0x0  }
0x9e: {  	s13 =	sshra.s32 s13, $0x2;
	[sflag:s8] =	ssyncadd.s32 $0xFFFFC180  }
0x9f: {  	[tilespmem:s11], [sflag:$0x1] =	stream.indirect.gather [hbm4b:s5+s10], $0x80, s13, s10, $0xb8;
	[tilespmem:$0x1DC80] =	vst v63  }
0xa0: {  	_ =	swait.ge [sflag:s8], $0x3E80  }
0xa1: {  	[sflag:s8] =	ssyncset.done $0x0  }
0xa2: {  	s13 =	sadd.s32 $0x2800, s13;
	[sflag:s8] =	ssyncadd.s32 $0xFFFFC180  }
0xa3: {  	[spmem:s3] =	stream.indirect.scatter.add.f32 [tilespmem:s11], [sflag:$0x1], $0x80, s13, s10, $0xb8;
	[tilespmem:$0x1DC80] =	vst v63  }
0xa4: {  	_ =	swait.ge [sflag:s8], $0x3E80  }
0xa5: {  	s14 =	sshrl.u32 @!p0 s6, $0x3;
	[sflag:s8] =	ssyncset.done $0x0  }
0xa6: {  	s12 =	sadd.s32 $0x1, s12;
	s13 =	sshll.u32 @!p0 s17, $0x6;
	[sflag:s8] =	ssyncadd.s32 $0xFFFFC180  }
0xa7: {  	p1 =	sne.s32 s12, s25;
	s13 =	sor.u32 @!p0 $0x1C01, s13;
	[bflag:$0x0] =	sbarrier.arrive $0xFFFF  }
0xa8: {  	[hbm:s24], [sflag:s13] =	dma.local @!p0 [spmem:s14], $0x3E80  }
.Ltmp2:
0xa9: {  	_ = 	snop;
	(pc) =	sbr.rel @p1 .LBB2_1-.Ltmp2, $4  }
0xaa: {  	s13 =	simm.s32 @!p0 $0x1  }
0xab: {  	_ =	swait.ge @!p0 [sflag:s13], $0x3E80  }
0xac: {  	[sflag:s13] =	ssyncset.done @!p0 $0x0  }
0xad: {  	[sflag:s13] =	ssyncadd.s32 @!p0 $0xFFFFC180  }
0xae: {  	_ =	sfence.sel $0x180000  }
0xaf: {  	[bflag:$0x0] =	sbarrier.arrive $0xFFFF  }
0xb0: {  	_ =	strace $0x9000004D  }
0xb1: {  	[bflag:$0x2] =	sbarrier.arrive $0xFFFF  }
0xb2: {  	p0 =	sne.s32 s17, $0x0;
	s0 =	rddreg [dreg:$0x3]  }
0xb3: {  	s0 =	sadd.s32 @!p0 $0x100000, s0  }
0xb4: {  	[sflag:s0] =	ssyncadd.tile.s32 @!p0 $0x1;
	_ =	shalt  }
.Lfunc_end2:
_tile_overlayer_lowered:
.L_overlay_start_2:
0xb5: {  	(tag) =	ssettag $0x2  }
0xb6: {  	s0 =	rddreg [dreg:$0x0];
	s2 =	stileid.u32  }
0xb7: {  	s1 =	rddreg [dreg:$0x1];
	p0 =	sne.s32 s2, $0x0  }
0xb8: {  	s3 =	rddreg [dreg:$0x2];
	[bflag:$0x3] =	sbarrier.arrive $0xFFFF;
	s2 =	simm.s32 @!p0 $0x1C01  }
0xb9: {  	[timem:s3], [sflag:s2] =	dma.local @!p0 [hbm:s0], s1  }
0xba: {  	s0 =	simm.s32 @!p0 $0x1  }
0xbb: {  	_ =	swait.ge @!p0 [sflag:s0], s1  }
0xbc: {  	s1 =	ssub.s32 @!p0 $0x0, s1;
	[sflag:s0] =	ssyncset.done @!p0 $0x0  }
0xbd: {  	[sflag:s0] =	ssyncadd.s32 @!p0 s1  }
0xbe: {  	[bflag:$0x3] =	sbarrier.arrive $0xFFFF  }
0xbf: {  	_ =	shalt  }

// kernel: kernel.8.cloned.1.call-start
scs
__scs_entry_jumppad:
0x0: {  	(pc) =	sbr.rel $0x88, $3  }
0x1: {  	(tag) =	ssettag $0x0;
	lr =	simm.s32 $0x1  }
0x2: {  	[smem:$0x3F96] =	sst lr;
	_ =	strace $0xD0000000  }
0x3: {  	_ = 	snop  }
0x4: {  	_ = 	snop  }
0x5: {  	_ = 	snop  }
0x6: {  	_ = 	snop  }
0x7: {  	_ = 	snop  }
__scs_overlays_trampoline_lowered:
0x8: {  	[smem:$0x3FA5] =	sst s0  }
0x9: {  	[smem:$0x3FA6] =	sst s1  }
0xa: {  	[smem:$0x3FA7] =	sst s2  }
0xb: {  	[smem:$0x3FA8] =	sst s3  }
0xc: {  	[smem:$0x3FA9] =	sst s4  }
0xd: {  	[smem:$0x3FAA] =	sst s5  }
0xe: {  	[smem:$0x3FAB] =	sst s6  }
0xf: {  	[smem:$0x3FAC] =	sst s7  }
0x10: {  	[smem:$0x3FAD] =	sst s8  }
0x11: {  	[smem:$0x3FAE] =	sst s9;
	s0 =	simm.s32 @!p0 $0x0  }
0x12: {  	s1 =	sld [smem:$0x3F94];
	s0 =	simm.s32 @p0 $0x1  }
0x13: {  	[smem:$0x3FAF] =	sst s0;
	s0 =	simm.s32 @!p1 $0x0  }
0x14: {  	s2 =	sld [smem:$0x3F93];
	s0 =	simm.s32 @p1 $0x1  }
0x15: {  	[smem:$0x3FB0] =	sst s0;
	s0 =	simm.s32 @!p2 $0x0  }
0x16: {  	s3 =	sld [smem:$0x3FDB];
	s0 =	simm.s32 @p2 $0x1  }
0x17: {  	s4 =	simm.s32 $0x1BF5;
	[smem:$0x3FB2] =	sst s0  }
0x18: {  	s0 =	sld [smem:$0x3F95];
	_ =	swait.ge [sflag:s4], $0x0  }
0x19: {  	s7 =	sld [smem:$0x3F96]  }
0x1a: {  	s8 =	sadd.s32 $0xFFFFE003, lr  }
0x1b: {  	s9 =	sadd.s32 $0xFFFFFEF7, lr;
	s5 =	simm.s32 $0xFFFFFFFF;
	p2 =	slt.u32 s8, $0xFFFFF086  }
0x1c: {  	p1 =	slt.u32 s9, $0xF7A;
	s5 =	simm.s32 @!p2 $0x0  }
0x1d: {  	s5 =	simm.s32 @p1 $0x1;
	p0 =	seq.s32 s7, s2  }
0x1e: {  	s7 =	smul.u32 @!p0 $0xF7A, s2;
	p2 =	seq.s32 @!p0 s5, $0x0  }
0x1f: {  	s9 =	smul.u32 $0xF7A, s1;
	s8 =	simm.s32 @!p0 $0x1BF5;
	p2 =	por !p2, p0  }
0x20: {  	[sflag:s8] =	ssyncset.s32 @!p0 $0xFFFFF086;
	s6 =	sadd.s32 @!p0 s3, s7;
	s7 =	simm.s32 @!p0 $0x108  }
0x21: {  	s3 =	sadd.s32 s3, s9;
	s6 =	sadd.s32 @!p0 $0x88, s6;
	s7 =	simm.s32 @p2 $0x1082  }
0x22: {  	[simem:s7], [sflag:s8] =	dma.local @!p0 [hbm:s6], $0xF7A  }
0x23: {  	s9 =	sor.u32 $0xD0000000, s2;
	s6 =	simm.s32 $0x108;
	_ =	swait.ge @!p0 [sflag:s8], $0x0  }
0x24: {  	s3 =	sadd.s32 $0x88, s3;
	s6 =	simm.s32 @!p1 $0x1082;
	[sflag:s4] =	ssyncset.s32 $0xFFFFF086  }
0x25: {  	[simem:s6], [sflag:s4] =	dma.local [hbm:s3], $0xF7A  }
0x26: {  	[smem:$0x3F96] =	sst s1;
	(tag) =	ssettag s2;
	_ =	strace s9  }
0x27: {  	s1 =	sld [smem:$0x3FA6]  }
0x28: {  	s2 =	sld [smem:$0x3FA7]  }
0x29: {  	s4 =	sld [smem:$0x3FA9]  }
0x2a: {  	p0 =	seq.s32 s5, $0x0;
	s5 =	sld [smem:$0x3FAA]  }
0x2b: {  	s6 =	sld [smem:$0x3FAB]  }
0x2c: {  	s7 =	sld [smem:$0x3FAC]  }
0x2d: {  	s3 =	simm.s32 $0x108;
	s8 =	sld [smem:$0x3FAD]  }
0x2e: {  	s3 =	simm.s32 @!p0 $0x1082;
	s9 =	sld [smem:$0x3FAE]  }
0x2f: {  	lr =	sadd.s32 s0, s3;
	s0 =	sld [smem:$0x3FA5]  }
0x30: {  	s3 =	sld [smem:$0x3FA8]  }
0x31: {  	[smem:$0x3FB1] =	sst s10  }
0x32: {  	s10 =	sld [smem:$0x3FAF];
	_ =	sdelay $0x3  }
0x33: {  	p0 =	seq.s32 s10, $0x1;
	s10 =	sld [smem:$0x3FB1];
	_ =	sdelay $0x3  }
0x34: {  	[smem:$0x3FB1] =	sst s10  }
0x35: {  	s10 =	sld [smem:$0x3FB0];
	_ =	sdelay $0x3  }
0x36: {  	p1 =	seq.s32 s10, $0x1;
	s10 =	sld [smem:$0x3FB1];
	_ =	sdelay $0x3  }
0x37: {  	[smem:$0x3FB1] =	sst s10  }
0x38: {  	s10 =	sld [smem:$0x3FB2]  }
0x39: {  	_ = 	snop;
	(pc) =	sbr.ind lr, $3  }
0x3a: {  	_ = 	snop  }
0x3b: {  	_ = 	snop  }
0x3c: {  	p2 =	seq.s32 s10, $0x1;
	s10 =	sld [smem:$0x3FB1]  }
0x3d: {  	_ =	shalt  }
0x3e: {  	_ =	shalt  }
0x3f: {  	_ =	shalt  }
0x40: {  	_ =	shalt  }
0x41: {  	_ =	shalt  }
0x42: {  	_ =	shalt  }
0x43: {  	_ =	shalt  }
0x44: {  	_ =	shalt  }
0x45: {  	_ =	shalt  }
0x46: {  	_ =	shalt  }
0x47: {  	_ =	shalt  }
0x48: {  	_ =	shalt  }
0x49: {  	_ =	shalt  }
0x4a: {  	_ =	shalt  }
0x4b: {  	_ =	shalt  }
0x4c: {  	_ =	shalt  }
0x4d: {  	_ =	shalt  }
0x4e: {  	_ =	shalt  }
0x4f: {  	_ =	shalt  }
0x50: {  	_ =	shalt  }
0x51: {  	_ =	shalt  }
0x52: {  	_ =	shalt  }
0x53: {  	_ =	shalt  }
0x54: {  	_ =	shalt  }
0x55: {  	_ =	shalt  }
0x56: {  	_ =	shalt  }
0x57: {  	_ =	shalt  }
0x58: {  	_ =	shalt  }
0x59: {  	_ =	shalt  }
0x5a: {  	_ =	shalt  }
0x5b: {  	_ =	shalt  }
0x5c: {  	_ =	shalt  }
0x5d: {  	_ =	shalt  }
0x5e: {  	_ =	shalt  }
0x5f: {  	_ =	shalt  }
0x60: {  	_ =	shalt  }
0x61: {  	_ =	shalt  }
0x62: {  	_ =	shalt  }
0x63: {  	_ =	shalt  }
0x64: {  	_ =	shalt  }
0x65: {  	_ =	shalt  }
0x66: {  	_ =	shalt  }
0x67: {  	_ =	shalt  }
0x68: {  	_ =	shalt  }
0x69: {  	_ =	shalt  }
0x6a: {  	_ =	shalt  }
0x6b: {  	_ =	shalt  }
0x6c: {  	_ =	shalt  }
0x6d: {  	_ =	shalt  }
0x6e: {  	_ =	shalt  }
0x6f: {  	_ =	shalt  }
0x70: {  	_ =	shalt  }
0x71: {  	_ =	shalt  }
0x72: {  	_ =	shalt  }
0x73: {  	_ =	shalt  }
0x74: {  	_ =	shalt  }
0x75: {  	_ =	shalt  }
0x76: {  	_ =	shalt  }
0x77: {  	_ =	shalt  }
0x78: {  	_ =	shalt  }
0x79: {  	_ =	shalt  }
0x7a: {  	_ =	shalt  }
0x7b: {  	_ =	shalt  }
0x7c: {  	_ =	shalt  }
0x7d: {  	_ =	shalt  }
0x7e: {  	_ =	shalt  }
0x7f: {  	_ =	shalt  }
0x80: {  	_ =	shalt  }
0x81: {  	_ =	shalt  }
0x82: {  	_ =	shalt  }
0x83: {  	_ =	shalt  }
0x84: {  	_ =	shalt  }
0x85: {  	_ =	shalt  }
0x86: {  	_ =	shalt  }
0x87: {  	_ =	shalt  }
.Lfunc_end0:
.L_simem_size_0:
called_computation_lowered:
.L_overlay_start_0:
0x88: {  	s2 =	sld [smem:$0x3FD9]  }
0x89: {  	s3 =	sld [smem:$0x3FFE];
	_ =	sdelay $0x1  }
0x8a: {  	s1 =	srdreg.scid  }
0x8b: {  	s0 =	sand.u32 $0x1, s1  }
0x8c: {  	s16 =	sshll.u32 s0, $0xA;
	s2 =	sadd.s32 s3, s2  }
0x8d: {  	s2 =	sadd.s32 s2, s16  }
0x8e: {  	[smem:$0x3FBD] =	sst s2  }
0x8f: {  	_ = 	snop  }
0x90: {  	(tm) =	ssettm $0x1  }
0x91: {  	s17 =	sld [smem:$0x3FFB];
	_ =	sdelay $0x3  }
0x92: {  	_ =	strace s17  }
0x93: {  	s2 =	sld [smem:$0x3FFC];
	_ =	sdelay $0x3  }
0x94: {  	_ =	strace s2  }
0x95: {  	s2 =	sld [smem:$0x3FFD];
	_ =	sdelay $0x3  }
0x96: {  	_ =	strace s2  }
0x97: {  	_ =	strace $0x8FFFFFFF  }
0x98: {  	s18 =	sld [smem:$0x3FDB];
	_ =	sdelay $0x1  }
0x99: {  	s19 =	simm.s32 $_scs_section_size  }
0x9a: {  	s4 =	simm.s32 $_size__tile_overlayer_lowered;
	s5 =	simm.s32 $_tile_overlayer_lowered  }
0x9b: {  	s22 =	simm.s32 $0x1BFF;
	s21 =	sshll.u32 s5, $0x1;
	s2 =	sadd.s32 s19, s18  }
0x9c: {  	s6 =	simm.s32 $0x0;
	s20 =	sshll.u32 s4, $0x1;
	s4 =	sadd.s32 s21, s2  }
0x9d: {  	[timem:s6], [sflag:s22] =	dma.local [hbm:s4], s20  }
0x9e: {  	_ =	swait.ge [sflag:s22], s20  }
0x9f: {  	s3 =	ssub.s32 $0x0, s20;
	[sflag:s22] =	ssyncset.done $0x0  }
0xa0: {  	[sflag:s22] =	ssyncadd.s32 s3;
	_ =	sdelay $0x1  }
0xa1: {  	s23 =	simm.s32 $0x1B8B  }
0xa2: {  	_ =	swait.ge [sflag:s23], $0x1  }
0xa3: {  	[sflag:s23] =	ssyncset.done $0x0  }
0xa4: {  	s25 =	simm.s32 $0x1B8E;
	s24 =	sld [smem:$0x3FFE];
	[sflag:s23] =	ssyncadd.s32 $0xFFFFFFFF  }
0xa5: {  	s26 =	simm.s32 $execute0_lowered;
	[smem:$0x3FD2] =	sst s25  }
0xa6: {  	s4 =	sshll.u32 s26, $0x1;
	_ =	strace $0x80000046;
	[dreg:$0x1] =	wrdreg $0xFFFFFFFF  }
0xa7: {  	s28 =	simm.s32 $_size_execute0_lowered;
	s2 =	sadd.s32 s2, s4;
	[dreg:$0x0] =	wrdreg $0x0  }
0xa8: {  	s4 =	sshll.u32 s28, $0x1;
	[dreg:$0x2] =	wrdreg s2  }
0xa9: {  	[dreg:$0x3] =	wrdreg s4  }
0xaa: {  	[dreg:$0x4] =	wrdreg $0xC0  }
0xab: {  	_ =	task [dreg:s6], $0x5FFFF  }
0xac: {  	[dreg:$0x1] =	wrdreg $0xFFFFFFFF  }
0xad: {  	[dreg:$0x0] =	wrdreg $0x60  }
0xae: {  	[dreg:$0x2] =	wrdreg s24  }
0xaf: {  	[dreg:$0x3] =	wrdreg $0x68000  }
0xb0: {  	[dreg:$0x4] =	wrdreg $0x9  }
0xb1: {  	_ =	task.clear_ibuf [dreg:s6], $0x5FFFF;
	_ =	strace $0x90000046  }
0xb2: {  	s29 =	simm.s32 $0x9;
	_ =	strace $0x80000048  }
0xb3: {  	_ =	swait.ge [sflag:s29], $0x1  }
0xb4: {  	[sflag:s29] =	ssyncadd.s32 $0xFFFFFFFF  }
0xb5: {  	_ =	strace $0x90000048  }
0xb6: {  	_ =	sfence  }
0xb7: {  	s30 =	sld [smem:$0x0];
	_ =	sdelay $0x2  }
0xb8: {  	s31 =	sshll.u32 s1, $0xD;
	s1 =	sshrl.u32 s1, $0x2  }
0xb9: {  	s3 =	sand.u32 $0x4000, s31;
	s1 =	sadd.s32 s1, s30  }
0xba: {  	s0 =	sor.u32 s3, s0;
	s1 =	sshll.u32 s1, $0x11  }
0xbb: {  	s0 =	sor.u32 s1, s0  }
0xbc: {  	s0 =	sadd.s32 $0x8F2B, s0  }
0xbd: {  	[sflag:s0] =	ssyncadd.remote.s32 $0x1  }
0xbe: {  	_ =	sfence.sel $0xFFFF  }
0xbf: {  	[dreg:$0x0] =	wrdreg $0xFFFFFFFF;
	(pc) =	sbr.abs _section_cstart, $3  }
0xc0: {  	[dreg:$0x1] =	wrdreg $0xFFFFFFFF  }
0xc1: {  	_ =	task.clear_ibuf [dreg:s6], $0x2FFFF;
	_ =	strace $0x9FFFFFFF  }
0xc2: {  	(tm) =	ssettm $0x7FFFFFFF  }
0xc3: {  	_ =	shalt  }
tec
execute0_lowered:
.L_overlay_start_1:
0x0: {  	(tag) =	ssettag $0x1  }
0x1: {  	s6 =	rddreg [dreg:$0x0]  }
0x2: {  	s0 =	srdreg.scid;
	s2 =	rddreg [dreg:$0x1];
	s3 =	simm.s32 $0x0  }
0x3: {  	s12 =	simm.s32 $0x2800;
	s13 =	simm.s32 $0x7D;
	s5 =	sand.u32 $0x1, s0  }
0x4: {  	s14 =	simm.s32 $0x0;
	s0 =	stileid.u32;
	s7 =	smul.u32 $0x138800, s5  }
0x5: {  	[smem:$0x7FF] =	sst s3;
	s1 =	sshll.u32 s5, $0x4;
	s8 =	smul.u32 $0x1F400, s0  }
0x6: {  	s30 =	ssub.s32 $0x2, s5;
	s10 =	smul.u32 $0x7D000, s0;
	s5 =	sadd.s32 $0xD200, s6  }
0x7: {  	p0 =	sgt.u32 s0, $0x9;
	s1 =	sor.u32 s0, s1;
	s11 =	sshrl.u32 s30, $0x1  }
0x8: {  	s4 =	smul.u32 $0x500, s1;
	s1 =	rddreg [dreg:$0x2];
	_ =	strace $0x80000047  }
0x9: {  	s7 =	sadd.s32 s8, s7;
	s8 =	ssub.s32 s30, s11;
	s31 =	sshrl.u32 s10, $0x2  }
0xa: {  	s11 =	simm.s32 $0x1;
	s7 =	sshrl.u32 s7, $0x3;
	s10 =	sadd.s32 s31, s2  }
0xb: {  	s8 =	smax.u32 s8, $0x1;
	s9 =	sadd.s32 s4, s6;
	s4 =	sadd.s32 $0x11200, s6  }
0xc: {  	s7 =	sadd.s32 s7, s6;
	s6 =	sadd.s32 $0x3200, s9;
	s9 =	sshll.u32 @!p0 s0, $0x6  }
0xd: {  	s10 =	sshrl.u32 @!p0 s10, $0x3;
	s7 =	sadd.s32 $0x11A00, s7;
	s9 =	sor.u32 @!p0 $0x1C01, s9  }
.LBB2_1:
0xe: {  	[spmem:s10], [sflag:s9] =	dma.local @!p0 [hbm:s5], $0x3E80  }
0xf: {  	s15 =	simm.s32 @!p0 $0x1  }
0x10: {  	_ =	swait.ge @!p0 [sflag:s15], $0x3E80  }
0x11: {  	[sflag:s15] =	ssyncset.done @!p0 $0x0  }
0x12: {  	[sflag:s15] =	ssyncadd.s32 @!p0 $0xFFFFC180  }
0x13: {  	[tilespmem:s3], [sflag:$0x1] =	stream.linear.gather [hbm4b:s6+s3], $0x2800, $0x38;
	[tilespmem:$0x8F10] =	vst v63  }
0x14: {  	_ =	swait.ge [sflag:s11], $0x2800  }
0x15: {  	[sflag:s11] =	ssyncset.done $0x0  }
0x16: {  	[sflag:s11] =	ssyncadd.s32 $0xFFFFD800  }
0x17: {  	[tilespmem:s12], [sflag:$0x1] =	stream.linear.gather [hbm4b:s4+s3], $0x3E80, $0x38;
	[tilespmem:$0x8F10] =	vst v63  }
0x18: {  	_ =	swait.ge [sflag:s11], $0x3E80  }
0x19: {  	[sflag:s11] =	ssyncset.done $0x0  }
0x1a: {  	[sflag:s11] =	ssyncadd.s32 $0xFFFFC180  }
0x1b: {  	s31 =	simm.s32 $0x0;
	[bflag:$0x0] =	sbarrier.arrive $0xFFFF  }
0x1c: {  	[spmem:s2] =	stream.indirect.scatter.add.f32 [tilespmem:s12], [sflag:$0x1], $0x10, s31, s13, $0xb8;
	[tilespmem:$0x8F10] =	vst v63  }
0x1d: {  	_ =	swait.ge [sflag:s11], $0x7D0  }
0x1e: {  	s15 =	simm.s32 $0x200;
	[sflag:s11] =	ssyncset.done $0x0  }
.LBB2_2:
0x1f: {  	s16 =	sshra.s32 s15, $0x2;
	[sflag:s11] =	ssyncadd.s32 $0xFFFFF830;
	p1 =	sne.s32 s15, $0x9E00  }
0x20: {  	[spmem:s2] =	stream.indirect.scatter.add.f32 [tilespmem:s12], [sflag:$0x1], $0x10, s16, s13, $0xb8;
	[tilespmem:$0x8F10] =	vst v63  }
.Ltmp0:
0x21: {  	_ = 	snop;
	(pc) =	sbr.rel @p1 .LBB2_2-.Ltmp0, $4  }
0x22: {  	_ = 	snop  }
0x23: {  	s15 =	sadd.s32 $0x200, s15  }
0x24: {  	_ =	swait.ge [sflag:s11], $0x7D0  }
0x25: {  	[sflag:s11] =	ssyncset.done $0x0  }
0x26: {  	s14 =	sadd.s32 $0x1, s14  }
0x27: {  	[sflag:s11] =	ssyncadd.s32 $0xFFFFF830;
	p1 =	sne.s32 s14, s8  }
.Ltmp1:
0x28: {  	s15 =	simm.s32 @!p0 $0x1;
	[bflag:$0x0] =	sbarrier.arrive $0xFFFF;
	(pc) =	sbr.rel @p1 .LBB2_1-.Ltmp1, $4  }
0x29: {  	[hbm:s7], [sflag:s9] =	dma.local @!p0 [spmem:s10], $0x3E80  }
0x2a: {  	_ =	swait.ge @!p0 [sflag:s15], $0x3E80  }
0x2b: {  	[sflag:s15] =	ssyncset.done @!p0 $0x0  }
0x2c: {  	[sflag:s15] =	ssyncadd.s32 @!p0 $0xFFFFC180  }
0x2d: {  	_ =	sfence.sel $0x180000  }
0x2e: {  	[bflag:$0x0] =	sbarrier.arrive $0xFFFF  }
0x2f: {  	p0 =	sne.s32 s0, $0x0;
	_ =	strace $0x90000047  }
0x30: {  	s0 =	sadd.s32 @!p0 $0x100000, s1;
	[bflag:$0x2] =	sbarrier.arrive $0xFFFF  }
0x31: {  	[sflag:s0] =	ssyncadd.tile.s32 @!p0 $0x1;
	_ =	shalt  }
.Lfunc_end2:
_tile_overlayer_lowered:
.L_overlay_start_2:
0x32: {  	(tag) =	ssettag $0x2  }
0x33: {  	s0 =	rddreg [dreg:$0x0];
	s2 =	stileid.u32  }
0x34: {  	s1 =	rddreg [dreg:$0x1];
	p0 =	sne.s32 s2, $0x0  }
0x35: {  	s3 =	rddreg [dreg:$0x2];
	[bflag:$0x3] =	sbarrier.arrive $0xFFFF;
	s2 =	simm.s32 @!p0 $0x1C01  }
0x36: {  	[timem:s3], [sflag:s2] =	dma.local @!p0 [hbm:s0], s1  }
0x37: {  	s0 =	simm.s32 @!p0 $0x1  }
0x38: {  	_ =	swait.ge @!p0 [sflag:s0], s1  }
0x39: {  	s1 =	ssub.s32 @!p0 $0x0, s1;
	[sflag:s0] =	ssyncset.done @!p0 $0x0  }
0x3a: {  	[sflag:s0] =	ssyncadd.s32 @!p0 s1  }
0x3b: {  	[bflag:$0x3] =	sbarrier.arrive $0xFFFF  }
0x3c: {  	_ =	shalt  }

</sc_bundles>
